<compile_context>
chip_gen: v7x
topology: tpu7x:2x2x1
jax: 0.10.2.dev20260603
libtpu: 0.0.44.dev20260713+nightly
codegen_flags: <defaults>
</compile_context>

<pallas_src>
import functools

import numpy as np
import jax
import jax.numpy as jnp
from jax import lax
from jax.experimental import pallas as pl
from jax.experimental.pallas import tpu as pltpu
from jax.experimental.pallas import tpu_sc as plsc

B = 2
NQ = 4096
NKV = 4096
C = 384
NH = 6
HD = C // NH
SR = 2
NS = 1024
SCALE = HD ** -0.5
VB = 128
KC = C + NH * VB
INV4 = 1.0 / (4.0 + 1e-6)
EPS = 1e-5
N_INIT = 128 * 128
CHUNK = 128


def _build_perm():
    kh = np.arange(2).reshape(2, 1, 1, 1, 1, 1)
    kw = np.arange(2).reshape(1, 2, 1, 1, 1, 1)
    a = np.arange(2).reshape(1, 1, 2, 1, 1, 1)
    b = np.arange(2).reshape(1, 1, 1, 2, 1, 1)
    r = np.arange(32).reshape(1, 1, 1, 1, 32, 1)
    c = np.arange(32).reshape(1, 1, 1, 1, 1, 32)
    i = 4 * r + 2 * kh + a
    j = 4 * c + 2 * kw + b
    return (i * 128 + j).reshape(-1).astype(np.int32)


_PERM = _build_perm()


def _sc_gather(table, idx2d):
    info = plsc.get_sparse_core_info()
    nw = info.num_cores * info.num_subcores
    per_w = N_INIT // nw
    nch = per_w // CHUNK
    mesh = plsc.VectorSubcoreMesh(core_axis_name="c", subcore_axis_name="s")

    @functools.partial(
        pl.kernel,
        mesh=mesh,
        out_type=jax.ShapeDtypeStruct((N_INIT, C), jnp.float32),
        scratch_types=[
            pltpu.VMEM((nch, CHUNK), jnp.int32),
            pltpu.VMEM((CHUNK, C), jnp.float32),
            pltpu.VMEM((CHUNK, C), jnp.float32),
            pltpu.SemaphoreType.DMA,
            pltpu.SemaphoreType.DMA,
        ],
    )
    def gk(table_hbm, idx_hbm, out_hbm, idx_v, buf0, buf1, sem0, sem1):
        wid = lax.axis_index("s") * info.num_cores + lax.axis_index("c")
        base = wid * per_w
        pltpu.sync_copy(idx_hbm.at[pl.ds(wid * nch, nch)], idx_v)
        bufs, sems = (buf0, buf1), (sem0, sem1)
        handles = [None, None]
        handles[0] = pltpu.async_copy(table_hbm.at[idx_v.at[0]], buf0, sem0)
        for ci in range(nch):
            t = ci % 2
            if ci + 1 < nch:
                handles[1 - t] = pltpu.async_copy(
                    table_hbm.at[idx_v.at[ci + 1]], bufs[1 - t], sems[1 - t])
            handles[t].wait()
            pltpu.sync_copy(bufs[t],
                            out_hbm.at[pl.ds(base + ci * CHUNK, CHUNK)])

    return gk(table, idx2d)


def _kv_path(g4, w2s, srb, lng, lnb, wkv, augb):
    BCC = 256

    def body(g_ref, w2_ref, srb_ref, lng_ref, lnb_ref, wkv_ref, augb_ref,
             out_ref):
        acc = jnp.broadcast_to(srb_ref[...], (BCC, C)).astype(jnp.float32)
        for k in range(4):
            mk = (g_ref[k, 0] + g_ref[k, 1] + g_ref[k, 2] + g_ref[k, 3])
            acc = acc + jnp.dot(mk.astype(jnp.bfloat16), w2_ref[k],
                                preferred_element_type=jnp.float32)
        mu = jnp.mean(acc, axis=-1, keepdims=True)
        xc = acc - mu
        var = jnp.mean(xc * xc, axis=-1, keepdims=True)
        ln = xc * lax.rsqrt(var + EPS) * lng_ref[...] + lnb_ref[...]
        kv2 = jnp.dot(ln.astype(jnp.bfloat16), wkv_ref[...],
                      preferred_element_type=jnp.float32) + augb_ref[...]
        out_ref[...] = kv2.astype(jnp.bfloat16)

    return pl.pallas_call(
        body,
        grid=(NS // BCC,),
        in_specs=[
            pl.BlockSpec((4, 4, BCC, C), lambda i: (0, 0, i, 0)),
            pl.BlockSpec((4, C, C), lambda i: (0, 0, 0)),
            pl.BlockSpec((1, C), lambda i: (0, 0)),
            pl.BlockSpec((1, C), lambda i: (0, 0)),
            pl.BlockSpec((1, C), lambda i: (0, 0)),
            pl.BlockSpec((C, KC), lambda i: (0, 0)),
            pl.BlockSpec((1, KC), lambda i: (0, 0)),
        ],
        out_specs=pl.BlockSpec((BCC, KC), lambda i: (i, 0)),
        out_shape=jax.ShapeDtypeStruct((NS, KC), jnp.bfloat16),
    )(g4, w2s, srb, lng, lnb, wkv, augb)


def _attention(q_x, wqs, kv, wp, bp, out_prev, bsel):
    BQ = 1024

    def body(qx_ref, wq_ref, kv_ref, wp_ref, bp_ref, *rest):
        out_ref = rest[-1]
        q = jnp.dot(qx_ref[0].astype(jnp.bfloat16), wq_ref[...],
                    preferred_element_type=jnp.float32).astype(jnp.bfloat16)
        outs = []
        for h in range(NH):
            qh = q[:, h * HD:(h + 1) * HD]
            kh = kv_ref[:, h * HD:(h + 1) * HD]
            vaug = kv_ref[:, C + h * VB:C + (h + 1) * VB]
            s = lax.dot_general(qh, kh, (((1,), (1,)), ((), ())),
                                preferred_element_type=jnp.float32)
            m = jnp.max(s, axis=-1, keepdims=True)
            p = jnp.exp(s - m).astype(jnp.bfloat16)
            od = jnp.dot(p, vaug, preferred_element_type=jnp.float32)
            outs.append(od[:, :HD] / od[:, HD:HD + 1])
        acc = jnp.concatenate(outs, axis=-1)
        out_ref[0] = jnp.dot(acc.astype(jnp.bfloat16), wp_ref[...],
                             preferred_element_type=jnp.float32) + bp_ref[...]

    in_specs = [
        pl.BlockSpec((1, BQ, C), lambda i: (bsel, i, 0)),
        pl.BlockSpec((C, C), lambda i: (0, 0)),
        pl.BlockSpec((NS, KC), lambda i: (0, 0)),
        pl.BlockSpec((C, C), lambda i: (0, 0)),
        pl.BlockSpec((1, C), lambda i: (0, 0)),
    ]
    args = [q_x, wqs, kv, wp, bp]
    aliases = {}
    if out_prev is not None:
        in_specs.append(pl.BlockSpec((1, BQ, C), lambda i: (bsel, i, 0)))
        args.append(out_prev)
        aliases = {5: 0}
    return pl.pallas_call(
        body,
        grid=(NQ // BQ,),
        in_specs=in_specs,
        out_specs=pl.BlockSpec((1, BQ, C), lambda i: (bsel, i, 0)),
        out_shape=jax.ShapeDtypeStruct((B, NQ, C), jnp.float32),
        input_output_aliases=aliases,
    )(*args)


def kernel(q_x, kv_x, idx_token, Wq, Wkv, sr_w, sr_b, ln_g, ln_b, Wp, bp):
    idx32 = idx_token.astype(jnp.int32)
    w2s = (jnp.transpose(sr_w, (2, 3, 1, 0)).reshape(4, C, C)
           * INV4).astype(jnp.bfloat16)
    wqs = (Wq * SCALE).astype(jnp.bfloat16)
    wkv16 = jnp.zeros((C, KC), jnp.bfloat16)
    wkv16 = wkv16.at[:, :C].set(Wkv[:, :C].astype(jnp.bfloat16))
    for h in range(NH):
        wkv16 = wkv16.at[:, C + h * VB:C + h * VB + HD].set(
            Wkv[:, C + h * HD:C + (h + 1) * HD].astype(jnp.bfloat16))
    augb = jnp.zeros((1, KC), jnp.float32)
    augb = augb.at[0, C + HD + VB * np.arange(NH)].set(1.0)
    wp16 = Wp.astype(jnp.bfloat16)
    srb = sr_b.reshape(1, C)
    lng = ln_g.reshape(1, C)
    lnb = ln_b.reshape(1, C)
    bp2 = bp.reshape(1, C)
    table = kv_x.reshape(B * NKV, C)
    out = None
    for b in range(B):
        idx2d = (idx32[b, _PERM] + b * NKV).reshape(N_INIT // CHUNK, CHUNK)
        g = _sc_gather(table, idx2d)
        g4 = g.reshape(4, 4, NS, C)
        srb_b = srb if b == 0 else srb + out[0, :1, :] * 0.0
        kv = _kv_path(g4, w2s, srb_b, lng, lnb, wkv16, augb)
        out = _attention(q_x, wqs, kv, wp16, bp2, out, b)
    return out

# --- scband reference (transcript-rebuilt; emitter-appended) ---
"""Pipeline reference for scband-tcformer-dynamic-attention-28063316312345 (READ-ONLY COPY).

The authoritative reference and input builder live on the scoring server;
editing this copy changes nothing except your own understanding.
"""

import jax, jax.numpy as jnp
import numpy as np

B, Nq, Nkv, C = 2, 4096, 4096, 384
H, W = 64, 64
H_init, W_init = 128, 128
num_heads = 6
sr_ratio = 2
head_dim = C // num_heads
scale = head_dim ** -0.5


def setup_inputs(seed: int = 0):
    key = jax.random.key(seed)
    ks = jax.random.split(key, 8)
    inp = {}
    inp['q_x'] = jax.random.normal(ks[0], (B, Nq, C), jnp.float32)
    inp['kv_x'] = jax.random.normal(ks[1], (B, Nkv, C), jnp.float32)
    inp['idx_token'] = jax.random.randint(ks[2], (B, H_init * W_init), 0, Nkv)
    inp['Wq'] = jax.random.normal(ks[3], (C, C), jnp.float32) * 0.02
    inp['Wkv'] = jax.random.normal(ks[4], (C, 2 * C), jnp.float32) * 0.02
    inp['sr_w'] = jax.random.normal(ks[5], (C, C, sr_ratio, sr_ratio), jnp.float32) * 0.05
    inp['sr_b'] = jnp.zeros((C,), jnp.float32)
    inp['ln_g'] = jnp.ones((C,), jnp.float32)
    inp['ln_b'] = jnp.zeros((C,), jnp.float32)
    inp['Wp'] = jax.random.normal(ks[6], (C, C), jnp.float32) * 0.02
    inp['bp'] = jnp.zeros((C,), jnp.float32)
    return inp


def _get_grid_index():
    # torch F.interpolate(mode='nearest') of arange(H*W).reshape(H,W) up to (H_init,W_init)
    src_h = (jnp.arange(H_init) * H) // H_init
    src_w = (jnp.arange(W_init) * W) // W_init
    return (src_h[:, None] * W + src_w[None, :]).reshape(-1)


def _token2map(x, idx_token):
    # x: [B, N, Cx] -> [B, Cx, H, W]; sparse-matmul branch (N_init < N*H*W)
    Cx = x.shape[-1]
    idx_hw = _get_grid_index()  # [N_init]

    def per_batch(xb, idxb):
        counts = jax.ops.segment_sum(jnp.ones(idx_hw.shape, jnp.float32), idx_hw, num_segments=H * W)
        all_weight = counts + 1e-06
        value = 1.0 / all_weight[idx_hw]
        gathered = xb[idxb] * value[:, None]
        return jax.ops.segment_sum(gathered, idx_hw, num_segments=H * W)

    out = jax.vmap(per_batch)(x, idx_token)  # [B, H*W, Cx]
    return out.reshape(B, H, W, Cx).transpose(0, 3, 1, 2)


def _layernorm(x, g, b):
    mu = x.mean(-1, keepdims=True)
    var = x.var(-1, keepdims=True)
    return (x - mu) / jnp.sqrt(var + 1e-05) * g + b


def reference(q_x, kv_x, idx_token, Wq, Wkv, sr_w, sr_b, ln_g, ln_b, Wp, bp):
    conf_kv = jnp.zeros((B, Nkv, 1), jnp.float32)
    q = (q_x @ Wq).reshape(B, Nq, num_heads, head_dim).transpose(0, 2, 1, 3)
    tmp = jnp.concatenate([kv_x, conf_kv], axis=-1)
    tmp = _token2map(tmp, idx_token)  # [B, C+1, H, W]
    kv = tmp[:, :C]
    conf = tmp[:, C:]
    kv = jax.lax.conv_general_dilated(kv, sr_w, (sr_ratio, sr_ratio), 'VALID', dimension_numbers=('NCHW', 'OIHW', 'NCHW')) + sr_b[None, :, None, None]
    Hs, Ws = H // sr_ratio, W // sr_ratio
    Ns = Hs * Ws
    kv = kv.reshape(B, C, Ns).transpose(0, 2, 1)
    kv = _layernorm(kv, ln_g, ln_b)
    conf = conf.reshape(B, 1, Hs, sr_ratio, Ws, sr_ratio).mean(axis=(3, 5))
    conf = conf.reshape(B, 1, Ns).transpose(0, 2, 1)  # [B, Ns, 1]
    kv2 = (kv @ Wkv).reshape(B, Ns, 2, num_heads, head_dim).transpose(2, 0, 3, 1, 4)
    k, v = kv2[0], kv2[1]
    attn = (q * scale) @ jnp.swapaxes(k, -2, -1)
    attn = attn + conf[:, :, 0][:, None, None, :]
    attn = jax.nn.softmax(attn, axis=-1)
    x = (attn @ v).transpose(0, 2, 1, 3).reshape(B, Nq, C)
    x = x @ Wp + bp
    return x

if __name__ == "__main__":
    import jax
    _d = setup_inputs()
    print(jax.jit(kernel)(*tuple(_d.values())))

</pallas_src>

<mosaic_0001>
#map = affine_map<(d0, d1) -> (0, 0)>
module attributes {stable_mosaic.version = 14 : i64} {
  func.func @gk(%arg0: i32, %arg1: i32, %arg2: memref<8192x384xf32, #tpu.memory_space<hbm>>, %arg3: memref<128x128xi32, #tpu.memory_space<hbm>>, %arg4: memref<16384x384xf32, #tpu.memory_space<hbm>>, %arg5: memref<4x128xi32, #tpu.memory_space<vmem>>, %arg6: memref<128x384xf32, #tpu.memory_space<vmem>>, %arg7: memref<128x384xf32, #tpu.memory_space<vmem>>, %arg8: memref<!tpu.dma_semaphore, #tpu.memory_space<semaphore_mem>>, %arg9: memref<!tpu.dma_semaphore, #tpu.memory_space<semaphore_mem>>) attributes {dimension_semantics = [#tpu.dimension_semantics<core_parallel>, #tpu.dimension_semantics<subcore_parallel>], iteration_bounds = array<i64: 2, 16>, scalar_prefetch = 0 : i64, scratch_operands = 5 : i64, tpu.core_type = #tpu.core_type<sc_vector_subcore>, window_params = [{transform_indices = #map}, {transform_indices = #map}, {transform_indices = #map}]} {
    %mul3A = arith.constant 2 : i32
    %mul3A_0 = arith.muli %arg1, %mul3A : i32
    %add3A = arith.addi %mul3A_0, %arg0 : i32
    %mul3A_1 = arith.constant 512 : i32
    %mul3A_2 = arith.muli %add3A, %mul3A_1 : i32
    %mul3A_3 = arith.constant 4 : i32
    %mul3A_4 = arith.muli %add3A, %mul3A_3 : i32
    "tpu.region"() ({
      %run_scoped3A = tpu.sem_alloc : memref<!tpu.dma_semaphore, #tpu.memory_space<semaphore_mem>>
      %dma_start3A_67 = arith.constant 0 : i32
      %dma_start3A_68 = tpu.memref_slice %arg3[%mul3A_4, %dma_start3A_67] : memref<128x128xi32, #tpu.memory_space<hbm>> -> memref<4x128xi32, #tpu.memory_space<hbm>>
      %dma_start3A_69 = arith.constant 0 : i32
      %dma_start3A_70 = tpu.memref_slice %arg3[%mul3A_4, %dma_start3A_69] : memref<128x128xi32, #tpu.memory_space<hbm>> -> memref<4x128xi32, #tpu.memory_space<hbm>>
      tpu.enqueue_dma source(%dma_start3A_70 : memref<4x128xi32, #tpu.memory_space<hbm>>) target(%arg5 : memref<4x128xi32, #tpu.memory_space<vmem>>) target_semaphore(%run_scoped3A : memref<!tpu.dma_semaphore, #tpu.memory_space<semaphore_mem>>)
      %dma_wait3A_71 = arith.constant 0 : i32
      %dma_wait3A_72 = tpu.memref_slice %arg3[%mul3A_4, %dma_wait3A_71] : memref<128x128xi32, #tpu.memory_space<hbm>> -> memref<4x128xi32, #tpu.memory_space<hbm>>
      %dma_wait3A_73 = arith.constant 0 : i32
      %dma_wait3A_74 = tpu.memref_slice %arg3[%mul3A_4, %dma_wait3A_73] : memref<128x128xi32, #tpu.memory_space<hbm>> -> memref<4x128xi32, #tpu.memory_space<hbm>>
      tpu.wait_dma2 semaphore(%run_scoped3A : memref<!tpu.dma_semaphore, #tpu.memory_space<semaphore_mem>>) src(%dma_wait3A_74 : memref<4x128xi32, #tpu.memory_space<hbm>>) dst(%arg5 : memref<4x128xi32, #tpu.memory_space<vmem>>)
      tpu.yield
    }) : () -> ()
    %dma_start3A = arith.constant 0 : i32
    %dma_start3A_5 = arith.constant 0 : i32
    %dma_start3A_6 = tpu.memref_slice %arg5[%dma_start3A, %dma_start3A_5] : memref<4x128xi32, #tpu.memory_space<vmem>> -> memref<1x128xi32, #tpu.memory_space<vmem>>
    %dma_start3A_7 = tpu.memref_squeeze %dma_start3A_6 : memref<1x128xi32, #tpu.memory_space<vmem>> -> memref<128xi32, #tpu.memory_space<vmem>>
    %dma_start3A_8 = arith.constant 0 : i32
    %dma_start3A_9 = arith.constant 0 : i32
    %dma_start3A_10 = tpu.memref_slice %arg2[%dma_start3A_8, %dma_start3A_9] : memref<8192x384xf32, #tpu.memory_space<hbm>> -> memref<8192x384xf32, #tpu.memory_space<hbm>>
    tpu.enqueue_indirect_dma source(%dma_start3A_10 : memref<8192x384xf32, #tpu.memory_space<hbm>>) target(%arg6 : memref<128x384xf32, #tpu.memory_space<vmem>>) offsets(%dma_start3A_7 : memref<128xi32, #tpu.memory_space<vmem>>) semaphore(%arg8 : memref<!tpu.dma_semaphore, #tpu.memory_space<semaphore_mem>>)
    %dma_start3A_11 = arith.constant 1 : i32
    %dma_start3A_12 = arith.constant 0 : i32
    %dma_start3A_13 = tpu.memref_slice %arg5[%dma_start3A_11, %dma_start3A_12] : memref<4x128xi32, #tpu.memory_space<vmem>> -> memref<1x128xi32, #tpu.memory_space<vmem>>
    %dma_start3A_14 = tpu.memref_squeeze %dma_start3A_13 : memref<1x128xi32, #tpu.memory_space<vmem>> -> memref<128xi32, #tpu.memory_space<vmem>>
    %dma_start3A_15 = arith.constant 0 : i32
    %dma_start3A_16 = arith.constant 0 : i32
    %dma_start3A_17 = tpu.memref_slice %arg2[%dma_start3A_15, %dma_start3A_16] : memref<8192x384xf32, #tpu.memory_space<hbm>> -> memref<8192x384xf32, #tpu.memory_space<hbm>>
    tpu.enqueue_indirect_dma source(%dma_start3A_17 : memref<8192x384xf32, #tpu.memory_space<hbm>>) target(%arg7 : memref<128x384xf32, #tpu.memory_space<vmem>>) offsets(%dma_start3A_14 : memref<128xi32, #tpu.memory_space<vmem>>) semaphore(%arg9 : memref<!tpu.dma_semaphore, #tpu.memory_space<semaphore_mem>>)
    %dma_wait3A = arith.constant 0 : i32
    %dma_wait3A_18 = arith.constant 0 : i32
    %dma_wait3A_19 = tpu.memref_slice %arg5[%dma_wait3A, %dma_wait3A_18] : memref<4x128xi32, #tpu.memory_space<vmem>> -> memref<1x128xi32, #tpu.memory_space<vmem>>
    %dma_wait3A_20 = tpu.memref_squeeze %dma_wait3A_19 : memref<1x128xi32, #tpu.memory_space<vmem>> -> memref<128xi32, #tpu.memory_space<vmem>>
    %dma_wait3A_21 = arith.constant 0 : i32
    %dma_wait3A_22 = arith.constant 0 : i32
    %dma_wait3A_23 = tpu.memref_slice %arg2[%dma_wait3A_21, %dma_wait3A_22] : memref<8192x384xf32, #tpu.memory_space<hbm>> -> memref<8192x384xf32, #tpu.memory_space<hbm>>
    tpu.wait_indirect_dma semaphore(%arg8 : memref<!tpu.dma_semaphore, #tpu.memory_space<semaphore_mem>>) src(%dma_wait3A_23 : memref<8192x384xf32, #tpu.memory_space<hbm>>) dst(%arg6 : memref<128x384xf32, #tpu.memory_space<vmem>>)
    %add3A_24 = arith.constant 0 : i32
    %add3A_25 = arith.addi %mul3A_2, %add3A_24 : i32
    "tpu.region"() ({
      %run_scoped3A = tpu.sem_alloc : memref<!tpu.dma_semaphore, #tpu.memory_space<semaphore_mem>>
      %dma_start3A_67 = arith.constant 0 : i32
      %dma_start3A_68 = tpu.memref_slice %arg4[%add3A_25, %dma_start3A_67] : memref<16384x384xf32, #tpu.memory_space<hbm>> -> memref<128x384xf32, #tpu.memory_space<hbm>>
      %dma_start3A_69 = arith.constant 0 : i32
      %dma_start3A_70 = tpu.memref_slice %arg4[%add3A_25, %dma_start3A_69] : memref<16384x384xf32, #tpu.memory_space<hbm>> -> memref<128x384xf32, #tpu.memory_space<hbm>>
      tpu.enqueue_dma source(%arg6 : memref<128x384xf32, #tpu.memory_space<vmem>>) target(%dma_start3A_70 : memref<128x384xf32, #tpu.memory_space<hbm>>) target_semaphore(%run_scoped3A : memref<!tpu.dma_semaphore, #tpu.memory_space<semaphore_mem>>)
      %dma_wait3A_71 = arith.constant 0 : i32
      %dma_wait3A_72 = tpu.memref_slice %arg4[%add3A_25, %dma_wait3A_71] : memref<16384x384xf32, #tpu.memory_space<hbm>> -> memref<128x384xf32, #tpu.memory_space<hbm>>
      %dma_wait3A_73 = arith.constant 0 : i32
      %dma_wait3A_74 = tpu.memref_slice %arg4[%add3A_25, %dma_wait3A_73] : memref<16384x384xf32, #tpu.memory_space<hbm>> -> memref<128x384xf32, #tpu.memory_space<hbm>>
      tpu.wait_dma2 semaphore(%run_scoped3A : memref<!tpu.dma_semaphore, #tpu.memory_space<semaphore_mem>>) src(%arg6 : memref<128x384xf32, #tpu.memory_space<vmem>>) dst(%dma_wait3A_74 : memref<128x384xf32, #tpu.memory_space<hbm>>)
      tpu.yield
    }) : () -> ()
    %dma_start3A_26 = arith.constant 2 : i32
    %dma_start3A_27 = arith.constant 0 : i32
    %dma_start3A_28 = tpu.memref_slice %arg5[%dma_start3A_26, %dma_start3A_27] : memref<4x128xi32, #tpu.memory_space<vmem>> -> memref<1x128xi32, #tpu.memory_space<vmem>>
    %dma_start3A_29 = tpu.memref_squeeze %dma_start3A_28 : memref<1x128xi32, #tpu.memory_space<vmem>> -> memref<128xi32, #tpu.memory_space<vmem>>
    %dma_start3A_30 = arith.constant 0 : i32
    %dma_start3A_31 = arith.constant 0 : i32
    %dma_start3A_32 = tpu.memref_slice %arg2[%dma_start3A_30, %dma_start3A_31] : memref<8192x384xf32, #tpu.memory_space<hbm>> -> memref<8192x384xf32, #tpu.memory_space<hbm>>
    tpu.enqueue_indirect_dma source(%dma_start3A_32 : memref<8192x384xf32, #tpu.memory_space<hbm>>) target(%arg6 : memref<128x384xf32, #tpu.memory_space<vmem>>) offsets(%dma_start3A_29 : memref<128xi32, #tpu.memory_space<vmem>>) semaphore(%arg8 : memref<!tpu.dma_semaphore, #tpu.memory_space<semaphore_mem>>)
    %dma_wait3A_33 = arith.constant 1 : i32
    %dma_wait3A_34 = arith.constant 0 : i32
    %dma_wait3A_35 = tpu.memref_slice %arg5[%dma_wait3A_33, %dma_wait3A_34] : memref<4x128xi32, #tpu.memory_space<vmem>> -> memref<1x128xi32, #tpu.memory_space<vmem>>
    %dma_wait3A_36 = tpu.memref_squeeze %dma_wait3A_35 : memref<1x128xi32, #tpu.memory_space<vmem>> -> memref<128xi32, #tpu.memory_space<vmem>>
    %dma_wait3A_37 = arith.constant 0 : i32
    %dma_wait3A_38 = arith.constant 0 : i32
    %dma_wait3A_39 = tpu.memref_slice %arg2[%dma_wait3A_37, %dma_wait3A_38] : memref<8192x384xf32, #tpu.memory_space<hbm>> -> memref<8192x384xf32, #tpu.memory_space<hbm>>
    tpu.wait_indirect_dma semaphore(%arg9 : memref<!tpu.dma_semaphore, #tpu.memory_space<semaphore_mem>>) src(%dma_wait3A_39 : memref<8192x384xf32, #tpu.memory_space<hbm>>) dst(%arg7 : memref<128x384xf32, #tpu.memory_space<vmem>>)
    %add3A_40 = arith.constant 128 : i32
    %add3A_41 = arith.addi %mul3A_2, %add3A_40 : i32
    "tpu.region"() ({
      %run_scoped3A = tpu.sem_alloc : memref<!tpu.dma_semaphore, #tpu.memory_space<semaphore_mem>>
      %dma_start3A_67 = arith.constant 0 : i32
      %dma_start3A_68 = tpu.memref_slice %arg4[%add3A_41, %dma_start3A_67] : memref<16384x384xf32, #tpu.memory_space<hbm>> -> memref<128x384xf32, #tpu.memory_space<hbm>>
      %dma_start3A_69 = arith.constant 0 : i32
      %dma_start3A_70 = tpu.memref_slice %arg4[%add3A_41, %dma_start3A_69] : memref<16384x384xf32, #tpu.memory_space<hbm>> -> memref<128x384xf32, #tpu.memory_space<hbm>>
      tpu.enqueue_dma source(%arg7 : memref<128x384xf32, #tpu.memory_space<vmem>>) target(%dma_start3A_70 : memref<128x384xf32, #tpu.memory_space<hbm>>) target_semaphore(%run_scoped3A : memref<!tpu.dma_semaphore, #tpu.memory_space<semaphore_mem>>)
      %dma_wait3A_71 = arith.constant 0 : i32
      %dma_wait3A_72 = tpu.memref_slice %arg4[%add3A_41, %dma_wait3A_71] : memref<16384x384xf32, #tpu.memory_space<hbm>> -> memref<128x384xf32, #tpu.memory_space<hbm>>
      %dma_wait3A_73 = arith.constant 0 : i32
      %dma_wait3A_74 = tpu.memref_slice %arg4[%add3A_41, %dma_wait3A_73] : memref<16384x384xf32, #tpu.memory_space<hbm>> -> memref<128x384xf32, #tpu.memory_space<hbm>>
      tpu.wait_dma2 semaphore(%run_scoped3A : memref<!tpu.dma_semaphore, #tpu.memory_space<semaphore_mem>>) src(%arg7 : memref<128x384xf32, #tpu.memory_space<vmem>>) dst(%dma_wait3A_74 : memref<128x384xf32, #tpu.memory_space<hbm>>)
      tpu.yield
    }) : () -> ()
    %dma_start3A_42 = arith.constant 3 : i32
    %dma_start3A_43 = arith.constant 0 : i32
    %dma_start3A_44 = tpu.memref_slice %arg5[%dma_start3A_42, %dma_start3A_43] : memref<4x128xi32, #tpu.memory_space<vmem>> -> memref<1x128xi32, #tpu.memory_space<vmem>>
    %dma_start3A_45 = tpu.memref_squeeze %dma_start3A_44 : memref<1x128xi32, #tpu.memory_space<vmem>> -> memref<128xi32, #tpu.memory_space<vmem>>
    %dma_start3A_46 = arith.constant 0 : i32
    %dma_start3A_47 = arith.constant 0 : i32
    %dma_start3A_48 = tpu.memref_slice %arg2[%dma_start3A_46, %dma_start3A_47] : memref<8192x384xf32, #tpu.memory_space<hbm>> -> memref<8192x384xf32, #tpu.memory_space<hbm>>
    tpu.enqueue_indirect_dma source(%dma_start3A_48 : memref<8192x384xf32, #tpu.memory_space<hbm>>) target(%arg7 : memref<128x384xf32, #tpu.memory_space<vmem>>) offsets(%dma_start3A_45 : memref<128xi32, #tpu.memory_space<vmem>>) semaphore(%arg9 : memref<!tpu.dma_semaphore, #tpu.memory_space<semaphore_mem>>)
    %dma_wait3A_49 = arith.constant 2 : i32
    %dma_wait3A_50 = arith.constant 0 : i32
    %dma_wait3A_51 = tpu.memref_slice %arg5[%dma_wait3A_49, %dma_wait3A_50] : memref<4x128xi32, #tpu.memory_space<vmem>> -> memref<1x128xi32, #tpu.memory_space<vmem>>
    %dma_wait3A_52 = tpu.memref_squeeze %dma_wait3A_51 : memref<1x128xi32, #tpu.memory_space<vmem>> -> memref<128xi32, #tpu.memory_space<vmem>>
    %dma_wait3A_53 = arith.constant 0 : i32
    %dma_wait3A_54 = arith.constant 0 : i32
    %dma_wait3A_55 = tpu.memref_slice %arg2[%dma_wait3A_53, %dma_wait3A_54] : memref<8192x384xf32, #tpu.memory_space<hbm>> -> memref<8192x384xf32, #tpu.memory_space<hbm>>
    tpu.wait_indirect_dma semaphore(%arg8 : memref<!tpu.dma_semaphore, #tpu.memory_space<semaphore_mem>>) src(%dma_wait3A_55 : memref<8192x384xf32, #tpu.memory_space<hbm>>) dst(%arg6 : memref<128x384xf32, #tpu.memory_space<vmem>>)
    %add3A_56 = arith.constant 256 : i32
    %add3A_57 = arith.addi %mul3A_2, %add3A_56 : i32
    "tpu.region"() ({
      %run_scoped3A = tpu.sem_alloc : memref<!tpu.dma_semaphore, #tpu.memory_space<semaphore_mem>>
      %dma_start3A_67 = arith.constant 0 : i32
      %dma_start3A_68 = tpu.memref_slice %arg4[%add3A_57, %dma_start3A_67] : memref<16384x384xf32, #tpu.memory_space<hbm>> -> memref<128x384xf32, #tpu.memory_space<hbm>>
      %dma_start3A_69 = arith.constant 0 : i32
      %dma_start3A_70 = tpu.memref_slice %arg4[%add3A_57, %dma_start3A_69] : memref<16384x384xf32, #tpu.memory_space<hbm>> -> memref<128x384xf32, #tpu.memory_space<hbm>>
      tpu.enqueue_dma source(%arg6 : memref<128x384xf32, #tpu.memory_space<vmem>>) target(%dma_start3A_70 : memref<128x384xf32, #tpu.memory_space<hbm>>) target_semaphore(%run_scoped3A : memref<!tpu.dma_semaphore, #tpu.memory_space<semaphore_mem>>)
      %dma_wait3A_71 = arith.constant 0 : i32
      %dma_wait3A_72 = tpu.memref_slice %arg4[%add3A_57, %dma_wait3A_71] : memref<16384x384xf32, #tpu.memory_space<hbm>> -> memref<128x384xf32, #tpu.memory_space<hbm>>
      %dma_wait3A_73 = arith.constant 0 : i32
      %dma_wait3A_74 = tpu.memref_slice %arg4[%add3A_57, %dma_wait3A_73] : memref<16384x384xf32, #tpu.memory_space<hbm>> -> memref<128x384xf32, #tpu.memory_space<hbm>>
      tpu.wait_dma2 semaphore(%run_scoped3A : memref<!tpu.dma_semaphore, #tpu.memory_space<semaphore_mem>>) src(%arg6 : memref<128x384xf32, #tpu.memory_space<vmem>>) dst(%dma_wait3A_74 : memref<128x384xf32, #tpu.memory_space<hbm>>)
      tpu.yield
    }) : () -> ()
    %dma_wait3A_58 = arith.constant 3 : i32
    %dma_wait3A_59 = arith.constant 0 : i32
    %dma_wait3A_60 = tpu.memref_slice %arg5[%dma_wait3A_58, %dma_wait3A_59] : memref<4x128xi32, #tpu.memory_space<vmem>> -> memref<1x128xi32, #tpu.memory_space<vmem>>
    %dma_wait3A_61 = tpu.memref_squeeze %dma_wait3A_60 : memref<1x128xi32, #tpu.memory_space<vmem>> -> memref<128xi32, #tpu.memory_space<vmem>>
    %dma_wait3A_62 = arith.constant 0 : i32
    %dma_wait3A_63 = arith.constant 0 : i32
    %dma_wait3A_64 = tpu.memref_slice %arg2[%dma_wait3A_62, %dma_wait3A_63] : memref<8192x384xf32, #tpu.memory_space<hbm>> -> memref<8192x384xf32, #tpu.memory_space<hbm>>
    tpu.wait_indirect_dma semaphore(%arg9 : memref<!tpu.dma_semaphore, #tpu.memory_space<semaphore_mem>>) src(%dma_wait3A_64 : memref<8192x384xf32, #tpu.memory_space<hbm>>) dst(%arg7 : memref<128x384xf32, #tpu.memory_space<vmem>>)
    %add3A_65 = arith.constant 384 : i32
    %add3A_66 = arith.addi %mul3A_2, %add3A_65 : i32
    "tpu.region"() ({
      %run_scoped3A = tpu.sem_alloc : memref<!tpu.dma_semaphore, #tpu.memory_space<semaphore_mem>>
      %dma_start3A_67 = arith.constant 0 : i32
      %dma_start3A_68 = tpu.memref_slice %arg4[%add3A_66, %dma_start3A_67] : memref<16384x384xf32, #tpu.memory_space<hbm>> -> memref<128x384xf32, #tpu.memory_space<hbm>>
      %dma_start3A_69 = arith.constant 0 : i32
      %dma_start3A_70 = tpu.memref_slice %arg4[%add3A_66, %dma_start3A_69] : memref<16384x384xf32, #tpu.memory_space<hbm>> -> memref<128x384xf32, #tpu.memory_space<hbm>>
      tpu.enqueue_dma source(%arg7 : memref<128x384xf32, #tpu.memory_space<vmem>>) target(%dma_start3A_70 : memref<128x384xf32, #tpu.memory_space<hbm>>) target_semaphore(%run_scoped3A : memref<!tpu.dma_semaphore, #tpu.memory_space<semaphore_mem>>)
      %dma_wait3A_71 = arith.constant 0 : i32
      %dma_wait3A_72 = tpu.memref_slice %arg4[%add3A_66, %dma_wait3A_71] : memref<16384x384xf32, #tpu.memory_space<hbm>> -> memref<128x384xf32, #tpu.memory_space<hbm>>
      %dma_wait3A_73 = arith.constant 0 : i32
      %dma_wait3A_74 = tpu.memref_slice %arg4[%add3A_66, %dma_wait3A_73] : memref<16384x384xf32, #tpu.memory_space<hbm>> -> memref<128x384xf32, #tpu.memory_space<hbm>>
      tpu.wait_dma2 semaphore(%run_scoped3A : memref<!tpu.dma_semaphore, #tpu.memory_space<semaphore_mem>>) src(%arg7 : memref<128x384xf32, #tpu.memory_space<vmem>>) dst(%dma_wait3A_74 : memref<128x384xf32, #tpu.memory_space<hbm>>)
      tpu.yield
    }) : () -> ()
    return
  }
}

#map = affine_map<(d0, d1) -> (0, 0)>
module attributes {stable_mosaic.version = 14 : i64} {
  func.func @gk(%arg0: i32, %arg1: i32, %arg2: memref<8192x384xf32, #tpu.memory_space<hbm>>, %arg3: memref<128x128xi32, #tpu.memory_space<hbm>>, %arg4: memref<16384x384xf32, #tpu.memory_space<hbm>>, %arg5: memref<4x128xi32, #tpu.memory_space<vmem>>, %arg6: memref<128x384xf32, #tpu.memory_space<vmem>>, %arg7: memref<128x384xf32, #tpu.memory_space<vmem>>, %arg8: memref<!tpu.dma_semaphore, #tpu.memory_space<semaphore_mem>>, %arg9: memref<!tpu.dma_semaphore, #tpu.memory_space<semaphore_mem>>) attributes {dimension_semantics = [#tpu.dimension_semantics<core_parallel>, #tpu.dimension_semantics<subcore_parallel>], iteration_bounds = array<i64: 2, 16>, scalar_prefetch = 0 : i64, scratch_operands = 5 : i64, tpu.core_type = #tpu.core_type<sc_vector_subcore>, window_params = [{transform_indices = #map}, {transform_indices = #map}, {transform_indices = #map}]} {
    %mul3A = arith.constant 2 : i32
    %mul3A_0 = arith.muli %arg1, %mul3A : i32
    %add3A = arith.addi %mul3A_0, %arg0 : i32
    %mul3A_1 = arith.constant 512 : i32
    %mul3A_2 = arith.muli %add3A, %mul3A_1 : i32
    %mul3A_3 = arith.constant 4 : i32
    %mul3A_4 = arith.muli %add3A, %mul3A_3 : i32
    "tpu.region"() ({
      %run_scoped3A = tpu.sem_alloc : memref<!tpu.dma_semaphore, #tpu.memory_space<semaphore_mem>>
      %dma_start3A_67 = arith.constant 0 : i32
      %dma_start3A_68 = tpu.memref_slice %arg3[%mul3A_4, %dma_start3A_67] : memref<128x128xi32, #tpu.memory_space<hbm>> -> memref<4x128xi32, #tpu.memory_space<hbm>>
      %dma_start3A_69 = arith.constant 0 : i32
      %dma_start3A_70 = tpu.memref_slice %arg3[%mul3A_4, %dma_start3A_69] : memref<128x128xi32, #tpu.memory_space<hbm>> -> memref<4x128xi32, #tpu.memory_space<hbm>>
      tpu.enqueue_dma source(%dma_start3A_70 : memref<4x128xi32, #tpu.memory_space<hbm>>) target(%arg5 : memref<4x128xi32, #tpu.memory_space<vmem>>) target_semaphore(%run_scoped3A : memref<!tpu.dma_semaphore, #tpu.memory_space<semaphore_mem>>)
      %dma_wait3A_71 = arith.constant 0 : i32
      %dma_wait3A_72 = tpu.memref_slice %arg3[%mul3A_4, %dma_wait3A_71] : memref<128x128xi32, #tpu.memory_space<hbm>> -> memref<4x128xi32, #tpu.memory_space<hbm>>
      %dma_wait3A_73 = arith.constant 0 : i32
      %dma_wait3A_74 = tpu.memref_slice %arg3[%mul3A_4, %dma_wait3A_73] : memref<128x128xi32, #tpu.memory_space<hbm>> -> memref<4x128xi32, #tpu.memory_space<hbm>>
      tpu.wait_dma2 semaphore(%run_scoped3A : memref<!tpu.dma_semaphore, #tpu.memory_space<semaphore_mem>>) src(%dma_wait3A_74 : memref<4x128xi32, #tpu.memory_space<hbm>>) dst(%arg5 : memref<4x128xi32, #tpu.memory_space<vmem>>)
      tpu.yield
    }) : () -> ()
    %dma_start3A = arith.constant 0 : i32
    %dma_start3A_5 = arith.constant 0 : i32
    %dma_start3A_6 = tpu.memref_slice %arg5[%dma_start3A, %dma_start3A_5] : memref<4x128xi32, #tpu.memory_space<vmem>> -> memref<1x128xi32, #tpu.memory_space<vmem>>
    %dma_start3A_7 = tpu.memref_squeeze %dma_start3A_6 : memref<1x128xi32, #tpu.memory_space<vmem>> -> memref<128xi32, #tpu.memory_space<vmem>>
    %dma_start3A_8 = arith.constant 0 : i32
    %dma_start3A_9 = arith.constant 0 : i32
    %dma_start3A_10 = tpu.memref_slice %arg2[%dma_start3A_8, %dma_start3A_9] : memref<8192x384xf32, #tpu.memory_space<hbm>> -> memref<8192x384xf32, #tpu.memory_space<hbm>>
    tpu.enqueue_indirect_dma source(%dma_start3A_10 : memref<8192x384xf32, #tpu.memory_space<hbm>>) target(%arg6 : memref<128x384xf32, #tpu.memory_space<vmem>>) offsets(%dma_start3A_7 : memref<128xi32, #tpu.memory_space<vmem>>) semaphore(%arg8 : memref<!tpu.dma_semaphore, #tpu.memory_space<semaphore_mem>>)
    %dma_start3A_11 = arith.constant 1 : i32
    %dma_start3A_12 = arith.constant 0 : i32
    %dma_start3A_13 = tpu.memref_slice %arg5[%dma_start3A_11, %dma_start3A_12] : memref<4x128xi32, #tpu.memory_space<vmem>> -> memref<1x128xi32, #tpu.memory_space<vmem>>
    %dma_start3A_14 = tpu.memref_squeeze %dma_start3A_13 : memref<1x128xi32, #tpu.memory_space<vmem>> -> memref<128xi32, #tpu.memory_space<vmem>>
    %dma_start3A_15 = arith.constant 0 : i32
    %dma_start3A_16 = arith.constant 0 : i32
    %dma_start3A_17 = tpu.memref_slice %arg2[%dma_start3A_15, %dma_start3A_16] : memref<8192x384xf32, #tpu.memory_space<hbm>> -> memref<8192x384xf32, #tpu.memory_space<hbm>>
    tpu.enqueue_indirect_dma source(%dma_start3A_17 : memref<8192x384xf32, #tpu.memory_space<hbm>>) target(%arg7 : memref<128x384xf32, #tpu.memory_space<vmem>>) offsets(%dma_start3A_14 : memref<128xi32, #tpu.memory_space<vmem>>) semaphore(%arg9 : memref<!tpu.dma_semaphore, #tpu.memory_space<semaphore_mem>>)
    %dma_wait3A = arith.constant 0 : i32
    %dma_wait3A_18 = arith.constant 0 : i32
    %dma_wait3A_19 = tpu.memref_slice %arg5[%dma_wait3A, %dma_wait3A_18] : memref<4x128xi32, #tpu.memory_space<vmem>> -> memref<1x128xi32, #tpu.memory_space<vmem>>
    %dma_wait3A_20 = tpu.memref_squeeze %dma_wait3A_19 : memref<1x128xi32, #tpu.memory_space<vmem>> -> memref<128xi32, #tpu.memory_space<vmem>>
    %dma_wait3A_21 = arith.constant 0 : i32
    %dma_wait3A_22 = arith.constant 0 : i32
    %dma_wait3A_23 = tpu.memref_slice %arg2[%dma_wait3A_21, %dma_wait3A_22] : memref<8192x384xf32, #tpu.memory_space<hbm>> -> memref<8192x384xf32, #tpu.memory_space<hbm>>
    tpu.wait_indirect_dma semaphore(%arg8 : memref<!tpu.dma_semaphore, #tpu.memory_space<semaphore_mem>>) src(%dma_wait3A_23 : memref<8192x384xf32, #tpu.memory_space<hbm>>) dst(%arg6 : memref<128x384xf32, #tpu.memory_space<vmem>>)
    %add3A_24 = arith.constant 0 : i32
    %add3A_25 = arith.addi %mul3A_2, %add3A_24 : i32
    "tpu.region"() ({
      %run_scoped3A = tpu.sem_alloc : memref<!tpu.dma_semaphore, #tpu.memory_space<semaphore_mem>>
      %dma_start3A_67 = arith.constant 0 : i32
      %dma_start3A_68 = tpu.memref_slice %arg4[%add3A_25, %dma_start3A_67] : memref<16384x384xf32, #tpu.memory_space<hbm>> -> memref<128x384xf32, #tpu.memory_space<hbm>>
      %dma_start3A_69 = arith.constant 0 : i32
      %dma_start3A_70 = tpu.memref_slice %arg4[%add3A_25, %dma_start3A_69] : memref<16384x384xf32, #tpu.memory_space<hbm>> -> memref<128x384xf32, #tpu.memory_space<hbm>>
      tpu.enqueue_dma source(%arg6 : memref<128x384xf32, #tpu.memory_space<vmem>>) target(%dma_start3A_70 : memref<128x384xf32, #tpu.memory_space<hbm>>) target_semaphore(%run_scoped3A : memref<!tpu.dma_semaphore, #tpu.memory_space<semaphore_mem>>)
      %dma_wait3A_71 = arith.constant 0 : i32
      %dma_wait3A_72 = tpu.memref_slice %arg4[%add3A_25, %dma_wait3A_71] : memref<16384x384xf32, #tpu.memory_space<hbm>> -> memref<128x384xf32, #tpu.memory_space<hbm>>
      %dma_wait3A_73 = arith.constant 0 : i32
      %dma_wait3A_74 = tpu.memref_slice %arg4[%add3A_25, %dma_wait3A_73] : memref<16384x384xf32, #tpu.memory_space<hbm>> -> memref<128x384xf32, #tpu.memory_space<hbm>>
      tpu.wait_dma2 semaphore(%run_scoped3A : memref<!tpu.dma_semaphore, #tpu.memory_space<semaphore_mem>>) src(%arg6 : memref<128x384xf32, #tpu.memory_space<vmem>>) dst(%dma_wait3A_74 : memref<128x384xf32, #tpu.memory_space<hbm>>)
      tpu.yield
    }) : () -> ()
    %dma_start3A_26 = arith.constant 2 : i32
    %dma_start3A_27 = arith.constant 0 : i32
    %dma_start3A_28 = tpu.memref_slice %arg5[%dma_start3A_26, %dma_start3A_27] : memref<4x128xi32, #tpu.memory_space<vmem>> -> memref<1x128xi32, #tpu.memory_space<vmem>>
    %dma_start3A_29 = tpu.memref_squeeze %dma_start3A_28 : memref<1x128xi32, #tpu.memory_space<vmem>> -> memref<128xi32, #tpu.memory_space<vmem>>
    %dma_start3A_30 = arith.constant 0 : i32
    %dma_start3A_31 = arith.constant 0 : i32
    %dma_start3A_32 = tpu.memref_slice %arg2[%dma_start3A_30, %dma_start3A_31] : memref<8192x384xf32, #tpu.memory_space<hbm>> -> memref<8192x384xf32, #tpu.memory_space<hbm>>
    tpu.enqueue_indirect_dma source(%dma_start3A_32 : memref<8192x384xf32, #tpu.memory_space<hbm>>) target(%arg6 : memref<128x384xf32, #tpu.memory_space<vmem>>) offsets(%dma_start3A_29 : memref<128xi32, #tpu.memory_space<vmem>>) semaphore(%arg8 : memref<!tpu.dma_semaphore, #tpu.memory_space<semaphore_mem>>)
    %dma_wait3A_33 = arith.constant 1 : i32
    %dma_wait3A_34 = arith.constant 0 : i32
    %dma_wait3A_35 = tpu.memref_slice %arg5[%dma_wait3A_33, %dma_wait3A_34] : memref<4x128xi32, #tpu.memory_space<vmem>> -> memref<1x128xi32, #tpu.memory_space<vmem>>
    %dma_wait3A_36 = tpu.memref_squeeze %dma_wait3A_35 : memref<1x128xi32, #tpu.memory_space<vmem>> -> memref<128xi32, #tpu.memory_space<vmem>>
    %dma_wait3A_37 = arith.constant 0 : i32
    %dma_wait3A_38 = arith.constant 0 : i32
    %dma_wait3A_39 = tpu.memref_slice %arg2[%dma_wait3A_37, %dma_wait3A_38] : memref<8192x384xf32, #tpu.memory_space<hbm>> -> memref<8192x384xf32, #tpu.memory_space<hbm>>
    tpu.wait_indirect_dma semaphore(%arg9 : memref<!tpu.dma_semaphore, #tpu.memory_space<semaphore_mem>>) src(%dma_wait3A_39 : memref<8192x384xf32, #tpu.memory_space<hbm>>) dst(%arg7 : memref<128x384xf32, #tpu.memory_space<vmem>>)
    %add3A_40 = arith.constant 128 : i32
    %add3A_41 = arith.addi %mul3A_2, %add3A_40 : i32
    "tpu.region"() ({
      %run_scoped3A = tpu.sem_alloc : memref<!tpu.dma_semaphore, #tpu.memory_space<semaphore_mem>>
      %dma_start3A_67 = arith.constant 0 : i32
      %dma_start3A_68 = tpu.memref_slice %arg4[%add3A_41, %dma_start3A_67] : memref<16384x384xf32, #tpu.memory_space<hbm>> -> memref<128x384xf32, #tpu.memory_space<hbm>>
      %dma_start3A_69 = arith.constant 0 : i32
      %dma_start3A_70 = tpu.memref_slice %arg4[%add3A_41, %dma_start3A_69] : memref<16384x384xf32, #tpu.memory_space<hbm>> -> memref<128x384xf32, #tpu.memory_space<hbm>>
      tpu.enqueue_dma source(%arg7 : memref<128x384xf32, #tpu.memory_space<vmem>>) target(%dma_start3A_70 : memref<128x384xf32, #tpu.memory_space<hbm>>) target_semaphore(%run_scoped3A : memref<!tpu.dma_semaphore, #tpu.memory_space<semaphore_mem>>)
      %dma_wait3A_71 = arith.constant 0 : i32
      %dma_wait3A_72 = tpu.memref_slice %arg4[%add3A_41, %dma_wait3A_71] : memref<16384x384xf32, #tpu.memory_space<hbm>> -> memref<128x384xf32, #tpu.memory_space<hbm>>
      %dma_wait3A_73 = arith.constant 0 : i32
      %dma_wait3A_74 = tpu.memref_slice %arg4[%add3A_41, %dma_wait3A_73] : memref<16384x384xf32, #tpu.memory_space<hbm>> -> memref<128x384xf32, #tpu.memory_space<hbm>>
      tpu.wait_dma2 semaphore(%run_scoped3A : memref<!tpu.dma_semaphore, #tpu.memory_space<semaphore_mem>>) src(%arg7 : memref<128x384xf32, #tpu.memory_space<vmem>>) dst(%dma_wait3A_74 : memref<128x384xf32, #tpu.memory_space<hbm>>)
      tpu.yield
    }) : () -> ()
    %dma_start3A_42 = arith.constant 3 : i32
    %dma_start3A_43 = arith.constant 0 : i32
    %dma_start3A_44 = tpu.memref_slice %arg5[%dma_start3A_42, %dma_start3A_43] : memref<4x128xi32, #tpu.memory_space<vmem>> -> memref<1x128xi32, #tpu.memory_space<vmem>>
    %dma_start3A_45 = tpu.memref_squeeze %dma_start3A_44 : memref<1x128xi32, #tpu.memory_space<vmem>> -> memref<128xi32, #tpu.memory_space<vmem>>
    %dma_start3A_46 = arith.constant 0 : i32
    %dma_start3A_47 = arith.constant 0 : i32
    %dma_start3A_48 = tpu.memref_slice %arg2[%dma_start3A_46, %dma_start3A_47] : memref<8192x384xf32, #tpu.memory_space<hbm>> -> memref<8192x384xf32, #tpu.memory_space<hbm>>
    tpu.enqueue_indirect_dma source(%dma_start3A_48 : memref<8192x384xf32, #tpu.memory_space<hbm>>) target(%arg7 : memref<128x384xf32, #tpu.memory_space<vmem>>) offsets(%dma_start3A_45 : memref<128xi32, #tpu.memory_space<vmem>>) semaphore(%arg9 : memref<!tpu.dma_semaphore, #tpu.memory_space<semaphore_mem>>)
    %dma_wait3A_49 = arith.constant 2 : i32
    %dma_wait3A_50 = arith.constant 0 : i32
    %dma_wait3A_51 = tpu.memref_slice %arg5[%dma_wait3A_49, %dma_wait3A_50] : memref<4x128xi32, #tpu.memory_space<vmem>> -> memref<1x128xi32, #tpu.memory_space<vmem>>
    %dma_wait3A_52 = tpu.memref_squeeze %dma_wait3A_51 : memref<1x128xi32, #tpu.memory_space<vmem>> -> memref<128xi32, #tpu.memory_space<vmem>>
    %dma_wait3A_53 = arith.constant 0 : i32
    %dma_wait3A_54 = arith.constant 0 : i32
    %dma_wait3A_55 = tpu.memref_slice %arg2[%dma_wait3A_53, %dma_wait3A_54] : memref<8192x384xf32, #tpu.memory_space<hbm>> -> memref<8192x384xf32, #tpu.memory_space<hbm>>
    tpu.wait_indirect_dma semaphore(%arg8 : memref<!tpu.dma_semaphore, #tpu.memory_space<semaphore_mem>>) src(%dma_wait3A_55 : memref<8192x384xf32, #tpu.memory_space<hbm>>) dst(%arg6 : memref<128x384xf32, #tpu.memory_space<vmem>>)
    %add3A_56 = arith.constant 256 : i32
    %add3A_57 = arith.addi %mul3A_2, %add3A_56 : i32
    "tpu.region"() ({
      %run_scoped3A = tpu.sem_alloc : memref<!tpu.dma_semaphore, #tpu.memory_space<semaphore_mem>>
      %dma_start3A_67 = arith.constant 0 : i32
      %dma_start3A_68 = tpu.memref_slice %arg4[%add3A_57, %dma_start3A_67] : memref<16384x384xf32, #tpu.memory_space<hbm>> -> memref<128x384xf32, #tpu.memory_space<hbm>>
      %dma_start3A_69 = arith.constant 0 : i32
      %dma_start3A_70 = tpu.memref_slice %arg4[%add3A_57, %dma_start3A_69] : memref<16384x384xf32, #tpu.memory_space<hbm>> -> memref<128x384xf32, #tpu.memory_space<hbm>>
      tpu.enqueue_dma source(%arg6 : memref<128x384xf32, #tpu.memory_space<vmem>>) target(%dma_start3A_70 : memref<128x384xf32, #tpu.memory_space<hbm>>) target_semaphore(%run_scoped3A : memref<!tpu.dma_semaphore, #tpu.memory_space<semaphore_mem>>)
      %dma_wait3A_71 = arith.constant 0 : i32
      %dma_wait3A_72 = tpu.memref_slice %arg4[%add3A_57, %dma_wait3A_71] : memref<16384x384xf32, #tpu.memory_space<hbm>> -> memref<128x384xf32, #tpu.memory_space<hbm>>
      %dma_wait3A_73 = arith.constant 0 : i32
      %dma_wait3A_74 = tpu.memref_slice %arg4[%add3A_57, %dma_wait3A_73] : memref<16384x384xf32, #tpu.memory_space<hbm>> -> memref<128x384xf32, #tpu.memory_space<hbm>>
      tpu.wait_dma2 semaphore(%run_scoped3A : memref<!tpu.dma_semaphore, #tpu.memory_space<semaphore_mem>>) src(%arg6 : memref<128x384xf32, #tpu.memory_space<vmem>>) dst(%dma_wait3A_74 : memref<128x384xf32, #tpu.memory_space<hbm>>)
      tpu.yield
    }) : () -> ()
    %dma_wait3A_58 = arith.constant 3 : i32
    %dma_wait3A_59 = arith.constant 0 : i32
    %dma_wait3A_60 = tpu.memref_slice %arg5[%dma_wait3A_58, %dma_wait3A_59] : memref<4x128xi32, #tpu.memory_space<vmem>> -> memref<1x128xi32, #tpu.memory_space<vmem>>
    %dma_wait3A_61 = tpu.memref_squeeze %dma_wait3A_60 : memref<1x128xi32, #tpu.memory_space<vmem>> -> memref<128xi32, #tpu.memory_space<vmem>>
    %dma_wait3A_62 = arith.constant 0 : i32
    %dma_wait3A_63 = arith.constant 0 : i32
    %dma_wait3A_64 = tpu.memref_slice %arg2[%dma_wait3A_62, %dma_wait3A_63] : memref<8192x384xf32, #tpu.memory_space<hbm>> -> memref<8192x384xf32, #tpu.memory_space<hbm>>
    tpu.wait_indirect_dma semaphore(%arg9 : memref<!tpu.dma_semaphore, #tpu.memory_space<semaphore_mem>>) src(%dma_wait3A_64 : memref<8192x384xf32, #tpu.memory_space<hbm>>) dst(%arg7 : memref<128x384xf32, #tpu.memory_space<vmem>>)
    %add3A_65 = arith.constant 384 : i32
    %add3A_66 = arith.addi %mul3A_2, %add3A_65 : i32
    "tpu.region"() ({
      %run_scoped3A = tpu.sem_alloc : memref<!tpu.dma_semaphore, #tpu.memory_space<semaphore_mem>>
      %dma_start3A_67 = arith.constant 0 : i32
      %dma_start3A_68 = tpu.memref_slice %arg4[%add3A_66, %dma_start3A_67] : memref<16384x384xf32, #tpu.memory_space<hbm>> -> memref<128x384xf32, #tpu.memory_space<hbm>>
      %dma_start3A_69 = arith.constant 0 : i32
      %dma_start3A_70 = tpu.memref_slice %arg4[%add3A_66, %dma_start3A_69] : memref<16384x384xf32, #tpu.memory_space<hbm>> -> memref<128x384xf32, #tpu.memory_space<hbm>>
      tpu.enqueue_dma source(%arg7 : memref<128x384xf32, #tpu.memory_space<vmem>>) target(%dma_start3A_70 : memref<128x384xf32, #tpu.memory_space<hbm>>) target_semaphore(%run_scoped3A : memref<!tpu.dma_semaphore, #tpu.memory_space<semaphore_mem>>)
      %dma_wait3A_71 = arith.constant 0 : i32
      %dma_wait3A_72 = tpu.memref_slice %arg4[%add3A_66, %dma_wait3A_71] : memref<16384x384xf32, #tpu.memory_space<hbm>> -> memref<128x384xf32, #tpu.memory_space<hbm>>
      %dma_wait3A_73 = arith.constant 0 : i32
      %dma_wait3A_74 = tpu.memref_slice %arg4[%add3A_66, %dma_wait3A_73] : memref<16384x384xf32, #tpu.memory_space<hbm>> -> memref<128x384xf32, #tpu.memory_space<hbm>>
      tpu.wait_dma2 semaphore(%run_scoped3A : memref<!tpu.dma_semaphore, #tpu.memory_space<semaphore_mem>>) src(%arg7 : memref<128x384xf32, #tpu.memory_space<vmem>>) dst(%dma_wait3A_74 : memref<128x384xf32, #tpu.memory_space<hbm>>)
      tpu.yield
    }) : () -> ()
    return
  }
}

module attributes {stable_mosaic.version = 14 : i64} {
  func.func @body(%arg0: i32, %arg1: memref<4x4x256x384xf32, #tpu.memory_space<vmem>>, %arg2: memref<4x384x384xbf16, #tpu.memory_space<vmem>>, %arg3: memref<1x384xf32, #tpu.memory_space<vmem>>, %arg4: memref<1x384xf32, #tpu.memory_space<vmem>>, %arg5: memref<1x384xf32, #tpu.memory_space<vmem>>, %arg6: memref<384x1152xbf16, #tpu.memory_space<vmem>>, %arg7: memref<1x1152xf32, #tpu.memory_space<vmem>>, %arg8: memref<256x1152xbf16, #tpu.memory_space<vmem>>) attributes {dimension_semantics = [#tpu.dimension_semantics<arbitrary>], iteration_bounds = array<i64: 4>, scalar_prefetch = 0 : i64, scratch_operands = 0 : i64, tpu.core_type = #tpu.core_type<tc>, window_params = [{transform_indices = @transform_0, window_bounds = array<i64: 4, 4, 256, 384>}, {pipeline_mode = #tpu.pipeline_mode<synchronous>, transform_indices = @transform_1, window_bounds = array<i64: 4, 384, 384>}, {pipeline_mode = #tpu.pipeline_mode<synchronous>, transform_indices = @transform_2, window_bounds = array<i64: 1, 384>}, {pipeline_mode = #tpu.pipeline_mode<synchronous>, transform_indices = @transform_3, window_bounds = array<i64: 1, 384>}, {pipeline_mode = #tpu.pipeline_mode<synchronous>, transform_indices = @transform_4, window_bounds = array<i64: 1, 384>}, {pipeline_mode = #tpu.pipeline_mode<synchronous>, transform_indices = @transform_5, window_bounds = array<i64: 384, 1152>}, {pipeline_mode = #tpu.pipeline_mode<synchronous>, transform_indices = @transform_6, window_bounds = array<i64: 1, 1152>}, {transform_indices = @transform_7, window_bounds = array<i64: 256, 1152>}]} {
    %get3A = arith.constant 0 : index
    %get3A_0 = arith.constant 0 : index
    %get3A_1 = vector.load %arg3[%get3A, %get3A_0] : memref<1x384xf32, #tpu.memory_space<vmem>>, vector<1x384xf32>
    %broadcast_in_dim3A = vector.shape_cast %get3A_1 : vector<1x384xf32> to vector<1x384xf32>
    %broadcast_in_dim3A_2 = vector.broadcast %broadcast_in_dim3A : vector<1x384xf32> to vector<256x384xf32>
    %get3A_3 = arith.constant 0 : index
    %get3A_4 = arith.constant 0 : index
    %get3A_5 = arith.constant 0 : index
    %get3A_6 = arith.constant 0 : index
    %get3A_7 = vector.load %arg1[%get3A_3, %get3A_4, %get3A_5, %get3A_6] : memref<4x4x256x384xf32, #tpu.memory_space<vmem>>, vector<1x1x256x384xf32>
    %get3A_8 = vector.shape_cast %get3A_7 : vector<1x1x256x384xf32> to vector<256x384xf32>
    %get3A_9 = arith.constant 0 : index
    %get3A_10 = arith.constant 1 : index
    %get3A_11 = arith.constant 0 : index
    %get3A_12 = arith.constant 0 : index
    %get3A_13 = vector.load %arg1[%get3A_9, %get3A_10, %get3A_11, %get3A_12] : memref<4x4x256x384xf32, #tpu.memory_space<vmem>>, vector<1x1x256x384xf32>
    %get3A_14 = vector.shape_cast %get3A_13 : vector<1x1x256x384xf32> to vector<256x384xf32>
    %add3A = arith.addf %get3A_8, %get3A_14 : vector<256x384xf32>
    %get3A_15 = arith.constant 0 : index
    %get3A_16 = arith.constant 2 : index
    %get3A_17 = arith.constant 0 : index
    %get3A_18 = arith.constant 0 : index
    %get3A_19 = vector.load %arg1[%get3A_15, %get3A_16, %get3A_17, %get3A_18] : memref<4x4x256x384xf32, #tpu.memory_space<vmem>>, vector<1x1x256x384xf32>
    %get3A_20 = vector.shape_cast %get3A_19 : vector<1x1x256x384xf32> to vector<256x384xf32>
    %add3A_21 = arith.addf %add3A, %get3A_20 : vector<256x384xf32>
    %get3A_22 = arith.constant 0 : index
    %get3A_23 = arith.constant 3 : index
    %get3A_24 = arith.constant 0 : index
    %get3A_25 = arith.constant 0 : index
    %get3A_26 = vector.load %arg1[%get3A_22, %get3A_23, %get3A_24, %get3A_25] : memref<4x4x256x384xf32, #tpu.memory_space<vmem>>, vector<1x1x256x384xf32>
    %get3A_27 = vector.shape_cast %get3A_26 : vector<1x1x256x384xf32> to vector<256x384xf32>
    %add3A_28 = arith.addf %add3A_21, %get3A_27 : vector<256x384xf32>
    %convert_element_type3A = arith.truncf %add3A_28 : vector<256x384xf32> to vector<256x384xbf16>
    %get3A_29 = arith.constant 0 : index
    %get3A_30 = arith.constant 0 : index
    %get3A_31 = arith.constant 0 : index
    %get3A_32 = vector.load %arg2[%get3A_29, %get3A_30, %get3A_31] : memref<4x384x384xbf16, #tpu.memory_space<vmem>>, vector<1x384x384xbf16>
    %get3A_33 = vector.shape_cast %get3A_32 : vector<1x384x384xbf16> to vector<384x384xbf16>
    %dot_general3A = arith.constant dense<0.000000e+00> : vector<256x384xf32>
    %dot_general3A_34 = tpu.matmul %convert_element_type3A, %get3A_33, %dot_general3A {dimension_numbers = #tpu.dot_dimension_numbers<[1], [0], [0], [1], [0, 0, 1, 1], [], []>, transpose_lhs_hint = false} : vector<256x384xbf16>, vector<384x384xbf16>, vector<256x384xf32> -> vector<256x384xf32>
    %add3A_35 = arith.addf %broadcast_in_dim3A_2, %dot_general3A_34 : vector<256x384xf32>
    %get3A_36 = arith.constant 1 : index
    %get3A_37 = arith.constant 0 : index
    %get3A_38 = arith.constant 0 : index
    %get3A_39 = arith.constant 0 : index
    %get3A_40 = vector.load %arg1[%get3A_36, %get3A_37, %get3A_38, %get3A_39] : memref<4x4x256x384xf32, #tpu.memory_space<vmem>>, vector<1x1x256x384xf32>
    %get3A_41 = vector.shape_cast %get3A_40 : vector<1x1x256x384xf32> to vector<256x384xf32>
    %get3A_42 = arith.constant 1 : index
    %get3A_43 = arith.constant 1 : index
    %get3A_44 = arith.constant 0 : index
    %get3A_45 = arith.constant 0 : index
    %get3A_46 = vector.load %arg1[%get3A_42, %get3A_43, %get3A_44, %get3A_45] : memref<4x4x256x384xf32, #tpu.memory_space<vmem>>, vector<1x1x256x384xf32>
    %get3A_47 = vector.shape_cast %get3A_46 : vector<1x1x256x384xf32> to vector<256x384xf32>
    %add3A_48 = arith.addf %get3A_41, %get3A_47 : vector<256x384xf32>
    %get3A_49 = arith.constant 1 : index
    %get3A_50 = arith.constant 2 : index
    %get3A_51 = arith.constant 0 : index
    %get3A_52 = arith.constant 0 : index
    %get3A_53 = vector.load %arg1[%get3A_49, %get3A_50, %get3A_51, %get3A_52] : memref<4x4x256x384xf32, #tpu.memory_space<vmem>>, vector<1x1x256x384xf32>
    %get3A_54 = vector.shape_cast %get3A_53 : vector<1x1x256x384xf32> to vector<256x384xf32>
    %add3A_55 = arith.addf %add3A_48, %get3A_54 : vector<256x384xf32>
    %get3A_56 = arith.constant 1 : index
    %get3A_57 = arith.constant 3 : index
    %get3A_58 = arith.constant 0 : index
    %get3A_59 = arith.constant 0 : index
    %get3A_60 = vector.load %arg1[%get3A_56, %get3A_57, %get3A_58, %get3A_59] : memref<4x4x256x384xf32, #tpu.memory_space<vmem>>, vector<1x1x256x384xf32>
    %get3A_61 = vector.shape_cast %get3A_60 : vector<1x1x256x384xf32> to vector<256x384xf32>
    %add3A_62 = arith.addf %add3A_55, %get3A_61 : vector<256x384xf32>
    %convert_element_type3A_63 = arith.truncf %add3A_62 : vector<256x384xf32> to vector<256x384xbf16>
    %get3A_64 = arith.constant 1 : index
    %get3A_65 = arith.constant 0 : index
    %get3A_66 = arith.constant 0 : index
    %get3A_67 = vector.load %arg2[%get3A_64, %get3A_65, %get3A_66] : memref<4x384x384xbf16, #tpu.memory_space<vmem>>, vector<1x384x384xbf16>
    %get3A_68 = vector.shape_cast %get3A_67 : vector<1x384x384xbf16> to vector<384x384xbf16>
    %dot_general3A_69 = arith.constant dense<0.000000e+00> : vector<256x384xf32>
    %dot_general3A_70 = tpu.matmul %convert_element_type3A_63, %get3A_68, %dot_general3A_69 {dimension_numbers = #tpu.dot_dimension_numbers<[1], [0], [0], [1], [0, 0, 1, 1], [], []>, transpose_lhs_hint = false} : vector<256x384xbf16>, vector<384x384xbf16>, vector<256x384xf32> -> vector<256x384xf32>
    %add3A_71 = arith.addf %add3A_35, %dot_general3A_70 : vector<256x384xf32>
    %get3A_72 = arith.constant 2 : index
    %get3A_73 = arith.constant 0 : index
    %get3A_74 = arith.constant 0 : index
    %get3A_75 = arith.constant 0 : index
    %get3A_76 = vector.load %arg1[%get3A_72, %get3A_73, %get3A_74, %get3A_75] : memref<4x4x256x384xf32, #tpu.memory_space<vmem>>, vector<1x1x256x384xf32>
    %get3A_77 = vector.shape_cast %get3A_76 : vector<1x1x256x384xf32> to vector<256x384xf32>
    %get3A_78 = arith.constant 2 : index
    %get3A_79 = arith.constant 1 : index
    %get3A_80 = arith.constant 0 : index
    %get3A_81 = arith.constant 0 : index
    %get3A_82 = vector.load %arg1[%get3A_78, %get3A_79, %get3A_80, %get3A_81] : memref<4x4x256x384xf32, #tpu.memory_space<vmem>>, vector<1x1x256x384xf32>
    %get3A_83 = vector.shape_cast %get3A_82 : vector<1x1x256x384xf32> to vector<256x384xf32>
    %add3A_84 = arith.addf %get3A_77, %get3A_83 : vector<256x384xf32>
    %get3A_85 = arith.constant 2 : index
    %get3A_86 = arith.constant 2 : index
    %get3A_87 = arith.constant 0 : index
    %get3A_88 = arith.constant 0 : index
    %get3A_89 = vector.load %arg1[%get3A_85, %get3A_86, %get3A_87, %get3A_88] : memref<4x4x256x384xf32, #tpu.memory_space<vmem>>, vector<1x1x256x384xf32>
    %get3A_90 = vector.shape_cast %get3A_89 : vector<1x1x256x384xf32> to vector<256x384xf32>
    %add3A_91 = arith.addf %add3A_84, %get3A_90 : vector<256x384xf32>
    %get3A_92 = arith.constant 2 : index
    %get3A_93 = arith.constant 3 : index
    %get3A_94 = arith.constant 0 : index
    %get3A_95 = arith.constant 0 : index
    %get3A_96 = vector.load %arg1[%get3A_92, %get3A_93, %get3A_94, %get3A_95] : memref<4x4x256x384xf32, #tpu.memory_space<vmem>>, vector<1x1x256x384xf32>
    %get3A_97 = vector.shape_cast %get3A_96 : vector<1x1x256x384xf32> to vector<256x384xf32>
    %add3A_98 = arith.addf %add3A_91, %get3A_97 : vector<256x384xf32>
    %convert_element_type3A_99 = arith.truncf %add3A_98 : vector<256x384xf32> to vector<256x384xbf16>
    %get3A_100 = arith.constant 2 : index
    %get3A_101 = arith.constant 0 : index
    %get3A_102 = arith.constant 0 : index
    %get3A_103 = vector.load %arg2[%get3A_100, %get3A_101, %get3A_102] : memref<4x384x384xbf16, #tpu.memory_space<vmem>>, vector<1x384x384xbf16>
    %get3A_104 = vector.shape_cast %get3A_103 : vector<1x384x384xbf16> to vector<384x384xbf16>
    %dot_general3A_105 = arith.constant dense<0.000000e+00> : vector<256x384xf32>
    %dot_general3A_106 = tpu.matmul %convert_element_type3A_99, %get3A_104, %dot_general3A_105 {dimension_numbers = #tpu.dot_dimension_numbers<[1], [0], [0], [1], [0, 0, 1, 1], [], []>, transpose_lhs_hint = false} : vector<256x384xbf16>, vector<384x384xbf16>, vector<256x384xf32> -> vector<256x384xf32>
    %add3A_107 = arith.addf %add3A_71, %dot_general3A_106 : vector<256x384xf32>
    %get3A_108 = arith.constant 3 : index
    %get3A_109 = arith.constant 0 : index
    %get3A_110 = arith.constant 0 : index
    %get3A_111 = arith.constant 0 : index
    %get3A_112 = vector.load %arg1[%get3A_108, %get3A_109, %get3A_110, %get3A_111] : memref<4x4x256x384xf32, #tpu.memory_space<vmem>>, vector<1x1x256x384xf32>
    %get3A_113 = vector.shape_cast %get3A_112 : vector<1x1x256x384xf32> to vector<256x384xf32>
    %get3A_114 = arith.constant 3 : index
    %get3A_115 = arith.constant 1 : index
    %get3A_116 = arith.constant 0 : index
    %get3A_117 = arith.constant 0 : index
    %get3A_118 = vector.load %arg1[%get3A_114, %get3A_115, %get3A_116, %get3A_117] : memref<4x4x256x384xf32, #tpu.memory_space<vmem>>, vector<1x1x256x384xf32>
    %get3A_119 = vector.shape_cast %get3A_118 : vector<1x1x256x384xf32> to vector<256x384xf32>
    %add3A_120 = arith.addf %get3A_113, %get3A_119 : vector<256x384xf32>
    %get3A_121 = arith.constant 3 : index
    %get3A_122 = arith.constant 2 : index
    %get3A_123 = arith.constant 0 : index
    %get3A_124 = arith.constant 0 : index
    %get3A_125 = vector.load %arg1[%get3A_121, %get3A_122, %get3A_123, %get3A_124] : memref<4x4x256x384xf32, #tpu.memory_space<vmem>>, vector<1x1x256x384xf32>
    %get3A_126 = vector.shape_cast %get3A_125 : vector<1x1x256x384xf32> to vector<256x384xf32>
    %add3A_127 = arith.addf %add3A_120, %get3A_126 : vector<256x384xf32>
    %get3A_128 = arith.constant 3 : index
    %get3A_129 = arith.constant 3 : index
    %get3A_130 = arith.constant 0 : index
    %get3A_131 = arith.constant 0 : index
    %get3A_132 = vector.load %arg1[%get3A_128, %get3A_129, %get3A_130, %get3A_131] : memref<4x4x256x384xf32, #tpu.memory_space<vmem>>, vector<1x1x256x384xf32>
    %get3A_133 = vector.shape_cast %get3A_132 : vector<1x1x256x384xf32> to vector<256x384xf32>
    %add3A_134 = arith.addf %add3A_127, %get3A_133 : vector<256x384xf32>
    %convert_element_type3A_135 = arith.truncf %add3A_134 : vector<256x384xf32> to vector<256x384xbf16>
    %get3A_136 = arith.constant 3 : index
    %get3A_137 = arith.constant 0 : index
    %get3A_138 = arith.constant 0 : index
    %get3A_139 = vector.load %arg2[%get3A_136, %get3A_137, %get3A_138] : memref<4x384x384xbf16, #tpu.memory_space<vmem>>, vector<1x384x384xbf16>
    %get3A_140 = vector.shape_cast %get3A_139 : vector<1x384x384xbf16> to vector<384x384xbf16>
    %dot_general3A_141 = arith.constant dense<0.000000e+00> : vector<256x384xf32>
    %dot_general3A_142 = tpu.matmul %convert_element_type3A_135, %get3A_140, %dot_general3A_141 {dimension_numbers = #tpu.dot_dimension_numbers<[1], [0], [0], [1], [0, 0, 1, 1], [], []>, transpose_lhs_hint = false} : vector<256x384xbf16>, vector<384x384xbf16>, vector<256x384xf32> -> vector<256x384xf32>
    %add3A_143 = arith.addf %add3A_107, %dot_general3A_142 : vector<256x384xf32>
    %reduce_sum3A = arith.constant dense<0.000000e+00> : vector<256xf32>
    %reduce_sum3A_144 = vector.multi_reduction <add>, %add3A_143, %reduce_sum3A [1] : vector<256x384xf32> to vector<256xf32>
    %broadcast_in_dim3A_145 = vector.shape_cast %reduce_sum3A_144 : vector<256xf32> to vector<256x1xf32>
    %div3A = arith.constant 3.840000e+02 : f32
    %div3A_146 = vector.broadcast %div3A : f32 to vector<256x1xf32>
    %div3A_147 = arith.divf %broadcast_in_dim3A_145, %div3A_146 : vector<256x1xf32>
    %sub3A = vector.broadcast %div3A_147 : vector<256x1xf32> to vector<256x384xf32>
    %sub3A_148 = arith.subf %add3A_143, %sub3A : vector<256x384xf32>
    %mul3A = arith.mulf %sub3A_148, %sub3A_148 : vector<256x384xf32>
    %reduce_sum3A_149 = arith.constant dense<0.000000e+00> : vector<256xf32>
    %reduce_sum3A_150 = vector.multi_reduction <add>, %mul3A, %reduce_sum3A_149 [1] : vector<256x384xf32> to vector<256xf32>
    %broadcast_in_dim3A_151 = vector.shape_cast %reduce_sum3A_150 : vector<256xf32> to vector<256x1xf32>
    %div3A_152 = arith.constant 3.840000e+02 : f32
    %div3A_153 = vector.broadcast %div3A_152 : f32 to vector<256x1xf32>
    %div3A_154 = arith.divf %broadcast_in_dim3A_151, %div3A_153 : vector<256x1xf32>
    %add3A_155 = arith.constant 9.99999974E-6 : f32
    %add3A_156 = vector.broadcast %add3A_155 : f32 to vector<256x1xf32>
    %add3A_157 = arith.addf %div3A_154, %add3A_156 : vector<256x1xf32>
    %rsqrt3A = math.rsqrt %add3A_157 : vector<256x1xf32>
    %mul3A_158 = vector.broadcast %rsqrt3A : vector<256x1xf32> to vector<256x384xf32>
    %mul3A_159 = arith.mulf %sub3A_148, %mul3A_158 : vector<256x384xf32>
    %get3A_160 = arith.constant 0 : index
    %get3A_161 = arith.constant 0 : index
    %get3A_162 = vector.load %arg4[%get3A_160, %get3A_161] : memref<1x384xf32, #tpu.memory_space<vmem>>, vector<1x384xf32>
    %mul3A_163 = vector.broadcast %get3A_162 : vector<1x384xf32> to vector<256x384xf32>
    %mul3A_164 = arith.mulf %mul3A_159, %mul3A_163 : vector<256x384xf32>
    %get3A_165 = arith.constant 0 : index
    %get3A_166 = arith.constant 0 : index
    %get3A_167 = vector.load %arg5[%get3A_165, %get3A_166] : memref<1x384xf32, #tpu.memory_space<vmem>>, vector<1x384xf32>
    %add3A_168 = vector.broadcast %get3A_167 : vector<1x384xf32> to vector<256x384xf32>
    %add3A_169 = arith.addf %mul3A_164, %add3A_168 : vector<256x384xf32>
    %convert_element_type3A_170 = arith.truncf %add3A_169 : vector<256x384xf32> to vector<256x384xbf16>
    %get3A_171 = arith.constant 0 : index
    %get3A_172 = arith.constant 0 : index
    %get3A_173 = vector.load %arg6[%get3A_171, %get3A_172] : memref<384x1152xbf16, #tpu.memory_space<vmem>>, vector<384x1152xbf16>
    %dot_general3A_174 = arith.constant dense<0.000000e+00> : vector<256x1152xf32>
    %dot_general3A_175 = tpu.matmul %convert_element_type3A_170, %get3A_173, %dot_general3A_174 {dimension_numbers = #tpu.dot_dimension_numbers<[1], [0], [0], [1], [0, 0, 1, 1], [], []>, transpose_lhs_hint = false} : vector<256x384xbf16>, vector<384x1152xbf16>, vector<256x1152xf32> -> vector<256x1152xf32>
    %get3A_176 = arith.constant 0 : index
    %get3A_177 = arith.constant 0 : index
    %get3A_178 = vector.load %arg7[%get3A_176, %get3A_177] : memref<1x1152xf32, #tpu.memory_space<vmem>>, vector<1x1152xf32>
    %add3A_179 = vector.broadcast %get3A_178 : vector<1x1152xf32> to vector<256x1152xf32>
    %add3A_180 = arith.addf %dot_general3A_175, %add3A_179 : vector<256x1152xf32>
    %convert_element_type3A_181 = arith.truncf %add3A_180 : vector<256x1152xf32> to vector<256x1152xbf16>
    %swap3A = arith.constant 0 : index
    %swap3A_182 = arith.constant 0 : index
    %swap3A_183 = vector.load %arg8[%swap3A, %swap3A_182] : memref<256x1152xbf16, #tpu.memory_space<vmem>>, vector<256x1152xbf16>
    tpu.vector_store %arg8[%swap3A, %swap3A_182], %convert_element_type3A_181 {strides = array<i32>} : memref<256x1152xbf16, #tpu.memory_space<vmem>>, vector<256x1152xbf16>,
    return
  }
  func.func @transform_0(%arg0: i32) -> (i32, i32, i32, i32) {
    %c0_i32 = arith.constant 0 : i32
    %c0_i32_0 = arith.constant 0 : i32
    %c0_i32_1 = arith.constant 0 : i32
    %c0_i32_2 = arith.constant 0 : i32
    return %c0_i32, %c0_i32_0, %arg0, %c0_i32_1 : i32, i32, i32, i32
  }
  func.func @transform_1(%arg0: i32) -> (i32, i32, i32) {
    %c0_i32 = arith.constant 0 : i32
    %c0_i32_0 = arith.constant 0 : i32
    %c0_i32_1 = arith.constant 0 : i32
    %c0_i32_2 = arith.constant 0 : i32
    return %c0_i32, %c0_i32_0, %c0_i32_1 : i32, i32, i32
  }
  func.func @transform_2(%arg0: i32) -> (i32, i32) {
    %c0_i32 = arith.constant 0 : i32
    %c0_i32_0 = arith.constant 0 : i32
    %c0_i32_1 = arith.constant 0 : i32
    return %c0_i32, %c0_i32_0 : i32, i32
  }
  func.func @transform_3(%arg0: i32) -> (i32, i32) {
    %c0_i32 = arith.constant 0 : i32
    %c0_i32_0 = arith.constant 0 : i32
    %c0_i32_1 = arith.constant 0 : i32
    return %c0_i32, %c0_i32_0 : i32, i32
  }
  func.func @transform_4(%arg0: i32) -> (i32, i32) {
    %c0_i32 = arith.constant 0 : i32
    %c0_i32_0 = arith.constant 0 : i32
    %c0_i32_1 = arith.constant 0 : i32
    return %c0_i32, %c0_i32_0 : i32, i32
  }
  func.func @transform_5(%arg0: i32) -> (i32, i32) {
    %c0_i32 = arith.constant 0 : i32
    %c0_i32_0 = arith.constant 0 : i32
    %c0_i32_1 = arith.constant 0 : i32
    return %c0_i32, %c0_i32_0 : i32, i32
  }
  func.func @transform_6(%arg0: i32) -> (i32, i32) {
    %c0_i32 = arith.constant 0 : i32
    %c0_i32_0 = arith.constant 0 : i32
    %c0_i32_1 = arith.constant 0 : i32
    return %c0_i32, %c0_i32_0 : i32, i32
  }
  func.func @transform_7(%arg0: i32) -> (i32, i32) {
    %c0_i32 = arith.constant 0 : i32
    %c0_i32_0 = arith.constant 0 : i32
    return %arg0, %c0_i32 : i32, i32
  }
}

module attributes {stable_mosaic.version = 14 : i64} {
  func.func @body(%arg0: i32, %arg1: memref<1x1024x384xf32, #tpu.memory_space<vmem>>, %arg2: memref<384x384xbf16, #tpu.memory_space<vmem>>, %arg3: memref<1024x1152xbf16, #tpu.memory_space<vmem>>, %arg4: memref<384x384xbf16, #tpu.memory_space<vmem>>, %arg5: memref<1x384xf32, #tpu.memory_space<vmem>>, %arg6: memref<1x1024x384xf32, #tpu.memory_space<vmem>>) attributes {dimension_semantics = [#tpu.dimension_semantics<arbitrary>], iteration_bounds = array<i64: 4>, scalar_prefetch = 0 : i64, scratch_operands = 0 : i64, tpu.core_type = #tpu.core_type<tc>, window_params = [{transform_indices = @transform_0, window_bounds = array<i64: 1, 1024, 384>}, {pipeline_mode = #tpu.pipeline_mode<synchronous>, transform_indices = @transform_1, window_bounds = array<i64: 384, 384>}, {pipeline_mode = #tpu.pipeline_mode<synchronous>, transform_indices = @transform_2, window_bounds = array<i64: 1024, 1152>}, {pipeline_mode = #tpu.pipeline_mode<synchronous>, transform_indices = @transform_3, window_bounds = array<i64: 384, 384>}, {pipeline_mode = #tpu.pipeline_mode<synchronous>, transform_indices = @transform_4, window_bounds = array<i64: 1, 384>}, {transform_indices = @transform_5, window_bounds = array<i64: 1, 1024, 384>}]} {
    %get3A = arith.constant 0 : index
    %get3A_0 = arith.constant 0 : index
    %get3A_1 = arith.constant 0 : index
    %get3A_2 = vector.load %arg1[%get3A, %get3A_0, %get3A_1] : memref<1x1024x384xf32, #tpu.memory_space<vmem>>, vector<1x1024x384xf32>
    %get3A_3 = vector.shape_cast %get3A_2 : vector<1x1024x384xf32> to vector<1024x384xf32>
    %convert_element_type3A = arith.truncf %get3A_3 : vector<1024x384xf32> to vector<1024x384xbf16>
    %get3A_4 = arith.constant 0 : index
    %get3A_5 = arith.constant 0 : index
    %get3A_6 = vector.load %arg2[%get3A_4, %get3A_5] : memref<384x384xbf16, #tpu.memory_space<vmem>>, vector<384x384xbf16>
    %dot_general3A = arith.constant dense<0.000000e+00> : vector<1024x384xf32>
    %dot_general3A_7 = tpu.matmul %convert_element_type3A, %get3A_6, %dot_general3A {dimension_numbers = #tpu.dot_dimension_numbers<[1], [0], [0], [1], [0, 0, 1, 1], [], []>, transpose_lhs_hint = false} : vector<1024x384xbf16>, vector<384x384xbf16>, vector<1024x384xf32> -> vector<1024x384xf32>
    %convert_element_type3A_8 = arith.truncf %dot_general3A_7 : vector<1024x384xf32> to vector<1024x384xbf16>
    %slice3A = vector.extract_strided_slice %convert_element_type3A_8 {offsets = [0, 0], sizes = [1024, 64], strides = [1, 1]} : vector<1024x384xbf16> to vector<1024x64xbf16>
    %get3A_9 = arith.constant 0 : index
    %get3A_10 = arith.constant 0 : index
    %get3A_11 = vector.load %arg3[%get3A_9, %get3A_10] : memref<1024x1152xbf16, #tpu.memory_space<vmem>>, vector<1024x64xbf16>
    %get3A_12 = arith.constant 0 : index
    %get3A_13 = arith.constant 384 : index
    %get3A_14 = vector.load %arg3[%get3A_12, %get3A_13] : memref<1024x1152xbf16, #tpu.memory_space<vmem>>, vector<1024x128xbf16>
    %dot_general3A_15 = arith.constant dense<0.000000e+00> : vector<1024x1024xf32>
    %dot_general3A_16 = tpu.matmul %slice3A, %get3A_11, %dot_general3A_15 {dimension_numbers = #tpu.dot_dimension_numbers<[1], [1], [0], [0], [0, 0, 1, 0], [], []>, transpose_lhs_hint = false} : vector<1024x64xbf16>, vector<1024x64xbf16>, vector<1024x1024xf32> -> vector<1024x1024xf32>
    %reduce_max3A = arith.constant dense<0xFF800000> : vector<1024xf32>
    %reduce_max3A_17 = vector.multi_reduction <maximumf>, %dot_general3A_16, %reduce_max3A [1] : vector<1024x1024xf32> to vector<1024xf32>
    %broadcast_in_dim3A = vector.shape_cast %reduce_max3A_17 : vector<1024xf32> to vector<1024x1xf32>
    %sub3A = vector.broadcast %broadcast_in_dim3A : vector<1024x1xf32> to vector<1024x1024xf32>
    %sub3A_18 = arith.subf %dot_general3A_16, %sub3A : vector<1024x1024xf32>
    %exp3A = math.exp %sub3A_18 : vector<1024x1024xf32>
    %convert_element_type3A_19 = arith.truncf %exp3A : vector<1024x1024xf32> to vector<1024x1024xbf16>
    %dot_general3A_20 = arith.constant dense<0.000000e+00> : vector<1024x128xf32>
    %dot_general3A_21 = tpu.matmul %convert_element_type3A_19, %get3A_14, %dot_general3A_20 {dimension_numbers = #tpu.dot_dimension_numbers<[1], [0], [0], [1], [0, 0, 1, 1], [], []>, transpose_lhs_hint = false} : vector<1024x1024xbf16>, vector<1024x128xbf16>, vector<1024x128xf32> -> vector<1024x128xf32>
    %slice3A_22 = vector.extract_strided_slice %dot_general3A_21 {offsets = [0, 0], sizes = [1024, 64], strides = [1, 1]} : vector<1024x128xf32> to vector<1024x64xf32>
    %slice3A_23 = vector.extract_strided_slice %dot_general3A_21 {offsets = [0, 64], sizes = [1024, 1], strides = [1, 1]} : vector<1024x128xf32> to vector<1024x1xf32>
    %div3A = vector.broadcast %slice3A_23 : vector<1024x1xf32> to vector<1024x64xf32>
    %div3A_24 = arith.divf %slice3A_22, %div3A : vector<1024x64xf32>
    %slice3A_25 = vector.extract_strided_slice %convert_element_type3A_8 {offsets = [0, 64], sizes = [1024, 64], strides = [1, 1]} : vector<1024x384xbf16> to vector<1024x64xbf16>
    %get3A_26 = arith.constant 0 : index
    %get3A_27 = arith.constant 64 : index
    %get3A_28 = vector.load %arg3[%get3A_26, %get3A_27] : memref<1024x1152xbf16, #tpu.memory_space<vmem>>, vector<1024x64xbf16>
    %get3A_29 = arith.constant 0 : index
    %get3A_30 = arith.constant 512 : index
    %get3A_31 = vector.load %arg3[%get3A_29, %get3A_30] : memref<1024x1152xbf16, #tpu.memory_space<vmem>>, vector<1024x128xbf16>
    %dot_general3A_32 = arith.constant dense<0.000000e+00> : vector<1024x1024xf32>
    %dot_general3A_33 = tpu.matmul %slice3A_25, %get3A_28, %dot_general3A_32 {dimension_numbers = #tpu.dot_dimension_numbers<[1], [1], [0], [0], [0, 0, 1, 0], [], []>, transpose_lhs_hint = false} : vector<1024x64xbf16>, vector<1024x64xbf16>, vector<1024x1024xf32> -> vector<1024x1024xf32>
    %reduce_max3A_34 = arith.constant dense<0xFF800000> : vector<1024xf32>
    %reduce_max3A_35 = vector.multi_reduction <maximumf>, %dot_general3A_33, %reduce_max3A_34 [1] : vector<1024x1024xf32> to vector<1024xf32>
    %broadcast_in_dim3A_36 = vector.shape_cast %reduce_max3A_35 : vector<1024xf32> to vector<1024x1xf32>
    %sub3A_37 = vector.broadcast %broadcast_in_dim3A_36 : vector<1024x1xf32> to vector<1024x1024xf32>
    %sub3A_38 = arith.subf %dot_general3A_33, %sub3A_37 : vector<1024x1024xf32>
    %exp3A_39 = math.exp %sub3A_38 : vector<1024x1024xf32>
    %convert_element_type3A_40 = arith.truncf %exp3A_39 : vector<1024x1024xf32> to vector<1024x1024xbf16>
    %dot_general3A_41 = arith.constant dense<0.000000e+00> : vector<1024x128xf32>
    %dot_general3A_42 = tpu.matmul %convert_element_type3A_40, %get3A_31, %dot_general3A_41 {dimension_numbers = #tpu.dot_dimension_numbers<[1], [0], [0], [1], [0, 0, 1, 1], [], []>, transpose_lhs_hint = false} : vector<1024x1024xbf16>, vector<1024x128xbf16>, vector<1024x128xf32> -> vector<1024x128xf32>
    %slice3A_43 = vector.extract_strided_slice %dot_general3A_42 {offsets = [0, 0], sizes = [1024, 64], strides = [1, 1]} : vector<1024x128xf32> to vector<1024x64xf32>
    %slice3A_44 = vector.extract_strided_slice %dot_general3A_42 {offsets = [0, 64], sizes = [1024, 1], strides = [1, 1]} : vector<1024x128xf32> to vector<1024x1xf32>
    %div3A_45 = vector.broadcast %slice3A_44 : vector<1024x1xf32> to vector<1024x64xf32>
    %div3A_46 = arith.divf %slice3A_43, %div3A_45 : vector<1024x64xf32>
    %slice3A_47 = vector.extract_strided_slice %convert_element_type3A_8 {offsets = [0, 128], sizes = [1024, 64], strides = [1, 1]} : vector<1024x384xbf16> to vector<1024x64xbf16>
    %get3A_48 = arith.constant 0 : index
    %get3A_49 = arith.constant 128 : index
    %get3A_50 = vector.load %arg3[%get3A_48, %get3A_49] : memref<1024x1152xbf16, #tpu.memory_space<vmem>>, vector<1024x64xbf16>
    %get3A_51 = arith.constant 0 : index
    %get3A_52 = arith.constant 640 : index
    %get3A_53 = vector.load %arg3[%get3A_51, %get3A_52] : memref<1024x1152xbf16, #tpu.memory_space<vmem>>, vector<1024x128xbf16>
    %dot_general3A_54 = arith.constant dense<0.000000e+00> : vector<1024x1024xf32>
    %dot_general3A_55 = tpu.matmul %slice3A_47, %get3A_50, %dot_general3A_54 {dimension_numbers = #tpu.dot_dimension_numbers<[1], [1], [0], [0], [0, 0, 1, 0], [], []>, transpose_lhs_hint = false} : vector<1024x64xbf16>, vector<1024x64xbf16>, vector<1024x1024xf32> -> vector<1024x1024xf32>
    %reduce_max3A_56 = arith.constant dense<0xFF800000> : vector<1024xf32>
    %reduce_max3A_57 = vector.multi_reduction <maximumf>, %dot_general3A_55, %reduce_max3A_56 [1] : vector<1024x1024xf32> to vector<1024xf32>
    %broadcast_in_dim3A_58 = vector.shape_cast %reduce_max3A_57 : vector<1024xf32> to vector<1024x1xf32>
    %sub3A_59 = vector.broadcast %broadcast_in_dim3A_58 : vector<1024x1xf32> to vector<1024x1024xf32>
    %sub3A_60 = arith.subf %dot_general3A_55, %sub3A_59 : vector<1024x1024xf32>
    %exp3A_61 = math.exp %sub3A_60 : vector<1024x1024xf32>
    %convert_element_type3A_62 = arith.truncf %exp3A_61 : vector<1024x1024xf32> to vector<1024x1024xbf16>
    %dot_general3A_63 = arith.constant dense<0.000000e+00> : vector<1024x128xf32>
    %dot_general3A_64 = tpu.matmul %convert_element_type3A_62, %get3A_53, %dot_general3A_63 {dimension_numbers = #tpu.dot_dimension_numbers<[1], [0], [0], [1], [0, 0, 1, 1], [], []>, transpose_lhs_hint = false} : vector<1024x1024xbf16>, vector<1024x128xbf16>, vector<1024x128xf32> -> vector<1024x128xf32>
    %slice3A_65 = vector.extract_strided_slice %dot_general3A_64 {offsets = [0, 0], sizes = [1024, 64], strides = [1, 1]} : vector<1024x128xf32> to vector<1024x64xf32>
    %slice3A_66 = vector.extract_strided_slice %dot_general3A_64 {offsets = [0, 64], sizes = [1024, 1], strides = [1, 1]} : vector<1024x128xf32> to vector<1024x1xf32>
    %div3A_67 = vector.broadcast %slice3A_66 : vector<1024x1xf32> to vector<1024x64xf32>
    %div3A_68 = arith.divf %slice3A_65, %div3A_67 : vector<1024x64xf32>
    %slice3A_69 = vector.extract_strided_slice %convert_element_type3A_8 {offsets = [0, 192], sizes = [1024, 64], strides = [1, 1]} : vector<1024x384xbf16> to vector<1024x64xbf16>
    %get3A_70 = arith.constant 0 : index
    %get3A_71 = arith.constant 192 : index
    %get3A_72 = vector.load %arg3[%get3A_70, %get3A_71] : memref<1024x1152xbf16, #tpu.memory_space<vmem>>, vector<1024x64xbf16>
    %get3A_73 = arith.constant 0 : index
    %get3A_74 = arith.constant 768 : index
    %get3A_75 = vector.load %arg3[%get3A_73, %get3A_74] : memref<1024x1152xbf16, #tpu.memory_space<vmem>>, vector<1024x128xbf16>
    %dot_general3A_76 = arith.constant dense<0.000000e+00> : vector<1024x1024xf32>
    %dot_general3A_77 = tpu.matmul %slice3A_69, %get3A_72, %dot_general3A_76 {dimension_numbers = #tpu.dot_dimension_numbers<[1], [1], [0], [0], [0, 0, 1, 0], [], []>, transpose_lhs_hint = false} : vector<1024x64xbf16>, vector<1024x64xbf16>, vector<1024x1024xf32> -> vector<1024x1024xf32>
    %reduce_max3A_78 = arith.constant dense<0xFF800000> : vector<1024xf32>
    %reduce_max3A_79 = vector.multi_reduction <maximumf>, %dot_general3A_77, %reduce_max3A_78 [1] : vector<1024x1024xf32> to vector<1024xf32>
    %broadcast_in_dim3A_80 = vector.shape_cast %reduce_max3A_79 : vector<1024xf32> to vector<1024x1xf32>
    %sub3A_81 = vector.broadcast %broadcast_in_dim3A_80 : vector<1024x1xf32> to vector<1024x1024xf32>
    %sub3A_82 = arith.subf %dot_general3A_77, %sub3A_81 : vector<1024x1024xf32>
    %exp3A_83 = math.exp %sub3A_82 : vector<1024x1024xf32>
    %convert_element_type3A_84 = arith.truncf %exp3A_83 : vector<1024x1024xf32> to vector<1024x1024xbf16>
    %dot_general3A_85 = arith.constant dense<0.000000e+00> : vector<1024x128xf32>
    %dot_general3A_86 = tpu.matmul %convert_element_type3A_84, %get3A_75, %dot_general3A_85 {dimension_numbers = #tpu.dot_dimension_numbers<[1], [0], [0], [1], [0, 0, 1, 1], [], []>, transpose_lhs_hint = false} : vector<1024x1024xbf16>, vector<1024x128xbf16>, vector<1024x128xf32> -> vector<1024x128xf32>
    %slice3A_87 = vector.extract_strided_slice %dot_general3A_86 {offsets = [0, 0], sizes = [1024, 64], strides = [1, 1]} : vector<1024x128xf32> to vector<1024x64xf32>
    %slice3A_88 = vector.extract_strided_slice %dot_general3A_86 {offsets = [0, 64], sizes = [1024, 1], strides = [1, 1]} : vector<1024x128xf32> to vector<1024x1xf32>
    %div3A_89 = vector.broadcast %slice3A_88 : vector<1024x1xf32> to vector<1024x64xf32>
    %div3A_90 = arith.divf %slice3A_87, %div3A_89 : vector<1024x64xf32>
    %slice3A_91 = vector.extract_strided_slice %convert_element_type3A_8 {offsets = [0, 256], sizes = [1024, 64], strides = [1, 1]} : vector<1024x384xbf16> to vector<1024x64xbf16>
    %get3A_92 = arith.constant 0 : index
    %get3A_93 = arith.constant 256 : index
    %get3A_94 = vector.load %arg3[%get3A_92, %get3A_93] : memref<1024x1152xbf16, #tpu.memory_space<vmem>>, vector<1024x64xbf16>
    %get3A_95 = arith.constant 0 : index
    %get3A_96 = arith.constant 896 : index
    %get3A_97 = vector.load %arg3[%get3A_95, %get3A_96] : memref<1024x1152xbf16, #tpu.memory_space<vmem>>, vector<1024x128xbf16>
    %dot_general3A_98 = arith.constant dense<0.000000e+00> : vector<1024x1024xf32>
    %dot_general3A_99 = tpu.matmul %slice3A_91, %get3A_94, %dot_general3A_98 {dimension_numbers = #tpu.dot_dimension_numbers<[1], [1], [0], [0], [0, 0, 1, 0], [], []>, transpose_lhs_hint = false} : vector<1024x64xbf16>, vector<1024x64xbf16>, vector<1024x1024xf32> -> vector<1024x1024xf32>
    %reduce_max3A_100 = arith.constant dense<0xFF800000> : vector<1024xf32>
    %reduce_max3A_101 = vector.multi_reduction <maximumf>, %dot_general3A_99, %reduce_max3A_100 [1] : vector<1024x1024xf32> to vector<1024xf32>
    %broadcast_in_dim3A_102 = vector.shape_cast %reduce_max3A_101 : vector<1024xf32> to vector<1024x1xf32>
    %sub3A_103 = vector.broadcast %broadcast_in_dim3A_102 : vector<1024x1xf32> to vector<1024x1024xf32>
    %sub3A_104 = arith.subf %dot_general3A_99, %sub3A_103 : vector<1024x1024xf32>
    %exp3A_105 = math.exp %sub3A_104 : vector<1024x1024xf32>
    %convert_element_type3A_106 = arith.truncf %exp3A_105 : vector<1024x1024xf32> to vector<1024x1024xbf16>
    %dot_general3A_107 = arith.constant dense<0.000000e+00> : vector<1024x128xf32>
    %dot_general3A_108 = tpu.matmul %convert_element_type3A_106, %get3A_97, %dot_general3A_107 {dimension_numbers = #tpu.dot_dimension_numbers<[1], [0], [0], [1], [0, 0, 1, 1], [], []>, transpose_lhs_hint = false} : vector<1024x1024xbf16>, vector<1024x128xbf16>, vector<1024x128xf32> -> vector<1024x128xf32>
    %slice3A_109 = vector.extract_strided_slice %dot_general3A_108 {offsets = [0, 0], sizes = [1024, 64], strides = [1, 1]} : vector<1024x128xf32> to vector<1024x64xf32>
    %slice3A_110 = vector.extract_strided_slice %dot_general3A_108 {offsets = [0, 64], sizes = [1024, 1], strides = [1, 1]} : vector<1024x128xf32> to vector<1024x1xf32>
    %div3A_111 = vector.broadcast %slice3A_110 : vector<1024x1xf32> to vector<1024x64xf32>
    %div3A_112 = arith.divf %slice3A_109, %div3A_111 : vector<1024x64xf32>
    %slice3A_113 = vector.extract_strided_slice %convert_element_type3A_8 {offsets = [0, 320], sizes = [1024, 64], strides = [1, 1]} : vector<1024x384xbf16> to vector<1024x64xbf16>
    %get3A_114 = arith.constant 0 : index
    %get3A_115 = arith.constant 320 : index
    %get3A_116 = vector.load %arg3[%get3A_114, %get3A_115] : memref<1024x1152xbf16, #tpu.memory_space<vmem>>, vector<1024x64xbf16>
    %get3A_117 = arith.constant 0 : index
    %get3A_118 = arith.constant 1024 : index
    %get3A_119 = vector.load %arg3[%get3A_117, %get3A_118] : memref<1024x1152xbf16, #tpu.memory_space<vmem>>, vector<1024x128xbf16>
    %dot_general3A_120 = arith.constant dense<0.000000e+00> : vector<1024x1024xf32>
    %dot_general3A_121 = tpu.matmul %slice3A_113, %get3A_116, %dot_general3A_120 {dimension_numbers = #tpu.dot_dimension_numbers<[1], [1], [0], [0], [0, 0, 1, 0], [], []>, transpose_lhs_hint = false} : vector<1024x64xbf16>, vector<1024x64xbf16>, vector<1024x1024xf32> -> vector<1024x1024xf32>
    %reduce_max3A_122 = arith.constant dense<0xFF800000> : vector<1024xf32>
    %reduce_max3A_123 = vector.multi_reduction <maximumf>, %dot_general3A_121, %reduce_max3A_122 [1] : vector<1024x1024xf32> to vector<1024xf32>
    %broadcast_in_dim3A_124 = vector.shape_cast %reduce_max3A_123 : vector<1024xf32> to vector<1024x1xf32>
    %sub3A_125 = vector.broadcast %broadcast_in_dim3A_124 : vector<1024x1xf32> to vector<1024x1024xf32>
    %sub3A_126 = arith.subf %dot_general3A_121, %sub3A_125 : vector<1024x1024xf32>
    %exp3A_127 = math.exp %sub3A_126 : vector<1024x1024xf32>
    %convert_element_type3A_128 = arith.truncf %exp3A_127 : vector<1024x1024xf32> to vector<1024x1024xbf16>
    %dot_general3A_129 = arith.constant dense<0.000000e+00> : vector<1024x128xf32>
    %dot_general3A_130 = tpu.matmul %convert_element_type3A_128, %get3A_119, %dot_general3A_129 {dimension_numbers = #tpu.dot_dimension_numbers<[1], [0], [0], [1], [0, 0, 1, 1], [], []>, transpose_lhs_hint = false} : vector<1024x1024xbf16>, vector<1024x128xbf16>, vector<1024x128xf32> -> vector<1024x128xf32>
    %slice3A_131 = vector.extract_strided_slice %dot_general3A_130 {offsets = [0, 0], sizes = [1024, 64], strides = [1, 1]} : vector<1024x128xf32> to vector<1024x64xf32>
    %slice3A_132 = vector.extract_strided_slice %dot_general3A_130 {offsets = [0, 64], sizes = [1024, 1], strides = [1, 1]} : vector<1024x128xf32> to vector<1024x1xf32>
    %div3A_133 = vector.broadcast %slice3A_132 : vector<1024x1xf32> to vector<1024x64xf32>
    %div3A_134 = arith.divf %slice3A_131, %div3A_133 : vector<1024x64xf32>
    %concatenate3A = tpu.concatenate %div3A_24, %div3A_46, %div3A_68, %div3A_90, %div3A_112, %div3A_134 in 1 : vector<1024x64xf32>, vector<1024x64xf32>, vector<1024x64xf32>, vector<1024x64xf32>, vector<1024x64xf32>, vector<1024x64xf32> -> vector<1024x384xf32>
    %convert_element_type3A_135 = arith.truncf %concatenate3A : vector<1024x384xf32> to vector<1024x384xbf16>
    %get3A_136 = arith.constant 0 : index
    %get3A_137 = arith.constant 0 : index
    %get3A_138 = vector.load %arg4[%get3A_136, %get3A_137] : memref<384x384xbf16, #tpu.memory_space<vmem>>, vector<384x384xbf16>
    %dot_general3A_139 = arith.constant dense<0.000000e+00> : vector<1024x384xf32>
    %dot_general3A_140 = tpu.matmul %convert_element_type3A_135, %get3A_138, %dot_general3A_139 {dimension_numbers = #tpu.dot_dimension_numbers<[1], [0], [0], [1], [0, 0, 1, 1], [], []>, transpose_lhs_hint = false} : vector<1024x384xbf16>, vector<384x384xbf16>, vector<1024x384xf32> -> vector<1024x384xf32>
    %get3A_141 = arith.constant 0 : index
    %get3A_142 = arith.constant 0 : index
    %get3A_143 = vector.load %arg5[%get3A_141, %get3A_142] : memref<1x384xf32, #tpu.memory_space<vmem>>, vector<1x384xf32>
    %add3A = vector.broadcast %get3A_143 : vector<1x384xf32> to vector<1024x384xf32>
    %add3A_144 = arith.addf %dot_general3A_140, %add3A : vector<1024x384xf32>
    %swap3A = arith.constant 0 : index
    %swap3A_145 = arith.constant 0 : index
    %swap3A_146 = arith.constant 0 : index
    %swap3A_147 = vector.load %arg6[%swap3A, %swap3A_145, %swap3A_146] : memref<1x1024x384xf32, #tpu.memory_space<vmem>>, vector<1x1024x384xf32>
    %swap3A_148 = vector.shape_cast %swap3A_147 : vector<1x1024x384xf32> to vector<1024x384xf32>
    %swap3A_149 = vector.shape_cast %add3A_144 : vector<1024x384xf32> to vector<1x1024x384xf32>
    tpu.vector_store %arg6[%swap3A, %swap3A_145, %swap3A_146], %swap3A_149 {strides = array<i32>} : memref<1x1024x384xf32, #tpu.memory_space<vmem>>, vector<1x1024x384xf32>,
    return
  }
  func.func @transform_0(%arg0: i32) -> (i32, i32, i32) {
    %c0_i32 = arith.constant 0 : i32
    %c0_i32_0 = arith.constant 0 : i32
    %c0_i32_1 = arith.constant 0 : i32
    return %c0_i32, %arg0, %c0_i32_0 : i32, i32, i32
  }
  func.func @transform_1(%arg0: i32) -> (i32, i32) {
    %c0_i32 = arith.constant 0 : i32
    %c0_i32_0 = arith.constant 0 : i32
    %c0_i32_1 = arith.constant 0 : i32
    return %c0_i32, %c0_i32_0 : i32, i32
  }
  func.func @transform_2(%arg0: i32) -> (i32, i32) {
    %c0_i32 = arith.constant 0 : i32
    %c0_i32_0 = arith.constant 0 : i32
    %c0_i32_1 = arith.constant 0 : i32
    return %c0_i32, %c0_i32_0 : i32, i32
  }
  func.func @transform_3(%arg0: i32) -> (i32, i32) {
    %c0_i32 = arith.constant 0 : i32
    %c0_i32_0 = arith.constant 0 : i32
    %c0_i32_1 = arith.constant 0 : i32
    return %c0_i32, %c0_i32_0 : i32, i32
  }
  func.func @transform_4(%arg0: i32) -> (i32, i32) {
    %c0_i32 = arith.constant 0 : i32
    %c0_i32_0 = arith.constant 0 : i32
    %c0_i32_1 = arith.constant 0 : i32
    return %c0_i32, %c0_i32_0 : i32, i32
  }
  func.func @transform_5(%arg0: i32) -> (i32, i32, i32) {
    %c0_i32 = arith.constant 0 : i32
    %c0_i32_0 = arith.constant 0 : i32
    %c0_i32_1 = arith.constant 0 : i32
    return %c0_i32, %arg0, %c0_i32_0 : i32, i32, i32
  }
}

module attributes {stable_mosaic.version = 14 : i64} {
  func.func @body(%arg0: i32, %arg1: memref<1x1024x384xf32, #tpu.memory_space<vmem>>, %arg2: memref<384x384xbf16, #tpu.memory_space<vmem>>, %arg3: memref<1024x1152xbf16, #tpu.memory_space<vmem>>, %arg4: memref<384x384xbf16, #tpu.memory_space<vmem>>, %arg5: memref<1x384xf32, #tpu.memory_space<vmem>>, %arg6: memref<1x1024x384xf32, #tpu.memory_space<vmem>>, %arg7: memref<1x1024x384xf32, #tpu.memory_space<vmem>>) attributes {dimension_semantics = [#tpu.dimension_semantics<arbitrary>], iteration_bounds = array<i64: 4>, scalar_prefetch = 0 : i64, scratch_operands = 0 : i64, tpu.core_type = #tpu.core_type<tc>, window_params = [{transform_indices = @transform_0, window_bounds = array<i64: 1, 1024, 384>}, {pipeline_mode = #tpu.pipeline_mode<synchronous>, transform_indices = @transform_1, window_bounds = array<i64: 384, 384>}, {pipeline_mode = #tpu.pipeline_mode<synchronous>, transform_indices = @transform_2, window_bounds = array<i64: 1024, 1152>}, {pipeline_mode = #tpu.pipeline_mode<synchronous>, transform_indices = @transform_3, window_bounds = array<i64: 384, 384>}, {pipeline_mode = #tpu.pipeline_mode<synchronous>, transform_indices = @transform_4, window_bounds = array<i64: 1, 384>}, {transform_indices = @transform_5, window_bounds = array<i64: 1, 1024, 384>}, {transform_indices = @transform_6, window_bounds = array<i64: 1, 1024, 384>}]} {
    %get3A = arith.constant 0 : index
    %get3A_0 = arith.constant 0 : index
    %get3A_1 = arith.constant 0 : index
    %get3A_2 = vector.load %arg1[%get3A, %get3A_0, %get3A_1] : memref<1x1024x384xf32, #tpu.memory_space<vmem>>, vector<1x1024x384xf32>
    %get3A_3 = vector.shape_cast %get3A_2 : vector<1x1024x384xf32> to vector<1024x384xf32>
    %convert_element_type3A = arith.truncf %get3A_3 : vector<1024x384xf32> to vector<1024x384xbf16>
    %get3A_4 = arith.constant 0 : index
    %get3A_5 = arith.constant 0 : index
    %get3A_6 = vector.load %arg2[%get3A_4, %get3A_5] : memref<384x384xbf16, #tpu.memory_space<vmem>>, vector<384x384xbf16>
    %dot_general3A = arith.constant dense<0.000000e+00> : vector<1024x384xf32>
    %dot_general3A_7 = tpu.matmul %convert_element_type3A, %get3A_6, %dot_general3A {dimension_numbers = #tpu.dot_dimension_numbers<[1], [0], [0], [1], [0, 0, 1, 1], [], []>, transpose_lhs_hint = false} : vector<1024x384xbf16>, vector<384x384xbf16>, vector<1024x384xf32> -> vector<1024x384xf32>
    %convert_element_type3A_8 = arith.truncf %dot_general3A_7 : vector<1024x384xf32> to vector<1024x384xbf16>
    %slice3A = vector.extract_strided_slice %convert_element_type3A_8 {offsets = [0, 0], sizes = [1024, 64], strides = [1, 1]} : vector<1024x384xbf16> to vector<1024x64xbf16>
    %get3A_9 = arith.constant 0 : index
    %get3A_10 = arith.constant 0 : index
    %get3A_11 = vector.load %arg3[%get3A_9, %get3A_10] : memref<1024x1152xbf16, #tpu.memory_space<vmem>>, vector<1024x64xbf16>
    %get3A_12 = arith.constant 0 : index
    %get3A_13 = arith.constant 384 : index
    %get3A_14 = vector.load %arg3[%get3A_12, %get3A_13] : memref<1024x1152xbf16, #tpu.memory_space<vmem>>, vector<1024x128xbf16>
    %dot_general3A_15 = arith.constant dense<0.000000e+00> : vector<1024x1024xf32>
    %dot_general3A_16 = tpu.matmul %slice3A, %get3A_11, %dot_general3A_15 {dimension_numbers = #tpu.dot_dimension_numbers<[1], [1], [0], [0], [0, 0, 1, 0], [], []>, transpose_lhs_hint = false} : vector<1024x64xbf16>, vector<1024x64xbf16>, vector<1024x1024xf32> -> vector<1024x1024xf32>
    %reduce_max3A = arith.constant dense<0xFF800000> : vector<1024xf32>
    %reduce_max3A_17 = vector.multi_reduction <maximumf>, %dot_general3A_16, %reduce_max3A [1] : vector<1024x1024xf32> to vector<1024xf32>
    %broadcast_in_dim3A = vector.shape_cast %reduce_max3A_17 : vector<1024xf32> to vector<1024x1xf32>
    %sub3A = vector.broadcast %broadcast_in_dim3A : vector<1024x1xf32> to vector<1024x1024xf32>
    %sub3A_18 = arith.subf %dot_general3A_16, %sub3A : vector<1024x1024xf32>
    %exp3A = math.exp %sub3A_18 : vector<1024x1024xf32>
    %convert_element_type3A_19 = arith.truncf %exp3A : vector<1024x1024xf32> to vector<1024x1024xbf16>
    %dot_general3A_20 = arith.constant dense<0.000000e+00> : vector<1024x128xf32>
    %dot_general3A_21 = tpu.matmul %convert_element_type3A_19, %get3A_14, %dot_general3A_20 {dimension_numbers = #tpu.dot_dimension_numbers<[1], [0], [0], [1], [0, 0, 1, 1], [], []>, transpose_lhs_hint = false} : vector<1024x1024xbf16>, vector<1024x128xbf16>, vector<1024x128xf32> -> vector<1024x128xf32>
    %slice3A_22 = vector.extract_strided_slice %dot_general3A_21 {offsets = [0, 0], sizes = [1024, 64], strides = [1, 1]} : vector<1024x128xf32> to vector<1024x64xf32>
    %slice3A_23 = vector.extract_strided_slice %dot_general3A_21 {offsets = [0, 64], sizes = [1024, 1], strides = [1, 1]} : vector<1024x128xf32> to vector<1024x1xf32>
    %div3A = vector.broadcast %slice3A_23 : vector<1024x1xf32> to vector<1024x64xf32>
    %div3A_24 = arith.divf %slice3A_22, %div3A : vector<1024x64xf32>
    %slice3A_25 = vector.extract_strided_slice %convert_element_type3A_8 {offsets = [0, 64], sizes = [1024, 64], strides = [1, 1]} : vector<1024x384xbf16> to vector<1024x64xbf16>
    %get3A_26 = arith.constant 0 : index
    %get3A_27 = arith.constant 64 : index
    %get3A_28 = vector.load %arg3[%get3A_26, %get3A_27] : memref<1024x1152xbf16, #tpu.memory_space<vmem>>, vector<1024x64xbf16>
    %get3A_29 = arith.constant 0 : index
    %get3A_30 = arith.constant 512 : index
    %get3A_31 = vector.load %arg3[%get3A_29, %get3A_30] : memref<1024x1152xbf16, #tpu.memory_space<vmem>>, vector<1024x128xbf16>
    %dot_general3A_32 = arith.constant dense<0.000000e+00> : vector<1024x1024xf32>
    %dot_general3A_33 = tpu.matmul %slice3A_25, %get3A_28, %dot_general3A_32 {dimension_numbers = #tpu.dot_dimension_numbers<[1], [1], [0], [0], [0, 0, 1, 0], [], []>, transpose_lhs_hint = false} : vector<1024x64xbf16>, vector<1024x64xbf16>, vector<1024x1024xf32> -> vector<1024x1024xf32>
    %reduce_max3A_34 = arith.constant dense<0xFF800000> : vector<1024xf32>
    %reduce_max3A_35 = vector.multi_reduction <maximumf>, %dot_general3A_33, %reduce_max3A_34 [1] : vector<1024x1024xf32> to vector<1024xf32>
    %broadcast_in_dim3A_36 = vector.shape_cast %reduce_max3A_35 : vector<1024xf32> to vector<1024x1xf32>
    %sub3A_37 = vector.broadcast %broadcast_in_dim3A_36 : vector<1024x1xf32> to vector<1024x1024xf32>
    %sub3A_38 = arith.subf %dot_general3A_33, %sub3A_37 : vector<1024x1024xf32>
    %exp3A_39 = math.exp %sub3A_38 : vector<1024x1024xf32>
    %convert_element_type3A_40 = arith.truncf %exp3A_39 : vector<1024x1024xf32> to vector<1024x1024xbf16>
    %dot_general3A_41 = arith.constant dense<0.000000e+00> : vector<1024x128xf32>
    %dot_general3A_42 = tpu.matmul %convert_element_type3A_40, %get3A_31, %dot_general3A_41 {dimension_numbers = #tpu.dot_dimension_numbers<[1], [0], [0], [1], [0, 0, 1, 1], [], []>, transpose_lhs_hint = false} : vector<1024x1024xbf16>, vector<1024x128xbf16>, vector<1024x128xf32> -> vector<1024x128xf32>
    %slice3A_43 = vector.extract_strided_slice %dot_general3A_42 {offsets = [0, 0], sizes = [1024, 64], strides = [1, 1]} : vector<1024x128xf32> to vector<1024x64xf32>
    %slice3A_44 = vector.extract_strided_slice %dot_general3A_42 {offsets = [0, 64], sizes = [1024, 1], strides = [1, 1]} : vector<1024x128xf32> to vector<1024x1xf32>
    %div3A_45 = vector.broadcast %slice3A_44 : vector<1024x1xf32> to vector<1024x64xf32>
    %div3A_46 = arith.divf %slice3A_43, %div3A_45 : vector<1024x64xf32>
    %slice3A_47 = vector.extract_strided_slice %convert_element_type3A_8 {offsets = [0, 128], sizes = [1024, 64], strides = [1, 1]} : vector<1024x384xbf16> to vector<1024x64xbf16>
    %get3A_48 = arith.constant 0 : index
    %get3A_49 = arith.constant 128 : index
    %get3A_50 = vector.load %arg3[%get3A_48, %get3A_49] : memref<1024x1152xbf16, #tpu.memory_space<vmem>>, vector<1024x64xbf16>
    %get3A_51 = arith.constant 0 : index
    %get3A_52 = arith.constant 640 : index
    %get3A_53 = vector.load %arg3[%get3A_51, %get3A_52] : memref<1024x1152xbf16, #tpu.memory_space<vmem>>, vector<1024x128xbf16>
    %dot_general3A_54 = arith.constant dense<0.000000e+00> : vector<1024x1024xf32>
    %dot_general3A_55 = tpu.matmul %slice3A_47, %get3A_50, %dot_general3A_54 {dimension_numbers = #tpu.dot_dimension_numbers<[1], [1], [0], [0], [0, 0, 1, 0], [], []>, transpose_lhs_hint = false} : vector<1024x64xbf16>, vector<1024x64xbf16>, vector<1024x1024xf32> -> vector<1024x1024xf32>
    %reduce_max3A_56 = arith.constant dense<0xFF800000> : vector<1024xf32>
    %reduce_max3A_57 = vector.multi_reduction <maximumf>, %dot_general3A_55, %reduce_max3A_56 [1] : vector<1024x1024xf32> to vector<1024xf32>
    %broadcast_in_dim3A_58 = vector.shape_cast %reduce_max3A_57 : vector<1024xf32> to vector<1024x1xf32>
    %sub3A_59 = vector.broadcast %broadcast_in_dim3A_58 : vector<1024x1xf32> to vector<1024x1024xf32>
    %sub3A_60 = arith.subf %dot_general3A_55, %sub3A_59 : vector<1024x1024xf32>
    %exp3A_61 = math.exp %sub3A_60 : vector<1024x1024xf32>
    %convert_element_type3A_62 = arith.truncf %exp3A_61 : vector<1024x1024xf32> to vector<1024x1024xbf16>
    %dot_general3A_63 = arith.constant dense<0.000000e+00> : vector<1024x128xf32>
    %dot_general3A_64 = tpu.matmul %convert_element_type3A_62, %get3A_53, %dot_general3A_63 {dimension_numbers = #tpu.dot_dimension_numbers<[1], [0], [0], [1], [0, 0, 1, 1], [], []>, transpose_lhs_hint = false} : vector<1024x1024xbf16>, vector<1024x128xbf16>, vector<1024x128xf32> -> vector<1024x128xf32>
    %slice3A_65 = vector.extract_strided_slice %dot_general3A_64 {offsets = [0, 0], sizes = [1024, 64], strides = [1, 1]} : vector<1024x128xf32> to vector<1024x64xf32>
    %slice3A_66 = vector.extract_strided_slice %dot_general3A_64 {offsets = [0, 64], sizes = [1024, 1], strides = [1, 1]} : vector<1024x128xf32> to vector<1024x1xf32>
    %div3A_67 = vector.broadcast %slice3A_66 : vector<1024x1xf32> to vector<1024x64xf32>
    %div3A_68 = arith.divf %slice3A_65, %div3A_67 : vector<1024x64xf32>
    %slice3A_69 = vector.extract_strided_slice %convert_element_type3A_8 {offsets = [0, 192], sizes = [1024, 64], strides = [1, 1]} : vector<1024x384xbf16> to vector<1024x64xbf16>
    %get3A_70 = arith.constant 0 : index
    %get3A_71 = arith.constant 192 : index
    %get3A_72 = vector.load %arg3[%get3A_70, %get3A_71] : memref<1024x1152xbf16, #tpu.memory_space<vmem>>, vector<1024x64xbf16>
    %get3A_73 = arith.constant 0 : index
    %get3A_74 = arith.constant 768 : index
    %get3A_75 = vector.load %arg3[%get3A_73, %get3A_74] : memref<1024x1152xbf16, #tpu.memory_space<vmem>>, vector<1024x128xbf16>
    %dot_general3A_76 = arith.constant dense<0.000000e+00> : vector<1024x1024xf32>
    %dot_general3A_77 = tpu.matmul %slice3A_69, %get3A_72, %dot_general3A_76 {dimension_numbers = #tpu.dot_dimension_numbers<[1], [1], [0], [0], [0, 0, 1, 0], [], []>, transpose_lhs_hint = false} : vector<1024x64xbf16>, vector<1024x64xbf16>, vector<1024x1024xf32> -> vector<1024x1024xf32>
    %reduce_max3A_78 = arith.constant dense<0xFF800000> : vector<1024xf32>
    %reduce_max3A_79 = vector.multi_reduction <maximumf>, %dot_general3A_77, %reduce_max3A_78 [1] : vector<1024x1024xf32> to vector<1024xf32>
    %broadcast_in_dim3A_80 = vector.shape_cast %reduce_max3A_79 : vector<1024xf32> to vector<1024x1xf32>
    %sub3A_81 = vector.broadcast %broadcast_in_dim3A_80 : vector<1024x1xf32> to vector<1024x1024xf32>
    %sub3A_82 = arith.subf %dot_general3A_77, %sub3A_81 : vector<1024x1024xf32>
    %exp3A_83 = math.exp %sub3A_82 : vector<1024x1024xf32>
    %convert_element_type3A_84 = arith.truncf %exp3A_83 : vector<1024x1024xf32> to vector<1024x1024xbf16>
    %dot_general3A_85 = arith.constant dense<0.000000e+00> : vector<1024x128xf32>
    %dot_general3A_86 = tpu.matmul %convert_element_type3A_84, %get3A_75, %dot_general3A_85 {dimension_numbers = #tpu.dot_dimension_numbers<[1], [0], [0], [1], [0, 0, 1, 1], [], []>, transpose_lhs_hint = false} : vector<1024x1024xbf16>, vector<1024x128xbf16>, vector<1024x128xf32> -> vector<1024x128xf32>
    %slice3A_87 = vector.extract_strided_slice %dot_general3A_86 {offsets = [0, 0], sizes = [1024, 64], strides = [1, 1]} : vector<1024x128xf32> to vector<1024x64xf32>
    %slice3A_88 = vector.extract_strided_slice %dot_general3A_86 {offsets = [0, 64], sizes = [1024, 1], strides = [1, 1]} : vector<1024x128xf32> to vector<1024x1xf32>
    %div3A_89 = vector.broadcast %slice3A_88 : vector<1024x1xf32> to vector<1024x64xf32>
    %div3A_90 = arith.divf %slice3A_87, %div3A_89 : vector<1024x64xf32>
    %slice3A_91 = vector.extract_strided_slice %convert_element_type3A_8 {offsets = [0, 256], sizes = [1024, 64], strides = [1, 1]} : vector<1024x384xbf16> to vector<1024x64xbf16>
    %get3A_92 = arith.constant 0 : index
    %get3A_93 = arith.constant 256 : index
    %get3A_94 = vector.load %arg3[%get3A_92, %get3A_93] : memref<1024x1152xbf16, #tpu.memory_space<vmem>>, vector<1024x64xbf16>
    %get3A_95 = arith.constant 0 : index
    %get3A_96 = arith.constant 896 : index
    %get3A_97 = vector.load %arg3[%get3A_95, %get3A_96] : memref<1024x1152xbf16, #tpu.memory_space<vmem>>, vector<1024x128xbf16>
    %dot_general3A_98 = arith.constant dense<0.000000e+00> : vector<1024x1024xf32>
    %dot_general3A_99 = tpu.matmul %slice3A_91, %get3A_94, %dot_general3A_98 {dimension_numbers = #tpu.dot_dimension_numbers<[1], [1], [0], [0], [0, 0, 1, 0], [], []>, transpose_lhs_hint = false} : vector<1024x64xbf16>, vector<1024x64xbf16>, vector<1024x1024xf32> -> vector<1024x1024xf32>
    %reduce_max3A_100 = arith.constant dense<0xFF800000> : vector<1024xf32>
    %reduce_max3A_101 = vector.multi_reduction <maximumf>, %dot_general3A_99, %reduce_max3A_100 [1] : vector<1024x1024xf32> to vector<1024xf32>
    %broadcast_in_dim3A_102 = vector.shape_cast %reduce_max3A_101 : vector<1024xf32> to vector<1024x1xf32>
    %sub3A_103 = vector.broadcast %broadcast_in_dim3A_102 : vector<1024x1xf32> to vector<1024x1024xf32>
    %sub3A_104 = arith.subf %dot_general3A_99, %sub3A_103 : vector<1024x1024xf32>
    %exp3A_105 = math.exp %sub3A_104 : vector<1024x1024xf32>
    %convert_element_type3A_106 = arith.truncf %exp3A_105 : vector<1024x1024xf32> to vector<1024x1024xbf16>
    %dot_general3A_107 = arith.constant dense<0.000000e+00> : vector<1024x128xf32>
    %dot_general3A_108 = tpu.matmul %convert_element_type3A_106, %get3A_97, %dot_general3A_107 {dimension_numbers = #tpu.dot_dimension_numbers<[1], [0], [0], [1], [0, 0, 1, 1], [], []>, transpose_lhs_hint = false} : vector<1024x1024xbf16>, vector<1024x128xbf16>, vector<1024x128xf32> -> vector<1024x128xf32>
    %slice3A_109 = vector.extract_strided_slice %dot_general3A_108 {offsets = [0, 0], sizes = [1024, 64], strides = [1, 1]} : vector<1024x128xf32> to vector<1024x64xf32>
    %slice3A_110 = vector.extract_strided_slice %dot_general3A_108 {offsets = [0, 64], sizes = [1024, 1], strides = [1, 1]} : vector<1024x128xf32> to vector<1024x1xf32>
    %div3A_111 = vector.broadcast %slice3A_110 : vector<1024x1xf32> to vector<1024x64xf32>
    %div3A_112 = arith.divf %slice3A_109, %div3A_111 : vector<1024x64xf32>
    %slice3A_113 = vector.extract_strided_slice %convert_element_type3A_8 {offsets = [0, 320], sizes = [1024, 64], strides = [1, 1]} : vector<1024x384xbf16> to vector<1024x64xbf16>
    %get3A_114 = arith.constant 0 : index
    %get3A_115 = arith.constant 320 : index
    %get3A_116 = vector.load %arg3[%get3A_114, %get3A_115] : memref<1024x1152xbf16, #tpu.memory_space<vmem>>, vector<1024x64xbf16>
    %get3A_117 = arith.constant 0 : index
    %get3A_118 = arith.constant 1024 : index
    %get3A_119 = vector.load %arg3[%get3A_117, %get3A_118] : memref<1024x1152xbf16, #tpu.memory_space<vmem>>, vector<1024x128xbf16>
    %dot_general3A_120 = arith.constant dense<0.000000e+00> : vector<1024x1024xf32>
    %dot_general3A_121 = tpu.matmul %slice3A_113, %get3A_116, %dot_general3A_120 {dimension_numbers = #tpu.dot_dimension_numbers<[1], [1], [0], [0], [0, 0, 1, 0], [], []>, transpose_lhs_hint = false} : vector<1024x64xbf16>, vector<1024x64xbf16>, vector<1024x1024xf32> -> vector<1024x1024xf32>
    %reduce_max3A_122 = arith.constant dense<0xFF800000> : vector<1024xf32>
    %reduce_max3A_123 = vector.multi_reduction <maximumf>, %dot_general3A_121, %reduce_max3A_122 [1] : vector<1024x1024xf32> to vector<1024xf32>
    %broadcast_in_dim3A_124 = vector.shape_cast %reduce_max3A_123 : vector<1024xf32> to vector<1024x1xf32>
    %sub3A_125 = vector.broadcast %broadcast_in_dim3A_124 : vector<1024x1xf32> to vector<1024x1024xf32>
    %sub3A_126 = arith.subf %dot_general3A_121, %sub3A_125 : vector<1024x1024xf32>
    %exp3A_127 = math.exp %sub3A_126 : vector<1024x1024xf32>
    %convert_element_type3A_128 = arith.truncf %exp3A_127 : vector<1024x1024xf32> to vector<1024x1024xbf16>
    %dot_general3A_129 = arith.constant dense<0.000000e+00> : vector<1024x128xf32>
    %dot_general3A_130 = tpu.matmul %convert_element_type3A_128, %get3A_119, %dot_general3A_129 {dimension_numbers = #tpu.dot_dimension_numbers<[1], [0], [0], [1], [0, 0, 1, 1], [], []>, transpose_lhs_hint = false} : vector<1024x1024xbf16>, vector<1024x128xbf16>, vector<1024x128xf32> -> vector<1024x128xf32>
    %slice3A_131 = vector.extract_strided_slice %dot_general3A_130 {offsets = [0, 0], sizes = [1024, 64], strides = [1, 1]} : vector<1024x128xf32> to vector<1024x64xf32>
    %slice3A_132 = vector.extract_strided_slice %dot_general3A_130 {offsets = [0, 64], sizes = [1024, 1], strides = [1, 1]} : vector<1024x128xf32> to vector<1024x1xf32>
    %div3A_133 = vector.broadcast %slice3A_132 : vector<1024x1xf32> to vector<1024x64xf32>
    %div3A_134 = arith.divf %slice3A_131, %div3A_133 : vector<1024x64xf32>
    %concatenate3A = tpu.concatenate %div3A_24, %div3A_46, %div3A_68, %div3A_90, %div3A_112, %div3A_134 in 1 : vector<1024x64xf32>, vector<1024x64xf32>, vector<1024x64xf32>, vector<1024x64xf32>, vector<1024x64xf32>, vector<1024x64xf32> -> vector<1024x384xf32>
    %convert_element_type3A_135 = arith.truncf %concatenate3A : vector<1024x384xf32> to vector<1024x384xbf16>
    %get3A_136 = arith.constant 0 : index
    %get3A_137 = arith.constant 0 : index
    %get3A_138 = vector.load %arg4[%get3A_136, %get3A_137] : memref<384x384xbf16, #tpu.memory_space<vmem>>, vector<384x384xbf16>
    %dot_general3A_139 = arith.constant dense<0.000000e+00> : vector<1024x384xf32>
    %dot_general3A_140 = tpu.matmul %convert_element_type3A_135, %get3A_138, %dot_general3A_139 {dimension_numbers = #tpu.dot_dimension_numbers<[1], [0], [0], [1], [0, 0, 1, 1], [], []>, transpose_lhs_hint = false} : vector<1024x384xbf16>, vector<384x384xbf16>, vector<1024x384xf32> -> vector<1024x384xf32>
    %get3A_141 = arith.constant 0 : index
    %get3A_142 = arith.constant 0 : index
    %get3A_143 = vector.load %arg5[%get3A_141, %get3A_142] : memref<1x384xf32, #tpu.memory_space<vmem>>, vector<1x384xf32>
    %add3A = vector.broadcast %get3A_143 : vector<1x384xf32> to vector<1024x384xf32>
    %add3A_144 = arith.addf %dot_general3A_140, %add3A : vector<1024x384xf32>
    %swap3A = arith.constant 0 : index
    %swap3A_145 = arith.constant 0 : index
    %swap3A_146 = arith.constant 0 : index
    %swap3A_147 = vector.load %arg7[%swap3A, %swap3A_145, %swap3A_146] : memref<1x1024x384xf32, #tpu.memory_space<vmem>>, vector<1x1024x384xf32>
    %swap3A_148 = vector.shape_cast %swap3A_147 : vector<1x1024x384xf32> to vector<1024x384xf32>
    %swap3A_149 = vector.shape_cast %add3A_144 : vector<1024x384xf32> to vector<1x1024x384xf32>
    tpu.vector_store %arg7[%swap3A, %swap3A_145, %swap3A_146], %swap3A_149 {strides = array<i32>} : memref<1x1024x384xf32, #tpu.memory_space<vmem>>, vector<1x1024x384xf32>,
    return
  }
  func.func @transform_0(%arg0: i32) -> (i32, i32, i32) {
    %c1_i32 = arith.constant 1 : i32
    %c0_i32 = arith.constant 0 : i32
    %c0_i32_0 = arith.constant 0 : i32
    return %c1_i32, %arg0, %c0_i32 : i32, i32, i32
  }
  func.func @transform_1(%arg0: i32) -> (i32, i32) {
    %c0_i32 = arith.constant 0 : i32
    %c0_i32_0 = arith.constant 0 : i32
    %c0_i32_1 = arith.constant 0 : i32
    return %c0_i32, %c0_i32_0 : i32, i32
  }
  func.func @transform_2(%arg0: i32) -> (i32, i32) {
    %c0_i32 = arith.constant 0 : i32
    %c0_i32_0 = arith.constant 0 : i32
    %c0_i32_1 = arith.constant 0 : i32
    return %c0_i32, %c0_i32_0 : i32, i32
  }
  func.func @transform_3(%arg0: i32) -> (i32, i32) {
    %c0_i32 = arith.constant 0 : i32
    %c0_i32_0 = arith.constant 0 : i32
    %c0_i32_1 = arith.constant 0 : i32
    return %c0_i32, %c0_i32_0 : i32, i32
  }
  func.func @transform_4(%arg0: i32) -> (i32, i32) {
    %c0_i32 = arith.constant 0 : i32
    %c0_i32_0 = arith.constant 0 : i32
    %c0_i32_1 = arith.constant 0 : i32
    return %c0_i32, %c0_i32_0 : i32, i32
  }
  func.func @transform_5(%arg0: i32) -> (i32, i32, i32) {
    %c1_i32 = arith.constant 1 : i32
    %c0_i32 = arith.constant 0 : i32
    %c0_i32_0 = arith.constant 0 : i32
    return %c1_i32, %arg0, %c0_i32 : i32, i32, i32
  }
  func.func @transform_6(%arg0: i32) -> (i32, i32, i32) {
    %c1_i32 = arith.constant 1 : i32
    %c0_i32 = arith.constant 0 : i32
    %c0_i32_0 = arith.constant 0 : i32
    return %c1_i32, %arg0, %c0_i32 : i32, i32, i32
  }
}

</mosaic_0001>

<sc_bundles>
// kernel: gather_offload_async_start.1
scs
__scs_entry_jumppad:
0x0: {  	(pc) =	sbr.rel $0x88, $3  }
0x1: {  	(tag) =	ssettag $0x0;
	lr =	simm.s32 $0x1  }
0x2: {  	[smem:$0x3F96] =	sst lr;
	_ =	strace $0xD0000000  }
0x3: {  	_ = 	snop  }
0x4: {  	_ = 	snop  }
0x5: {  	_ = 	snop  }
0x6: {  	_ = 	snop  }
0x7: {  	_ = 	snop  }
__scs_overlays_trampoline_lowered:
0x8: {  	[smem:$0x3FA5] =	sst s0  }
0x9: {  	[smem:$0x3FA6] =	sst s1  }
0xa: {  	[smem:$0x3FA7] =	sst s2  }
0xb: {  	[smem:$0x3FA8] =	sst s3  }
0xc: {  	[smem:$0x3FA9] =	sst s4  }
0xd: {  	[smem:$0x3FAA] =	sst s5  }
0xe: {  	[smem:$0x3FAB] =	sst s6  }
0xf: {  	[smem:$0x3FAC] =	sst s7  }
0x10: {  	[smem:$0x3FAD] =	sst s8  }
0x11: {  	[smem:$0x3FAE] =	sst s9;
	s0 =	simm.s32 @!p0 $0x0  }
0x12: {  	s1 =	sld [smem:$0x3F94];
	s0 =	simm.s32 @p0 $0x1  }
0x13: {  	[smem:$0x3FAF] =	sst s0;
	s0 =	simm.s32 @!p1 $0x0  }
0x14: {  	s2 =	sld [smem:$0x3F93];
	s0 =	simm.s32 @p1 $0x1  }
0x15: {  	[smem:$0x3FB0] =	sst s0;
	s0 =	simm.s32 @!p2 $0x0  }
0x16: {  	s3 =	sld [smem:$0x3FDB];
	s0 =	simm.s32 @p2 $0x1  }
0x17: {  	s4 =	simm.s32 $0x1BF5;
	[smem:$0x3FB2] =	sst s0  }
0x18: {  	s0 =	sld [smem:$0x3F95];
	_ =	swait.ge [sflag:s4], $0x0  }
0x19: {  	s7 =	sld [smem:$0x3F96]  }
0x1a: {  	s8 =	sadd.s32 $0xFFFFE003, lr  }
0x1b: {  	s9 =	sadd.s32 $0xFFFFFEF7, lr;
	s5 =	simm.s32 $0xFFFFFFFF;
	p2 =	slt.u32 s8, $0xFFFFF086  }
0x1c: {  	p1 =	slt.u32 s9, $0xF7A;
	s5 =	simm.s32 @!p2 $0x0  }
0x1d: {  	s5 =	simm.s32 @p1 $0x1;
	p0 =	seq.s32 s7, s2  }
0x1e: {  	s7 =	smul.u32 @!p0 $0xF7A, s2;
	p2 =	seq.s32 @!p0 s5, $0x0  }
0x1f: {  	s9 =	smul.u32 $0xF7A, s1;
	s8 =	simm.s32 @!p0 $0x1BF5;
	p2 =	por !p2, p0  }
0x20: {  	[sflag:s8] =	ssyncset.s32 @!p0 $0xFFFFF086;
	s6 =	sadd.s32 @!p0 s3, s7;
	s7 =	simm.s32 @!p0 $0x108  }
0x21: {  	s3 =	sadd.s32 s3, s9;
	s6 =	sadd.s32 @!p0 $0x88, s6;
	s7 =	simm.s32 @p2 $0x1082  }
0x22: {  	[simem:s7], [sflag:s8] =	dma.local @!p0 [hbm:s6], $0xF7A  }
0x23: {  	s9 =	sor.u32 $0xD0000000, s2;
	s6 =	simm.s32 $0x108;
	_ =	swait.ge @!p0 [sflag:s8], $0x0  }
0x24: {  	s3 =	sadd.s32 $0x88, s3;
	s6 =	simm.s32 @!p1 $0x1082;
	[sflag:s4] =	ssyncset.s32 $0xFFFFF086  }
0x25: {  	[simem:s6], [sflag:s4] =	dma.local [hbm:s3], $0xF7A  }
0x26: {  	[smem:$0x3F96] =	sst s1;
	(tag) =	ssettag s2;
	_ =	strace s9  }
0x27: {  	s1 =	sld [smem:$0x3FA6]  }
0x28: {  	s2 =	sld [smem:$0x3FA7]  }
0x29: {  	s4 =	sld [smem:$0x3FA9]  }
0x2a: {  	p0 =	seq.s32 s5, $0x0;
	s5 =	sld [smem:$0x3FAA]  }
0x2b: {  	s6 =	sld [smem:$0x3FAB]  }
0x2c: {  	s7 =	sld [smem:$0x3FAC]  }
0x2d: {  	s3 =	simm.s32 $0x108;
	s8 =	sld [smem:$0x3FAD]  }
0x2e: {  	s3 =	simm.s32 @!p0 $0x1082;
	s9 =	sld [smem:$0x3FAE]  }
0x2f: {  	lr =	sadd.s32 s0, s3;
	s0 =	sld [smem:$0x3FA5]  }
0x30: {  	s3 =	sld [smem:$0x3FA8]  }
0x31: {  	[smem:$0x3FB1] =	sst s10  }
0x32: {  	s10 =	sld [smem:$0x3FAF];
	_ =	sdelay $0x3  }
0x33: {  	p0 =	seq.s32 s10, $0x1;
	s10 =	sld [smem:$0x3FB1];
	_ =	sdelay $0x3  }
0x34: {  	[smem:$0x3FB1] =	sst s10  }
0x35: {  	s10 =	sld [smem:$0x3FB0];
	_ =	sdelay $0x3  }
0x36: {  	p1 =	seq.s32 s10, $0x1;
	s10 =	sld [smem:$0x3FB1];
	_ =	sdelay $0x3  }
0x37: {  	[smem:$0x3FB1] =	sst s10  }
0x38: {  	s10 =	sld [smem:$0x3FB2]  }
0x39: {  	_ = 	snop;
	(pc) =	sbr.ind lr, $3  }
0x3a: {  	_ = 	snop  }
0x3b: {  	_ = 	snop  }
0x3c: {  	p2 =	seq.s32 s10, $0x1;
	s10 =	sld [smem:$0x3FB1]  }
0x3d: {  	_ =	shalt  }
0x3e: {  	_ =	shalt  }
0x3f: {  	_ =	shalt  }
0x40: {  	_ =	shalt  }
0x41: {  	_ =	shalt  }
0x42: {  	_ =	shalt  }
0x43: {  	_ =	shalt  }
0x44: {  	_ =	shalt  }
0x45: {  	_ =	shalt  }
0x46: {  	_ =	shalt  }
0x47: {  	_ =	shalt  }
0x48: {  	_ =	shalt  }
0x49: {  	_ =	shalt  }
0x4a: {  	_ =	shalt  }
0x4b: {  	_ =	shalt  }
0x4c: {  	_ =	shalt  }
0x4d: {  	_ =	shalt  }
0x4e: {  	_ =	shalt  }
0x4f: {  	_ =	shalt  }
0x50: {  	_ =	shalt  }
0x51: {  	_ =	shalt  }
0x52: {  	_ =	shalt  }
0x53: {  	_ =	shalt  }
0x54: {  	_ =	shalt  }
0x55: {  	_ =	shalt  }
0x56: {  	_ =	shalt  }
0x57: {  	_ =	shalt  }
0x58: {  	_ =	shalt  }
0x59: {  	_ =	shalt  }
0x5a: {  	_ =	shalt  }
0x5b: {  	_ =	shalt  }
0x5c: {  	_ =	shalt  }
0x5d: {  	_ =	shalt  }
0x5e: {  	_ =	shalt  }
0x5f: {  	_ =	shalt  }
0x60: {  	_ =	shalt  }
0x61: {  	_ =	shalt  }
0x62: {  	_ =	shalt  }
0x63: {  	_ =	shalt  }
0x64: {  	_ =	shalt  }
0x65: {  	_ =	shalt  }
0x66: {  	_ =	shalt  }
0x67: {  	_ =	shalt  }
0x68: {  	_ =	shalt  }
0x69: {  	_ =	shalt  }
0x6a: {  	_ =	shalt  }
0x6b: {  	_ =	shalt  }
0x6c: {  	_ =	shalt  }
0x6d: {  	_ =	shalt  }
0x6e: {  	_ =	shalt  }
0x6f: {  	_ =	shalt  }
0x70: {  	_ =	shalt  }
0x71: {  	_ =	shalt  }
0x72: {  	_ =	shalt  }
0x73: {  	_ =	shalt  }
0x74: {  	_ =	shalt  }
0x75: {  	_ =	shalt  }
0x76: {  	_ =	shalt  }
0x77: {  	_ =	shalt  }
0x78: {  	_ =	shalt  }
0x79: {  	_ =	shalt  }
0x7a: {  	_ =	shalt  }
0x7b: {  	_ =	shalt  }
0x7c: {  	_ =	shalt  }
0x7d: {  	_ =	shalt  }
0x7e: {  	_ =	shalt  }
0x7f: {  	_ =	shalt  }
0x80: {  	_ =	shalt  }
0x81: {  	_ =	shalt  }
0x82: {  	_ =	shalt  }
0x83: {  	_ =	shalt  }
0x84: {  	_ =	shalt  }
0x85: {  	_ =	shalt  }
0x86: {  	_ =	shalt  }
0x87: {  	_ =	shalt  }
.Lfunc_end0:
.L_simem_size_0:
called_computation.1_lowered:
.L_overlay_start_0:
0x88: {  	s2 =	sld [smem:$0x3FD9]  }
0x89: {  	s3 =	sld [smem:$0x3FFE];
	_ =	sdelay $0x1  }
0x8a: {  	s1 =	srdreg.scid  }
0x8b: {  	s0 =	sand.u32 $0x1, s1  }
0x8c: {  	s17 =	sshll.u32 s0, $0xA;
	s2 =	sadd.s32 s3, s2  }
0x8d: {  	s2 =	sadd.s32 s2, s17  }
0x8e: {  	[smem:$0x3FBD] =	sst s2  }
0x8f: {  	_ = 	snop  }
0x90: {  	s18 =	sld [smem:$0x3FC7]  }
0x91: {  	s4 =	sld [smem:$0x3FD0];
	(tm) =	ssettm $0x1  }
0x92: {  	s19 =	sld [smem:$0x3FFB];
	_ =	sdelay $0x3  }
0x93: {  	_ =	strace s19  }
0x94: {  	s2 =	sld [smem:$0x3FFC];
	_ =	sdelay $0x3  }
0x95: {  	_ =	strace s2  }
0x96: {  	s2 =	sld [smem:$0x3FFD];
	_ =	sdelay $0x3  }
0x97: {  	_ =	strace s2  }
0x98: {  	_ =	strace $0x8FFFFFFF  }
0x99: {  	s20 =	sld [smem:$0x3FDB];
	_ =	sdelay $0x1  }
0x9a: {  	s5 =	simm.s32 $_scs_section_size  }
0x9b: {  	s6 =	simm.s32 $_size__tile_overlayer_lowered;
	s7 =	simm.s32 $_tile_overlayer_lowered  }
0x9c: {  	s8 =	simm.s32 $0x1BFF;
	s21 =	sshll.u32 s7, $0x1;
	s5 =	sadd.s32 s5, s20  }
0x9d: {  	s22 =	simm.s32 $0x0;
	s6 =	sshll.u32 s6, $0x1;
	s7 =	sadd.s32 s21, s5  }
0x9e: {  	[timem:s22], [sflag:s8] =	dma.local [hbm:s7], s6  }
0x9f: {  	_ =	swait.ge [sflag:s8], s6  }
0xa0: {  	s6 =	ssub.s32 $0x0, s6;
	[sflag:s8] =	ssyncset.done $0x0  }
0xa1: {  	[sflag:s8] =	ssyncadd.s32 s6;
	_ =	sdelay $0x1  }
0xa2: {  	s23 =	simm.s32 $0x1B8B  }
0xa3: {  	_ =	swait.ge [sflag:s23], $0x1  }
0xa4: {  	[sflag:s23] =	ssyncset.done $0x0  }
0xa5: {  	[sflag:s23] =	ssyncadd.s32 $0xFFFFFFFF  }
0xa6: {  	s6 =	sld [smem:$0x0]  }
0xa7: {  	s7 =	sand.u32 $0xFFFFFFFE, s1  }
0xa8: {  	p0 =	sne.s32 s1, s7  }
0xa9: {  	s7 =	sshll.u32 @p0 s7, $0xE  }
0xaa: {  	s7 =	sadd.s32 @p0 $0x11B8D, s7;
	s8 =	sshll.u32 @p0 s6, $0x11  }
0xab: {  	s7 =	sor.u32 @p0 s8, s7  }
0xac: {  	[sflag:s7] =	ssyncadd.remote.s32 @p0 $0x1;
	_ =	sdelay $0x1  }
0xad: {  	s7 =	simm.s32 @p0 $0x1B8D  }
0xae: {  	_ =	swait.eq @p0 [sflag:s7], $0x1  }
0xaf: {  	[sflag:s7] =	ssyncadd.s32 @p0 $0xFFFFFFFF  }
0xb0: {  	s8 =	sshll.u32 @!p0 s1, $0xE  }
0xb1: {  	s8 =	sor.u32 @!p0 $0x4000, s8;
	s7 =	simm.s32 @!p0 $0x1B8D  }
0xb2: {  	s6 =	sshll.u32 @!p0 s6, $0x11;
	s8 =	sadd.s32 @!p0 $0x11B8D, s8;
	_ =	swait.eq @!p0 [sflag:s7], $0x1  }
0xb3: {  	s6 =	sor.u32 @!p0 s6, s8;
	[sflag:s7] =	ssyncadd.s32 @!p0 $0xFFFFFFFF  }
0xb4: {  	s25 =	simm.s32 $0x1B8E;
	s24 =	sld [smem:$0x3FFE];
	[sflag:s6] =	ssyncadd.remote.s32 @!p0 $0x1  }
0xb5: {  	s26 =	simm.s32 $execute0_lowered;
	[smem:$0x3FD2] =	sst s25  }
0xb6: {  	s7 =	sshll.u32 s26, $0x1;
	_ =	strace $0x80000049;
	[dreg:$0x1] =	wrdreg $0xFFFFFFFF  }
0xb7: {  	s28 =	simm.s32 $_size_execute0_lowered;
	s5 =	sadd.s32 s5, s7;
	[dreg:$0x0] =	wrdreg $0x0  }
0xb8: {  	s7 =	sshll.u32 s28, $0x1;
	[dreg:$0x2] =	wrdreg s5  }
0xb9: {  	[dreg:$0x3] =	wrdreg s7  }
0xba: {  	[dreg:$0x4] =	wrdreg $0xC0  }
0xbb: {  	_ =	task [dreg:s22], $0x5FFFF  }
0xbc: {  	[dreg:$0x1] =	wrdreg $0xFFFFFFFF  }
0xbd: {  	[dreg:$0x0] =	wrdreg $0x60  }
0xbe: {  	[dreg:$0x2] =	wrdreg s18  }
0xbf: {  	[dreg:$0x3] =	wrdreg s4  }
0xc0: {  	[dreg:$0x4] =	wrdreg s24  }
0xc1: {  	[dreg:$0x5] =	wrdreg $0x9  }
0xc2: {  	_ =	task.clear_ibuf [dreg:s22], $0x6FFFF;
	_ =	strace $0x90000049  }
0xc3: {  	s29 =	simm.s32 $0x9;
	_ =	strace $0x8000004B  }
0xc4: {  	_ =	swait.ge [sflag:s29], $0x1  }
0xc5: {  	[sflag:s29] =	ssyncadd.s32 $0xFFFFFFFF  }
0xc6: {  	_ =	strace $0x9000004B  }
0xc7: {  	_ =	sfence  }
0xc8: {  	s30 =	sld [smem:$0x0];
	_ =	sdelay $0x2  }
0xc9: {  	s31 =	sshll.u32 s1, $0xD;
	s1 =	sshrl.u32 s1, $0x2  }
0xca: {  	s4 =	sand.u32 $0x4000, s31;
	s1 =	sadd.s32 s1, s30  }
0xcb: {  	s0 =	sor.u32 s4, s0;
	s1 =	sshll.u32 s1, $0x11  }
0xcc: {  	s0 =	sor.u32 s1, s0  }
0xcd: {  	s0 =	sadd.s32 $0x8F2B, s0  }
0xce: {  	[sflag:s0] =	ssyncadd.remote.s32 $0x1  }
0xcf: {  	_ =	sfence.sel $0xFFFF  }
0xd0: {  	[dreg:$0x0] =	wrdreg $0xFFFFFFFF;
	(pc) =	sbr.abs _section_cstart, $3  }
0xd1: {  	[dreg:$0x1] =	wrdreg $0xFFFFFFFF  }
0xd2: {  	_ =	task.clear_ibuf [dreg:s22], $0x2FFFF;
	_ =	strace $0x9FFFFFFF  }
0xd3: {  	(tm) =	ssettm $0x7FFFFFFF  }
tec
execute0_lowered:
.L_overlay_start_1:
0x0: {  	(tag) =	ssettag $0x1  }
0x1: {  	s2 =	rddreg [dreg:$0x0]  }
0x2: {  	s1 =	srdreg.scid;
	s3 =	rddreg [dreg:$0x1]  }
0x3: {  	s0 =	stileid.u32;
	s5 =	rddreg [dreg:$0x2]  }
0x4: {  	s9 =	simm.s32 $0x1;
	s10 =	simm.s32 $0x3;
	s1 =	sshll.u32 s1, $0x8  }
0x5: {  	s13 =	simm.s32 $0x0;
	s4 =	sshll.u32 s0, $0x9;
	s6 =	sand.u32 $0x100, s1  }
0x6: {  	s12 =	simm.s32 $0x0;
	s5 =	sadd.s32 $0x1200, s5;
	s4 =	sor.u32 s4, s6  }
0x7: {  	s1 =	rddreg [dreg:$0x3];
	_ =	strace $0x8000004A;
	s8 =	ssub.s32 $0x4000, s4  }
.Ltmp0:
0x8: {  	s6 =	simm.s32 $0x1;
	s7 =	sand.u32 $0x1F00, s8;
	(pc) =	sbr.rel .LBB2_1-.Ltmp0, $4  }
0x9: {  	[sflag:s6] =	ssyncpa.u1 $0x0;
	s11 =	smov.u32 s4;
	p0 =	sne.s32 s7, $0x0  }
0xa: {  	s8 =	sshrl.u32 s8, $0xD;
	s7 =	simm.s32 $0x2;
	s9 =	simm.s32 @!p0 $0x0  }
0xb: {  	[sflag:s7] =	ssyncpa.u1 $0x0;
	p0 =	por $0x0, $0x0;
	s8 =	sadd.s32 s9, s8  }
0xc: {  	vm0 =	vmmov $0xffff;
	[sflag:s10] =	ssyncpa.u1 $0x0;
	s10 =	simm.s32 $0x0;
	s9 =	sadd.s32 $0x1, s8  }
.LBB2_4:
0xd: {  	v5 =	vld.msk [tilespmem:s18+$0x0 ss:$0x1], $0xffff  }
0xe: {  	v6 =	vand.u32 $0x1, v1;
	v7 =	vshrl.u32 v1, $0x1  }
0xf: {  	v3 =	vor.u32 v4, v3;
	vm1 =	veq.s32 v1, $0x80000000;
	v53 =	vand.u32 $0x3FFF, v7  }
0x10: {  	v2 =	vor.u32 v2, v3;
	v54 =	vsel vm1, $0xFFFFFFFF, v6;
	v1 =	vsel vm1, $0xFFFFFFFF, v53  }
0x11: {  	v6 =	vshll.u32 v54, $0x7;
	v3 =	vand.u32 $0xFFFF8000, v54;
	v55 =	vand.u32 $0x7F, v1  }
0x12: {  	v1 =	vshll.u32 v1, $0x1;
	v6 =	vand.u32 $0x80, v6;
	v56 =	vshrl.u32 v5, $0x1  }
0x13: {  	v1 =	vand.u32 $0xFFFFFF00, v1;
	vm1 =	veq.s32 v5, $0x80000000;
	v57 =	vand.u32 $0x3FFF, v56  }
0x14: {  	v1 =	vadd.s32 v3, v1;
	v5 =	vand.u32 $0x1, v5;
	v3 =	vsel vm1, $0xFFFFFFFF, v57  }
0x15: {  	v1 =	vor.u32 v6, v1;
	v5 =	vsel vm1, $0xFFFFFFFF, v5;
	v58 =	vshll.u32 v3, $0x1  }
0x16: {  	v59 =	vshll.u32 v5, $0x7;
	v5 =	vand.u32 $0xFFFF8000, v5;
	v6 =	vand.u32 $0xFFFFFF00, v58  }
0x17: {  	v1 =	vor.u32 v55, v1;
	v61 =	vand.u32 $0x80, v59;
	v60 =	vadd.s32 v5, v6  }
0x18: {  	[tilespmem:s16], [sflag:$0x1] =	stream.indirect_vreg.gather [hbm4b:s2+s10], $0x1, v0, vm0, $0x4038;
	v62 =	vand.u32 $0x7F, v3;
	v63 =	vor.u32 v61, v60;
	[tilespmem:$0x400] =	vst v63  }
0x19: {  	(ifvalue) =	ssetifvalue $0x7FFFFFFF;
	v0 =	vor.u32 v62, v63  }
0x1a: {  	[tilespmem:s15], [sflag:$0x1] =	stream.indirect_vreg.gather [hbm4b:s2+s10], $0x1, v2, vm0, $0x4038;
	[tilespmem:$0x400] =	vst v63  }
0x1b: {  	s29 =	sadd.s32 $0x10, s15;
	(ifvalue) =	ssetifvalue $0x7FFFFFFF  }
0x1c: {  	[tilespmem:s29], [sflag:$0x1] =	stream.indirect_vreg.gather [hbm4b:s2+s10], $0x1, v1, vm0, $0x4038;
	[tilespmem:$0x400] =	vst v63  }
0x1d: {  	s15 =	sadd.s32 $0x10, s29;
	(ifvalue) =	ssetifvalue $0x7FFFFFFF  }
0x1e: {  	[tilespmem:s15], [sflag:$0x1] =	stream.indirect_vreg.gather [hbm4b:s2+s10], $0x1, v0, vm0, $0x4038;
	[tilespmem:$0x400] =	vst v63  }
0x1f: {  	_ =	swait.ge [sflag:s6], $0x100  }
0x20: {  	s30 =	sshrl.u32 s13, $0x3;
	[sflag:s6] =	ssyncset.done $0x0  }
0x21: {  	s31 =	sand.u32 $0x7, s13;
	s15 =	sadd.s32 s5, s30;
	[sflag:s6] =	ssyncadd.s32 $0xFFFFFF00  }
0x22: {  	[hbm4b:s15+s31] =	stream.linear.scatter [tilespmem:s14], [sflag:$0x3], $0x100, $0x38;
	[tilespmem:$0x400] =	vst v63  }
.LBB2_5:
0x23: {  	s15 =	sadd.s32 $0x2000, s11  }
0x24: {  	p2 =	sgt.s32 s15, $0x3FFF  }
0x25: {  	s15 =	smov.u32 @p2 s4;
	p2 =	sne.s32 s12, s9  }
.Ltmp1:
0x26: {  	p1 =	slt.u32 s12, $0x2;
	(pc) =	sbr.rel @!p2 .LBB2_6-.Ltmp1, $4  }
0x27: {  	s14 =	simm.s32 @!p1 $0x3  }
0x28: {  	s16 =	sadd.s32 $0x1, s12;
	_ =	swait.ge @!p1 [sflag:s14], $0x100  }
0x29: {  	s13 =	smov.u32 s11;
	p0 =	por !p0, !p0;
	[sflag:s14] =	ssyncset.done @!p1 $0x0  }
0x2a: {  	s12 =	smov.u32 s16;
	s11 =	smov.u32 s15;
	[sflag:s14] =	ssyncadd.s32 @!p1 $0xFFFFFF00  }
.LBB2_1:
0x2b: {  	p1 =	sge.u32 s12, s8  }
0x2c: {  	s14 =	sxor.u32 @!p1 $0xFFFFFFFF, s12  }
0x2d: {  	s31 =	sadd.s32 $0xFFFFFFFF, s12;
	s15 =	sshrl.u32 @!p1 s11, $0x3;
	s14 =	sshll.u32 @!p1 s14, $0x8  }
0x2e: {  	s16 =	sand.u32 @!p1 $0x7, s11;
	s15 =	sadd.s32 @!p1 s3, s15;
	s14 =	sand.u32 @!p1 $0x100, s14  }
0x2f: {  	[tilespmem:s14], [sflag:$0x2] =	stream.linear.gather @!p1 [hbm4b:s15+s16], $0x100, $0x38;
	[tilespmem:$0x400] =	vst v63  }
0x30: {  	p1 =	sge.u32 s31, s8  }
.Ltmp2:
0x31: {  	_ = 	snop;
	(pc) =	sbr.rel @p1 .LBB2_5-.Ltmp2, $1  }
0x32: {  	_ =	sdelay $0x3  }
0x33: {  	s14 =	simm.s32 $0x1  }
0x34: {  	_ =	swait.ge [sflag:s7], $0x100;
	s14 =	simm.s32 @!p0 $0x0  }
0x35: {  	[sflag:s7] =	ssyncset.done $0x0;
	s14 =	sshll.u32 s14, $0x8  }
0x36: {  	[sflag:s7] =	ssyncadd.s32 $0xFFFFFF00;
	(ifvalue) =	ssetifvalue $0x7FFFFFFF;
	v0 =	vld.msk [tilespmem:s14+$0x0 ss:$0x1], $0xffff;
	_ =	sdelay $0x4  }
0x37: {  	s15 =	sadd.s32 $0x10, s14;
	v2 =	vshrl.u32 v0, $0x1  }
0x38: {  	v1 =	vld.msk [tilespmem:s15+$0x0 ss:$0x1], $0xffff;
	vm1 =	veq.s32 v0, $0x80000000;
	v2 =	vand.u32 $0x3FFF, v2  }
0x39: {  	v0 =	vand.u32 $0x1, v0;
	v2 =	vsel vm1, $0xFFFFFFFF, v2  }
0x3a: {  	v0 =	vsel vm1, $0xFFFFFFFF, v0;
	v3 =	vshll.u32 v2, $0x1  }
0x3b: {  	v4 =	vand.u32 $0xFFFF8000, v0;
	v0 =	vshll.u32 v0, $0x7;
	v3 =	vand.u32 $0xFFFFFF00, v3  }
0x3c: {  	v0 =	vand.u32 $0x80, v0;
	v3 =	vadd.s32 v4, v3  }
0x3d: {  	v2 =	vand.u32 $0x7F, v2;
	v4 =	vshrl.u32 v1, $0x1;
	v0 =	vor.u32 v0, v3  }
0x3e: {  	vm1 =	veq.s32 v1, $0x80000000;
	v4 =	vand.u32 $0x3FFF, v4;
	v0 =	vor.u32 v2, v0  }
0x3f: {  	s16 =	sshll.u32 s12, $0x8;
	s15 =	sadd.s32 $0x10, s15;
	v1 =	vand.u32 $0x1, v1;
	v3 =	vsel vm1, $0xFFFFFFFF, v4  }
0x40: {  	s17 =	sand.u32 $0x100, s16;
	v2 =	vsel vm1, $0xFFFFFFFF, v1;
	v1 =	vld.msk [tilespmem:s15+$0x0 ss:$0x1], $0xffff;
	v4 =	vshll.u32 v3, $0x1  }
0x41: {  	s16 =	sor.u32 $0x200, s14;
	s14 =	sor.u32 $0x200, s17;
	s17 =	simm.s32 $0x30;
	v5 =	vshll.u32 v2, $0x7;
	v6 =	vand.u32 $0xFFFF8000, v2;
	v4 =	vand.u32 $0xFFFFFF00, v4  }
0x42: {  	s18 =	sadd.s32 $0x10, s15;
	(ifvalue) =	ssetifvalue $0x7FFFFFFF;
	s15 =	sadd.s32 $0x10, s16;
	v2 =	vand.u32 $0x7F, v3;
	v3 =	vadd.s32 v6, v4;
	v4 =	vand.u32 $0x80, v5  }
.LBB2_3:
0x43: {  	[tilespmem:s16], [sflag:$0x1] =	stream.indirect_vreg.gather [hbm4b:s2+s10], $0x1, v0, vm0, $0x4038;
	[tilespmem:$0x400] =	vst v63  }
0x44: {  	s17 =	sadd.s32 $0x10, s17  }
0x45: {  	v5 =	vand.u32 $0x1, v1;
	v6 =	vshrl.u32 v1, $0x1;
	v3 =	vor.u32 v4, v3;
	v0 =	vmovc v1;
	v1 =	vld.msk [tilespmem:s18+$0x0 ss:$0x1], $0xffff;
	p1 =	slt.u32 s17, $0xF0  }
.Ltmp3:
0x46: {  	s16 =	smov.u32 s15;
	vm1 =	veq.s32 v0, $0x80000000;
	v4 =	vand.u32 $0x3FFF, v6;
	v0 =	vor.u32 v2, v3;
	(pc) =	sbr.rel @p1 .LBB2_3-.Ltmp3, $4  }
0x47: {  	v3 =	vsel vm1, $0xFFFFFFFF, v5;
	v4 =	vsel vm1, $0xFFFFFFFF, v4  }
0x48: {  	v2 =	vand.u32 $0x7F, v4;
	v4 =	vshll.u32 v4, $0x1;
	v5 =	vshll.u32 v3, $0x7  }
0x49: {  	v3 =	vand.u32 $0xFFFF8000, v3;
	v4 =	vand.u32 $0xFFFFFF00, v4  }
0x4a: {  	s18 =	sadd.s32 $0x10, s18;
	s15 =	sadd.s32 $0x10, s15;
	v3 =	vadd.s32 v3, v4;
	v4 =	vand.u32 $0x80, v5;
	(ifvalue) =	ssetifvalue $0x7FFFFFFF  }
.Ltmp4:
0x4b: {  	_ = 	snop;
	(pc) =	sbr.rel .LBB2_4-.Ltmp4, $1  }
0x4c: {  	_ =	sdelay $0x3  }
.LBB2_6:
0x4d: {  	_ =	sfence.sel $0x180000  }
0x4e: {  	s2 =	simm.s32 $0x2;
	[bflag:$0x0] =	sbarrier.arrive $0xFFFF  }
0x4f: {  	s30 =	simm.s32 $0x3;
	[sflag:s2] =	ssyncpa.u1 $0x1  }
0x50: {  	s31 =	simm.s32 $0x1;
	[sflag:s30] =	ssyncpa.u1 $0x1  }
0x51: {  	[sflag:s31] =	ssyncpa.u1 $0x1  }
0x52: {  	p0 =	sne.s32 s0, $0x0;
	_ =	strace $0x9000004A  }
0x53: {  	s0 =	sadd.s32 @!p0 $0x100000, s1;
	[bflag:$0x2] =	sbarrier.arrive $0xFFFF  }
0x54: {  	[sflag:s0] =	ssyncadd.tile.s32 @!p0 $0x1;
	_ =	shalt  }
.Lfunc_end2:
_tile_overlayer_lowered:
.L_overlay_start_2:
0x55: {  	(tag) =	ssettag $0x2  }
0x56: {  	s0 =	rddreg [dreg:$0x0];
	s2 =	stileid.u32  }
0x57: {  	s1 =	rddreg [dreg:$0x1];
	p0 =	sne.s32 s2, $0x0  }
0x58: {  	s3 =	rddreg [dreg:$0x2];
	[bflag:$0x3] =	sbarrier.arrive $0xFFFF;
	s2 =	simm.s32 @!p0 $0x1C01  }
0x59: {  	[timem:s3], [sflag:s2] =	dma.local @!p0 [hbm:s0], s1  }
0x5a: {  	s0 =	simm.s32 @!p0 $0x1  }
0x5b: {  	_ =	swait.ge @!p0 [sflag:s0], s1  }
0x5c: {  	s1 =	ssub.s32 @!p0 $0x0, s1;
	[sflag:s0] =	ssyncset.done @!p0 $0x0  }
0x5d: {  	[sflag:s0] =	ssyncadd.s32 @!p0 s1  }
0x5e: {  	[bflag:$0x3] =	sbarrier.arrive $0xFFFF  }
0x5f: {  	_ =	shalt  }

// kernel: gather_offload_async_start
scs
__scs_entry_jumppad:
0x0: {  	(pc) =	sbr.rel $0x88, $3  }
0x1: {  	(tag) =	ssettag $0x0;
	lr =	simm.s32 $0x1  }
0x2: {  	[smem:$0x3F96] =	sst lr;
	_ =	strace $0xD0000000  }
0x3: {  	_ = 	snop  }
0x4: {  	_ = 	snop  }
0x5: {  	_ = 	snop  }
0x6: {  	_ = 	snop  }
0x7: {  	_ = 	snop  }
__scs_overlays_trampoline_lowered:
0x8: {  	[smem:$0x3FA5] =	sst s0  }
0x9: {  	[smem:$0x3FA6] =	sst s1  }
0xa: {  	[smem:$0x3FA7] =	sst s2  }
0xb: {  	[smem:$0x3FA8] =	sst s3  }
0xc: {  	[smem:$0x3FA9] =	sst s4  }
0xd: {  	[smem:$0x3FAA] =	sst s5  }
0xe: {  	[smem:$0x3FAB] =	sst s6  }
0xf: {  	[smem:$0x3FAC] =	sst s7  }
0x10: {  	[smem:$0x3FAD] =	sst s8  }
0x11: {  	[smem:$0x3FAE] =	sst s9;
	s0 =	simm.s32 @!p0 $0x0  }
0x12: {  	s1 =	sld [smem:$0x3F94];
	s0 =	simm.s32 @p0 $0x1  }
0x13: {  	[smem:$0x3FAF] =	sst s0;
	s0 =	simm.s32 @!p1 $0x0  }
0x14: {  	s2 =	sld [smem:$0x3F93];
	s0 =	simm.s32 @p1 $0x1  }
0x15: {  	[smem:$0x3FB0] =	sst s0;
	s0 =	simm.s32 @!p2 $0x0  }
0x16: {  	s3 =	sld [smem:$0x3FDB];
	s0 =	simm.s32 @p2 $0x1  }
0x17: {  	s4 =	simm.s32 $0x1BF5;
	[smem:$0x3FB2] =	sst s0  }
0x18: {  	s0 =	sld [smem:$0x3F95];
	_ =	swait.ge [sflag:s4], $0x0  }
0x19: {  	s7 =	sld [smem:$0x3F96]  }
0x1a: {  	s8 =	sadd.s32 $0xFFFFE003, lr  }
0x1b: {  	s9 =	sadd.s32 $0xFFFFFEF7, lr;
	s5 =	simm.s32 $0xFFFFFFFF;
	p2 =	slt.u32 s8, $0xFFFFF086  }
0x1c: {  	p1 =	slt.u32 s9, $0xF7A;
	s5 =	simm.s32 @!p2 $0x0  }
0x1d: {  	s5 =	simm.s32 @p1 $0x1;
	p0 =	seq.s32 s7, s2  }
0x1e: {  	s7 =	smul.u32 @!p0 $0xF7A, s2;
	p2 =	seq.s32 @!p0 s5, $0x0  }
0x1f: {  	s9 =	smul.u32 $0xF7A, s1;
	s8 =	simm.s32 @!p0 $0x1BF5;
	p2 =	por !p2, p0  }
0x20: {  	[sflag:s8] =	ssyncset.s32 @!p0 $0xFFFFF086;
	s6 =	sadd.s32 @!p0 s3, s7;
	s7 =	simm.s32 @!p0 $0x108  }
0x21: {  	s3 =	sadd.s32 s3, s9;
	s6 =	sadd.s32 @!p0 $0x88, s6;
	s7 =	simm.s32 @p2 $0x1082  }
0x22: {  	[simem:s7], [sflag:s8] =	dma.local @!p0 [hbm:s6], $0xF7A  }
0x23: {  	s9 =	sor.u32 $0xD0000000, s2;
	s6 =	simm.s32 $0x108;
	_ =	swait.ge @!p0 [sflag:s8], $0x0  }
0x24: {  	s3 =	sadd.s32 $0x88, s3;
	s6 =	simm.s32 @!p1 $0x1082;
	[sflag:s4] =	ssyncset.s32 $0xFFFFF086  }
0x25: {  	[simem:s6], [sflag:s4] =	dma.local [hbm:s3], $0xF7A  }
0x26: {  	[smem:$0x3F96] =	sst s1;
	(tag) =	ssettag s2;
	_ =	strace s9  }
0x27: {  	s1 =	sld [smem:$0x3FA6]  }
0x28: {  	s2 =	sld [smem:$0x3FA7]  }
0x29: {  	s4 =	sld [smem:$0x3FA9]  }
0x2a: {  	p0 =	seq.s32 s5, $0x0;
	s5 =	sld [smem:$0x3FAA]  }
0x2b: {  	s6 =	sld [smem:$0x3FAB]  }
0x2c: {  	s7 =	sld [smem:$0x3FAC]  }
0x2d: {  	s3 =	simm.s32 $0x108;
	s8 =	sld [smem:$0x3FAD]  }
0x2e: {  	s3 =	simm.s32 @!p0 $0x1082;
	s9 =	sld [smem:$0x3FAE]  }
0x2f: {  	lr =	sadd.s32 s0, s3;
	s0 =	sld [smem:$0x3FA5]  }
0x30: {  	s3 =	sld [smem:$0x3FA8]  }
0x31: {  	[smem:$0x3FB1] =	sst s10  }
0x32: {  	s10 =	sld [smem:$0x3FAF];
	_ =	sdelay $0x3  }
0x33: {  	p0 =	seq.s32 s10, $0x1;
	s10 =	sld [smem:$0x3FB1];
	_ =	sdelay $0x3  }
0x34: {  	[smem:$0x3FB1] =	sst s10  }
0x35: {  	s10 =	sld [smem:$0x3FB0];
	_ =	sdelay $0x3  }
0x36: {  	p1 =	seq.s32 s10, $0x1;
	s10 =	sld [smem:$0x3FB1];
	_ =	sdelay $0x3  }
0x37: {  	[smem:$0x3FB1] =	sst s10  }
0x38: {  	s10 =	sld [smem:$0x3FB2]  }
0x39: {  	_ = 	snop;
	(pc) =	sbr.ind lr, $3  }
0x3a: {  	_ = 	snop  }
0x3b: {  	_ = 	snop  }
0x3c: {  	p2 =	seq.s32 s10, $0x1;
	s10 =	sld [smem:$0x3FB1]  }
0x3d: {  	_ =	shalt  }
0x3e: {  	_ =	shalt  }
0x3f: {  	_ =	shalt  }
0x40: {  	_ =	shalt  }
0x41: {  	_ =	shalt  }
0x42: {  	_ =	shalt  }
0x43: {  	_ =	shalt  }
0x44: {  	_ =	shalt  }
0x45: {  	_ =	shalt  }
0x46: {  	_ =	shalt  }
0x47: {  	_ =	shalt  }
0x48: {  	_ =	shalt  }
0x49: {  	_ =	shalt  }
0x4a: {  	_ =	shalt  }
0x4b: {  	_ =	shalt  }
0x4c: {  	_ =	shalt  }
0x4d: {  	_ =	shalt  }
0x4e: {  	_ =	shalt  }
0x4f: {  	_ =	shalt  }
0x50: {  	_ =	shalt  }
0x51: {  	_ =	shalt  }
0x52: {  	_ =	shalt  }
0x53: {  	_ =	shalt  }
0x54: {  	_ =	shalt  }
0x55: {  	_ =	shalt  }
0x56: {  	_ =	shalt  }
0x57: {  	_ =	shalt  }
0x58: {  	_ =	shalt  }
0x59: {  	_ =	shalt  }
0x5a: {  	_ =	shalt  }
0x5b: {  	_ =	shalt  }
0x5c: {  	_ =	shalt  }
0x5d: {  	_ =	shalt  }
0x5e: {  	_ =	shalt  }
0x5f: {  	_ =	shalt  }
0x60: {  	_ =	shalt  }
0x61: {  	_ =	shalt  }
0x62: {  	_ =	shalt  }
0x63: {  	_ =	shalt  }
0x64: {  	_ =	shalt  }
0x65: {  	_ =	shalt  }
0x66: {  	_ =	shalt  }
0x67: {  	_ =	shalt  }
0x68: {  	_ =	shalt  }
0x69: {  	_ =	shalt  }
0x6a: {  	_ =	shalt  }
0x6b: {  	_ =	shalt  }
0x6c: {  	_ =	shalt  }
0x6d: {  	_ =	shalt  }
0x6e: {  	_ =	shalt  }
0x6f: {  	_ =	shalt  }
0x70: {  	_ =	shalt  }
0x71: {  	_ =	shalt  }
0x72: {  	_ =	shalt  }
0x73: {  	_ =	shalt  }
0x74: {  	_ =	shalt  }
0x75: {  	_ =	shalt  }
0x76: {  	_ =	shalt  }
0x77: {  	_ =	shalt  }
0x78: {  	_ =	shalt  }
0x79: {  	_ =	shalt  }
0x7a: {  	_ =	shalt  }
0x7b: {  	_ =	shalt  }
0x7c: {  	_ =	shalt  }
0x7d: {  	_ =	shalt  }
0x7e: {  	_ =	shalt  }
0x7f: {  	_ =	shalt  }
0x80: {  	_ =	shalt  }
0x81: {  	_ =	shalt  }
0x82: {  	_ =	shalt  }
0x83: {  	_ =	shalt  }
0x84: {  	_ =	shalt  }
0x85: {  	_ =	shalt  }
0x86: {  	_ =	shalt  }
0x87: {  	_ =	shalt  }
.Lfunc_end0:
.L_simem_size_0:
called_computation_lowered:
.L_overlay_start_0:
0x88: {  	s2 =	sld [smem:$0x3FD9]  }
0x89: {  	s3 =	sld [smem:$0x3FFE];
	_ =	sdelay $0x1  }
0x8a: {  	s1 =	srdreg.scid  }
0x8b: {  	s0 =	sand.u32 $0x1, s1  }
0x8c: {  	s17 =	sshll.u32 s0, $0xA;
	s2 =	sadd.s32 s3, s2  }
0x8d: {  	s2 =	sadd.s32 s2, s17  }
0x8e: {  	[smem:$0x3FBD] =	sst s2  }
0x8f: {  	_ = 	snop  }
0x90: {  	s2 =	sld [smem:$0x3FC7];
	(tm) =	ssettm $0x1  }
0x91: {  	s18 =	sld [smem:$0x3FFB];
	_ =	sdelay $0x3  }
0x92: {  	_ =	strace s18  }
0x93: {  	s3 =	sld [smem:$0x3FFC];
	_ =	sdelay $0x3  }
0x94: {  	_ =	strace s3  }
0x95: {  	s3 =	sld [smem:$0x3FFD];
	_ =	sdelay $0x3  }
0x96: {  	_ =	strace s3  }
0x97: {  	_ =	strace $0x8FFFFFFF  }
0x98: {  	s19 =	sld [smem:$0x3FDB];
	_ =	sdelay $0x1  }
0x99: {  	s4 =	simm.s32 $_scs_section_size  }
0x9a: {  	s5 =	simm.s32 $_size__tile_overlayer_lowered;
	s6 =	simm.s32 $_tile_overlayer_lowered  }
0x9b: {  	s22 =	simm.s32 $0x1BFF;
	s21 =	sshll.u32 s6, $0x1;
	s3 =	sadd.s32 s4, s19  }
0x9c: {  	s7 =	simm.s32 $0x0;
	s20 =	sshll.u32 s5, $0x1;
	s5 =	sadd.s32 s21, s3  }
0x9d: {  	[timem:s7], [sflag:s22] =	dma.local [hbm:s5], s20  }
0x9e: {  	_ =	swait.ge [sflag:s22], s20  }
0x9f: {  	s4 =	ssub.s32 $0x0, s20;
	[sflag:s22] =	ssyncset.done $0x0  }
0xa0: {  	[sflag:s22] =	ssyncadd.s32 s4;
	_ =	sdelay $0x1  }
0xa1: {  	s23 =	simm.s32 $0x1B8B  }
0xa2: {  	_ =	swait.ge [sflag:s23], $0x1  }
0xa3: {  	[sflag:s23] =	ssyncset.done $0x0  }
0xa4: {  	s25 =	simm.s32 $0x1B8E;
	s24 =	sld [smem:$0x3FFE];
	[sflag:s23] =	ssyncadd.s32 $0xFFFFFFFF  }
0xa5: {  	s26 =	simm.s32 $execute0_lowered;
	[smem:$0x3FD2] =	sst s25  }
0xa6: {  	s5 =	sshll.u32 s26, $0x1;
	_ =	strace $0x80000046;
	[dreg:$0x1] =	wrdreg $0xFFFFFFFF  }
0xa7: {  	s28 =	simm.s32 $_size_execute0_lowered;
	s3 =	sadd.s32 s3, s5;
	[dreg:$0x0] =	wrdreg $0x0  }
0xa8: {  	s5 =	sshll.u32 s28, $0x1;
	[dreg:$0x2] =	wrdreg s3  }
0xa9: {  	[dreg:$0x3] =	wrdreg s5  }
0xaa: {  	[dreg:$0x4] =	wrdreg $0xC0  }
0xab: {  	_ =	task [dreg:s7], $0x5FFFF  }
0xac: {  	[dreg:$0x1] =	wrdreg $0xFFFFFFFF  }
0xad: {  	[dreg:$0x0] =	wrdreg $0x60  }
0xae: {  	[dreg:$0x2] =	wrdreg s2  }
0xaf: {  	[dreg:$0x3] =	wrdreg s24  }
0xb0: {  	[dreg:$0x4] =	wrdreg $0xA  }
0xb1: {  	_ =	task.clear_ibuf [dreg:s7], $0x5FFFF;
	_ =	strace $0x90000046  }
0xb2: {  	s29 =	simm.s32 $0xA;
	_ =	strace $0x80000048  }
0xb3: {  	_ =	swait.ge [sflag:s29], $0x1  }
0xb4: {  	[sflag:s29] =	ssyncadd.s32 $0xFFFFFFFF  }
0xb5: {  	_ =	strace $0x90000048  }
0xb6: {  	_ =	sfence  }
0xb7: {  	s30 =	sld [smem:$0x0];
	_ =	sdelay $0x2  }
0xb8: {  	s31 =	sshll.u32 s1, $0xD;
	s1 =	sshrl.u32 s1, $0x2  }
0xb9: {  	s3 =	sand.u32 $0x4000, s31;
	s1 =	sadd.s32 s1, s30  }
0xba: {  	s0 =	sor.u32 s3, s0;
	s1 =	sshll.u32 s1, $0x11  }
0xbb: {  	s0 =	sor.u32 s1, s0  }
0xbc: {  	s0 =	sadd.s32 $0x8F2B, s0  }
0xbd: {  	[sflag:s0] =	ssyncadd.remote.s32 $0x1  }
0xbe: {  	_ =	sfence.sel $0xFFFF  }
0xbf: {  	[dreg:$0x0] =	wrdreg $0xFFFFFFFF;
	(pc) =	sbr.abs _section_cstart, $3  }
0xc0: {  	[dreg:$0x1] =	wrdreg $0xFFFFFFFF  }
0xc1: {  	_ =	task.clear_ibuf [dreg:s7], $0x2FFFF;
	_ =	strace $0x9FFFFFFF  }
0xc2: {  	(tm) =	ssettm $0x7FFFFFFF  }
0xc3: {  	_ =	shalt  }
tec
execute0_lowered:
.L_overlay_start_1:
0x0: {  	(tag) =	ssettag $0x1  }
0x1: {  	s1 =	srdreg.scid;
	s2 =	rddreg [dreg:$0x0]  }
0x2: {  	s0 =	stileid.u32;
	s5 =	rddreg [dreg:$0x1];
	s6 =	simm.s32 $0x1  }
0x3: {  	s9 =	simm.s32 $0x1;
	s10 =	simm.s32 $0x3;
	s1 =	sshll.u32 s1, $0x8  }
0x4: {  	s13 =	simm.s32 $0x0;
	s3 =	sshll.u32 s0, $0x9;
	s4 =	sand.u32 $0x100, s1  }
0x5: {  	s12 =	simm.s32 $0x0;
	s1 =	rddreg [dreg:$0x2];
	s3 =	sor.u32 s3, s4  }
0x6: {  	_ =	strace $0x80000047;
	s4 =	sadd.s32 $0x200, s5;
	s8 =	ssub.s32 $0x4000, s3  }
.Ltmp0:
0x7: {  	s5 =	sadd.s32 $0xA00, s5;
	s7 =	sand.u32 $0x1F00, s8;
	(pc) =	sbr.rel .LBB2_1-.Ltmp0, $4  }
0x8: {  	[sflag:s6] =	ssyncpa.u1 $0x0;
	s11 =	smov.u32 s3;
	p0 =	sne.s32 s7, $0x0  }
0x9: {  	s8 =	sshrl.u32 s8, $0xD;
	s7 =	simm.s32 $0x2;
	s9 =	simm.s32 @!p0 $0x0  }
0xa: {  	[sflag:s7] =	ssyncpa.u1 $0x0;
	p0 =	por $0x0, $0x0;
	s8 =	sadd.s32 s9, s8  }
0xb: {  	vm0 =	vmmov $0xffff;
	[sflag:s10] =	ssyncpa.u1 $0x0;
	s10 =	simm.s32 $0x0;
	s9 =	sadd.s32 $0x1, s8  }
.LBB2_4:
0xc: {  	v5 =	vld.msk [tilespmem:s18+$0x0 ss:$0x1], $0xffff  }
0xd: {  	v6 =	vand.u32 $0x1, v1;
	v7 =	vshrl.u32 v1, $0x1  }
0xe: {  	v3 =	vor.u32 v4, v3;
	vm1 =	veq.s32 v1, $0x80000000;
	v53 =	vand.u32 $0x3FFF, v7  }
0xf: {  	v2 =	vor.u32 v2, v3;
	v54 =	vsel vm1, $0xFFFFFFFF, v6;
	v1 =	vsel vm1, $0xFFFFFFFF, v53  }
0x10: {  	v6 =	vshll.u32 v54, $0x7;
	v3 =	vand.u32 $0xFFFF8000, v54;
	v55 =	vand.u32 $0x7F, v1  }
0x11: {  	v1 =	vshll.u32 v1, $0x1;
	v6 =	vand.u32 $0x80, v6;
	v56 =	vshrl.u32 v5, $0x1  }
0x12: {  	v1 =	vand.u32 $0xFFFFFF00, v1;
	vm1 =	veq.s32 v5, $0x80000000;
	v57 =	vand.u32 $0x3FFF, v56  }
0x13: {  	v1 =	vadd.s32 v3, v1;
	v5 =	vand.u32 $0x1, v5;
	v3 =	vsel vm1, $0xFFFFFFFF, v57  }
0x14: {  	v1 =	vor.u32 v6, v1;
	v5 =	vsel vm1, $0xFFFFFFFF, v5;
	v58 =	vshll.u32 v3, $0x1  }
0x15: {  	v59 =	vshll.u32 v5, $0x7;
	v5 =	vand.u32 $0xFFFF8000, v5;
	v6 =	vand.u32 $0xFFFFFF00, v58  }
0x16: {  	v1 =	vor.u32 v55, v1;
	v61 =	vand.u32 $0x80, v59;
	v60 =	vadd.s32 v5, v6  }
0x17: {  	[tilespmem:s16], [sflag:$0x1] =	stream.indirect_vreg.gather [hbm4b:s2+s10], $0x1, v0, vm0, $0x4038;
	v62 =	vand.u32 $0x7F, v3;
	v63 =	vor.u32 v61, v60;
	[tilespmem:$0x400] =	vst v63  }
0x18: {  	(ifvalue) =	ssetifvalue $0x7FFFFFFF;
	v0 =	vor.u32 v62, v63  }
0x19: {  	[tilespmem:s15], [sflag:$0x1] =	stream.indirect_vreg.gather [hbm4b:s2+s10], $0x1, v2, vm0, $0x4038;
	[tilespmem:$0x400] =	vst v63  }
0x1a: {  	s29 =	sadd.s32 $0x10, s15;
	(ifvalue) =	ssetifvalue $0x7FFFFFFF  }
0x1b: {  	[tilespmem:s29], [sflag:$0x1] =	stream.indirect_vreg.gather [hbm4b:s2+s10], $0x1, v1, vm0, $0x4038;
	[tilespmem:$0x400] =	vst v63  }
0x1c: {  	s15 =	sadd.s32 $0x10, s29;
	(ifvalue) =	ssetifvalue $0x7FFFFFFF  }
0x1d: {  	[tilespmem:s15], [sflag:$0x1] =	stream.indirect_vreg.gather [hbm4b:s2+s10], $0x1, v0, vm0, $0x4038;
	[tilespmem:$0x400] =	vst v63  }
0x1e: {  	_ =	swait.ge [sflag:s6], $0x100  }
0x1f: {  	s30 =	sshrl.u32 s13, $0x3;
	[sflag:s6] =	ssyncset.done $0x0  }
0x20: {  	s31 =	sand.u32 $0x7, s13;
	s15 =	sadd.s32 s5, s30;
	[sflag:s6] =	ssyncadd.s32 $0xFFFFFF00  }
0x21: {  	[hbm4b:s15+s31] =	stream.linear.scatter [tilespmem:s14], [sflag:$0x3], $0x100, $0x38;
	[tilespmem:$0x400] =	vst v63  }
.LBB2_5:
0x22: {  	s15 =	sadd.s32 $0x2000, s11  }
0x23: {  	p2 =	sgt.s32 s15, $0x3FFF  }
0x24: {  	s15 =	smov.u32 @p2 s3;
	p2 =	sne.s32 s12, s9  }
.Ltmp1:
0x25: {  	p1 =	slt.u32 s12, $0x2;
	(pc) =	sbr.rel @!p2 .LBB2_6-.Ltmp1, $4  }
0x26: {  	s14 =	simm.s32 @!p1 $0x3  }
0x27: {  	s16 =	sadd.s32 $0x1, s12;
	_ =	swait.ge @!p1 [sflag:s14], $0x100  }
0x28: {  	s13 =	smov.u32 s11;
	p0 =	por !p0, !p0;
	[sflag:s14] =	ssyncset.done @!p1 $0x0  }
0x29: {  	s12 =	smov.u32 s16;
	s11 =	smov.u32 s15;
	[sflag:s14] =	ssyncadd.s32 @!p1 $0xFFFFFF00  }
.LBB2_1:
0x2a: {  	p1 =	sge.u32 s12, s8  }
0x2b: {  	s14 =	sxor.u32 @!p1 $0xFFFFFFFF, s12  }
0x2c: {  	s31 =	sadd.s32 $0xFFFFFFFF, s12;
	s15 =	sshrl.u32 @!p1 s11, $0x3;
	s14 =	sshll.u32 @!p1 s14, $0x8  }
0x2d: {  	s16 =	sand.u32 @!p1 $0x7, s11;
	s15 =	sadd.s32 @!p1 s4, s15;
	s14 =	sand.u32 @!p1 $0x100, s14  }
0x2e: {  	[tilespmem:s14], [sflag:$0x2] =	stream.linear.gather @!p1 [hbm4b:s15+s16], $0x100, $0x38;
	[tilespmem:$0x400] =	vst v63  }
0x2f: {  	p1 =	sge.u32 s31, s8  }
.Ltmp2:
0x30: {  	_ = 	snop;
	(pc) =	sbr.rel @p1 .LBB2_5-.Ltmp2, $1  }
0x31: {  	_ =	sdelay $0x3  }
0x32: {  	s14 =	simm.s32 $0x1  }
0x33: {  	_ =	swait.ge [sflag:s7], $0x100;
	s14 =	simm.s32 @!p0 $0x0  }
0x34: {  	[sflag:s7] =	ssyncset.done $0x0;
	s14 =	sshll.u32 s14, $0x8  }
0x35: {  	[sflag:s7] =	ssyncadd.s32 $0xFFFFFF00;
	(ifvalue) =	ssetifvalue $0x7FFFFFFF;
	v0 =	vld.msk [tilespmem:s14+$0x0 ss:$0x1], $0xffff;
	_ =	sdelay $0x4  }
0x36: {  	s15 =	sadd.s32 $0x10, s14;
	v2 =	vshrl.u32 v0, $0x1  }
0x37: {  	v1 =	vld.msk [tilespmem:s15+$0x0 ss:$0x1], $0xffff;
	vm1 =	veq.s32 v0, $0x80000000;
	v2 =	vand.u32 $0x3FFF, v2  }
0x38: {  	v0 =	vand.u32 $0x1, v0;
	v2 =	vsel vm1, $0xFFFFFFFF, v2  }
0x39: {  	v0 =	vsel vm1, $0xFFFFFFFF, v0;
	v3 =	vshll.u32 v2, $0x1  }
0x3a: {  	v4 =	vand.u32 $0xFFFF8000, v0;
	v0 =	vshll.u32 v0, $0x7;
	v3 =	vand.u32 $0xFFFFFF00, v3  }
0x3b: {  	v0 =	vand.u32 $0x80, v0;
	v3 =	vadd.s32 v4, v3  }
0x3c: {  	v2 =	vand.u32 $0x7F, v2;
	v4 =	vshrl.u32 v1, $0x1;
	v0 =	vor.u32 v0, v3  }
0x3d: {  	vm1 =	veq.s32 v1, $0x80000000;
	v4 =	vand.u32 $0x3FFF, v4;
	v0 =	vor.u32 v2, v0  }
0x3e: {  	s16 =	sshll.u32 s12, $0x8;
	s15 =	sadd.s32 $0x10, s15;
	v1 =	vand.u32 $0x1, v1;
	v3 =	vsel vm1, $0xFFFFFFFF, v4  }
0x3f: {  	s17 =	sand.u32 $0x100, s16;
	v2 =	vsel vm1, $0xFFFFFFFF, v1;
	v1 =	vld.msk [tilespmem:s15+$0x0 ss:$0x1], $0xffff;
	v4 =	vshll.u32 v3, $0x1  }
0x40: {  	s16 =	sor.u32 $0x200, s14;
	s14 =	sor.u32 $0x200, s17;
	s17 =	simm.s32 $0x30;
	v5 =	vshll.u32 v2, $0x7;
	v6 =	vand.u32 $0xFFFF8000, v2;
	v4 =	vand.u32 $0xFFFFFF00, v4  }
0x41: {  	s18 =	sadd.s32 $0x10, s15;
	(ifvalue) =	ssetifvalue $0x7FFFFFFF;
	s15 =	sadd.s32 $0x10, s16;
	v2 =	vand.u32 $0x7F, v3;
	v3 =	vadd.s32 v6, v4;
	v4 =	vand.u32 $0x80, v5  }
.LBB2_3:
0x42: {  	[tilespmem:s16], [sflag:$0x1] =	stream.indirect_vreg.gather [hbm4b:s2+s10], $0x1, v0, vm0, $0x4038;
	[tilespmem:$0x400] =	vst v63  }
0x43: {  	s17 =	sadd.s32 $0x10, s17  }
0x44: {  	v5 =	vand.u32 $0x1, v1;
	v6 =	vshrl.u32 v1, $0x1;
	v3 =	vor.u32 v4, v3;
	v0 =	vmovc v1;
	v1 =	vld.msk [tilespmem:s18+$0x0 ss:$0x1], $0xffff;
	p1 =	slt.u32 s17, $0xF0  }
.Ltmp3:
0x45: {  	s16 =	smov.u32 s15;
	vm1 =	veq.s32 v0, $0x80000000;
	v4 =	vand.u32 $0x3FFF, v6;
	v0 =	vor.u32 v2, v3;
	(pc) =	sbr.rel @p1 .LBB2_3-.Ltmp3, $4  }
0x46: {  	v3 =	vsel vm1, $0xFFFFFFFF, v5;
	v4 =	vsel vm1, $0xFFFFFFFF, v4  }
0x47: {  	v2 =	vand.u32 $0x7F, v4;
	v4 =	vshll.u32 v4, $0x1;
	v5 =	vshll.u32 v3, $0x7  }
0x48: {  	v3 =	vand.u32 $0xFFFF8000, v3;
	v4 =	vand.u32 $0xFFFFFF00, v4  }
0x49: {  	s18 =	sadd.s32 $0x10, s18;
	s15 =	sadd.s32 $0x10, s15;
	v3 =	vadd.s32 v3, v4;
	v4 =	vand.u32 $0x80, v5;
	(ifvalue) =	ssetifvalue $0x7FFFFFFF  }
.Ltmp4:
0x4a: {  	_ = 	snop;
	(pc) =	sbr.rel .LBB2_4-.Ltmp4, $1  }
0x4b: {  	_ =	sdelay $0x3  }
.LBB2_6:
0x4c: {  	_ =	sfence.sel $0x180000  }
0x4d: {  	s2 =	simm.s32 $0x2;
	[bflag:$0x0] =	sbarrier.arrive $0xFFFF  }
0x4e: {  	s30 =	simm.s32 $0x3;
	[sflag:s2] =	ssyncpa.u1 $0x1  }
0x4f: {  	s31 =	simm.s32 $0x1;
	[sflag:s30] =	ssyncpa.u1 $0x1  }
0x50: {  	[sflag:s31] =	ssyncpa.u1 $0x1  }
0x51: {  	p0 =	sne.s32 s0, $0x0;
	_ =	strace $0x90000047  }
0x52: {  	s0 =	sadd.s32 @!p0 $0x100000, s1;
	[bflag:$0x2] =	sbarrier.arrive $0xFFFF  }
0x53: {  	[sflag:s0] =	ssyncadd.tile.s32 @!p0 $0x1;
	_ =	shalt  }
.Lfunc_end2:
_tile_overlayer_lowered:
.L_overlay_start_2:
0x54: {  	(tag) =	ssettag $0x2  }
0x55: {  	s0 =	rddreg [dreg:$0x0];
	s2 =	stileid.u32  }
0x56: {  	s1 =	rddreg [dreg:$0x1];
	p0 =	sne.s32 s2, $0x0  }
0x57: {  	s3 =	rddreg [dreg:$0x2];
	[bflag:$0x3] =	sbarrier.arrive $0xFFFF;
	s2 =	simm.s32 @!p0 $0x1C01  }
0x58: {  	[timem:s3], [sflag:s2] =	dma.local @!p0 [hbm:s0], s1  }
0x59: {  	s0 =	simm.s32 @!p0 $0x1  }
0x5a: {  	_ =	swait.ge @!p0 [sflag:s0], s1  }
0x5b: {  	s1 =	ssub.s32 @!p0 $0x0, s1;
	[sflag:s0] =	ssyncset.done @!p0 $0x0  }
0x5c: {  	[sflag:s0] =	ssyncadd.s32 @!p0 s1  }
0x5d: {  	[bflag:$0x3] =	sbarrier.arrive $0xFFFF  }
0x5e: {  	_ =	shalt  }

// kernel: kernel.11.cloned.1.call-start
scs
__scs_entry_jumppad:
0x0: {  	(pc) =	sbr.rel $0x88, $3  }
0x1: {  	(tag) =	ssettag $0x0;
	lr =	simm.s32 $0x1  }
0x2: {  	[smem:$0x3F96] =	sst lr;
	_ =	strace $0xD0000000  }
0x3: {  	_ = 	snop  }
0x4: {  	_ = 	snop  }
0x5: {  	_ = 	snop  }
0x6: {  	_ = 	snop  }
0x7: {  	_ = 	snop  }
__scs_overlays_trampoline_lowered:
0x8: {  	[smem:$0x3FA5] =	sst s0  }
0x9: {  	[smem:$0x3FA6] =	sst s1  }
0xa: {  	[smem:$0x3FA7] =	sst s2  }
0xb: {  	[smem:$0x3FA8] =	sst s3  }
0xc: {  	[smem:$0x3FA9] =	sst s4  }
0xd: {  	[smem:$0x3FAA] =	sst s5  }
0xe: {  	[smem:$0x3FAB] =	sst s6  }
0xf: {  	[smem:$0x3FAC] =	sst s7  }
0x10: {  	[smem:$0x3FAD] =	sst s8  }
0x11: {  	[smem:$0x3FAE] =	sst s9;
	s0 =	simm.s32 @!p0 $0x0  }
0x12: {  	s1 =	sld [smem:$0x3F94];
	s0 =	simm.s32 @p0 $0x1  }
0x13: {  	[smem:$0x3FAF] =	sst s0;
	s0 =	simm.s32 @!p1 $0x0  }
0x14: {  	s2 =	sld [smem:$0x3F93];
	s0 =	simm.s32 @p1 $0x1  }
0x15: {  	[smem:$0x3FB0] =	sst s0;
	s0 =	simm.s32 @!p2 $0x0  }
0x16: {  	s3 =	sld [smem:$0x3FDB];
	s0 =	simm.s32 @p2 $0x1  }
0x17: {  	s4 =	simm.s32 $0x1BF5;
	[smem:$0x3FB2] =	sst s0  }
0x18: {  	s0 =	sld [smem:$0x3F95];
	_ =	swait.ge [sflag:s4], $0x0  }
0x19: {  	s7 =	sld [smem:$0x3F96]  }
0x1a: {  	s8 =	sadd.s32 $0xFFFFE003, lr  }
0x1b: {  	s9 =	sadd.s32 $0xFFFFFEF7, lr;
	s5 =	simm.s32 $0xFFFFFFFF;
	p2 =	slt.u32 s8, $0xFFFFF086  }
0x1c: {  	p1 =	slt.u32 s9, $0xF7A;
	s5 =	simm.s32 @!p2 $0x0  }
0x1d: {  	s5 =	simm.s32 @p1 $0x1;
	p0 =	seq.s32 s7, s2  }
0x1e: {  	s7 =	smul.u32 @!p0 $0xF7A, s2;
	p2 =	seq.s32 @!p0 s5, $0x0  }
0x1f: {  	s9 =	smul.u32 $0xF7A, s1;
	s8 =	simm.s32 @!p0 $0x1BF5;
	p2 =	por !p2, p0  }
0x20: {  	[sflag:s8] =	ssyncset.s32 @!p0 $0xFFFFF086;
	s6 =	sadd.s32 @!p0 s3, s7;
	s7 =	simm.s32 @!p0 $0x108  }
0x21: {  	s3 =	sadd.s32 s3, s9;
	s6 =	sadd.s32 @!p0 $0x88, s6;
	s7 =	simm.s32 @p2 $0x1082  }
0x22: {  	[simem:s7], [sflag:s8] =	dma.local @!p0 [hbm:s6], $0xF7A  }
0x23: {  	s9 =	sor.u32 $0xD0000000, s2;
	s6 =	simm.s32 $0x108;
	_ =	swait.ge @!p0 [sflag:s8], $0x0  }
0x24: {  	s3 =	sadd.s32 $0x88, s3;
	s6 =	simm.s32 @!p1 $0x1082;
	[sflag:s4] =	ssyncset.s32 $0xFFFFF086  }
0x25: {  	[simem:s6], [sflag:s4] =	dma.local [hbm:s3], $0xF7A  }
0x26: {  	[smem:$0x3F96] =	sst s1;
	(tag) =	ssettag s2;
	_ =	strace s9  }
0x27: {  	s1 =	sld [smem:$0x3FA6]  }
0x28: {  	s2 =	sld [smem:$0x3FA7]  }
0x29: {  	s4 =	sld [smem:$0x3FA9]  }
0x2a: {  	p0 =	seq.s32 s5, $0x0;
	s5 =	sld [smem:$0x3FAA]  }
0x2b: {  	s6 =	sld [smem:$0x3FAB]  }
0x2c: {  	s7 =	sld [smem:$0x3FAC]  }
0x2d: {  	s3 =	simm.s32 $0x108;
	s8 =	sld [smem:$0x3FAD]  }
0x2e: {  	s3 =	simm.s32 @!p0 $0x1082;
	s9 =	sld [smem:$0x3FAE]  }
0x2f: {  	lr =	sadd.s32 s0, s3;
	s0 =	sld [smem:$0x3FA5]  }
0x30: {  	s3 =	sld [smem:$0x3FA8]  }
0x31: {  	[smem:$0x3FB1] =	sst s10  }
0x32: {  	s10 =	sld [smem:$0x3FAF];
	_ =	sdelay $0x3  }
0x33: {  	p0 =	seq.s32 s10, $0x1;
	s10 =	sld [smem:$0x3FB1];
	_ =	sdelay $0x3  }
0x34: {  	[smem:$0x3FB1] =	sst s10  }
0x35: {  	s10 =	sld [smem:$0x3FB0];
	_ =	sdelay $0x3  }
0x36: {  	p1 =	seq.s32 s10, $0x1;
	s10 =	sld [smem:$0x3FB1];
	_ =	sdelay $0x3  }
0x37: {  	[smem:$0x3FB1] =	sst s10  }
0x38: {  	s10 =	sld [smem:$0x3FB2]  }
0x39: {  	_ = 	snop;
	(pc) =	sbr.ind lr, $3  }
0x3a: {  	_ = 	snop  }
0x3b: {  	_ = 	snop  }
0x3c: {  	p2 =	seq.s32 s10, $0x1;
	s10 =	sld [smem:$0x3FB1]  }
0x3d: {  	_ =	shalt  }
0x3e: {  	_ =	shalt  }
0x3f: {  	_ =	shalt  }
0x40: {  	_ =	shalt  }
0x41: {  	_ =	shalt  }
0x42: {  	_ =	shalt  }
0x43: {  	_ =	shalt  }
0x44: {  	_ =	shalt  }
0x45: {  	_ =	shalt  }
0x46: {  	_ =	shalt  }
0x47: {  	_ =	shalt  }
0x48: {  	_ =	shalt  }
0x49: {  	_ =	shalt  }
0x4a: {  	_ =	shalt  }
0x4b: {  	_ =	shalt  }
0x4c: {  	_ =	shalt  }
0x4d: {  	_ =	shalt  }
0x4e: {  	_ =	shalt  }
0x4f: {  	_ =	shalt  }
0x50: {  	_ =	shalt  }
0x51: {  	_ =	shalt  }
0x52: {  	_ =	shalt  }
0x53: {  	_ =	shalt  }
0x54: {  	_ =	shalt  }
0x55: {  	_ =	shalt  }
0x56: {  	_ =	shalt  }
0x57: {  	_ =	shalt  }
0x58: {  	_ =	shalt  }
0x59: {  	_ =	shalt  }
0x5a: {  	_ =	shalt  }
0x5b: {  	_ =	shalt  }
0x5c: {  	_ =	shalt  }
0x5d: {  	_ =	shalt  }
0x5e: {  	_ =	shalt  }
0x5f: {  	_ =	shalt  }
0x60: {  	_ =	shalt  }
0x61: {  	_ =	shalt  }
0x62: {  	_ =	shalt  }
0x63: {  	_ =	shalt  }
0x64: {  	_ =	shalt  }
0x65: {  	_ =	shalt  }
0x66: {  	_ =	shalt  }
0x67: {  	_ =	shalt  }
0x68: {  	_ =	shalt  }
0x69: {  	_ =	shalt  }
0x6a: {  	_ =	shalt  }
0x6b: {  	_ =	shalt  }
0x6c: {  	_ =	shalt  }
0x6d: {  	_ =	shalt  }
0x6e: {  	_ =	shalt  }
0x6f: {  	_ =	shalt  }
0x70: {  	_ =	shalt  }
0x71: {  	_ =	shalt  }
0x72: {  	_ =	shalt  }
0x73: {  	_ =	shalt  }
0x74: {  	_ =	shalt  }
0x75: {  	_ =	shalt  }
0x76: {  	_ =	shalt  }
0x77: {  	_ =	shalt  }
0x78: {  	_ =	shalt  }
0x79: {  	_ =	shalt  }
0x7a: {  	_ =	shalt  }
0x7b: {  	_ =	shalt  }
0x7c: {  	_ =	shalt  }
0x7d: {  	_ =	shalt  }
0x7e: {  	_ =	shalt  }
0x7f: {  	_ =	shalt  }
0x80: {  	_ =	shalt  }
0x81: {  	_ =	shalt  }
0x82: {  	_ =	shalt  }
0x83: {  	_ =	shalt  }
0x84: {  	_ =	shalt  }
0x85: {  	_ =	shalt  }
0x86: {  	_ =	shalt  }
0x87: {  	_ =	shalt  }
.Lfunc_end0:
.L_simem_size_0:
called_computation.3_lowered:
.L_overlay_start_0:
0x88: {  	s2 =	sld [smem:$0x3FD9]  }
0x89: {  	s3 =	sld [smem:$0x3FFE];
	_ =	sdelay $0x1  }
0x8a: {  	s1 =	srdreg.scid  }
0x8b: {  	s0 =	sand.u32 $0x1, s1  }
0x8c: {  	s17 =	sshll.u32 s0, $0xA;
	s2 =	sadd.s32 s3, s2  }
0x8d: {  	s2 =	sadd.s32 s2, s17  }
0x8e: {  	[smem:$0x3FBD] =	sst s2  }
0x8f: {  	_ = 	snop  }
0x90: {  	s18 =	sld [smem:$0x3FC8];
	(tm) =	ssettm $0x1  }
0x91: {  	s19 =	sld [smem:$0x3FFB];
	_ =	sdelay $0x3  }
0x92: {  	_ =	strace s19  }
0x93: {  	s2 =	sld [smem:$0x3FFC];
	_ =	sdelay $0x3  }
0x94: {  	_ =	strace s2  }
0x95: {  	s2 =	sld [smem:$0x3FFD];
	_ =	sdelay $0x3  }
0x96: {  	_ =	strace s2  }
0x97: {  	_ =	strace $0x8FFFFFFF  }
0x98: {  	s20 =	sld [smem:$0x3FDB];
	_ =	sdelay $0x1  }
0x99: {  	s4 =	simm.s32 $_scs_section_size  }
0x9a: {  	s5 =	simm.s32 $_size__tile_overlayer_lowered;
	s6 =	simm.s32 $_tile_overlayer_lowered  }
0x9b: {  	s7 =	simm.s32 $0x1BFF;
	s21 =	sshll.u32 s6, $0x1;
	s4 =	sadd.s32 s4, s20  }
0x9c: {  	s22 =	simm.s32 $0x0;
	s5 =	sshll.u32 s5, $0x1;
	s6 =	sadd.s32 s21, s4  }
0x9d: {  	[timem:s22], [sflag:s7] =	dma.local [hbm:s6], s5  }
0x9e: {  	_ =	swait.ge [sflag:s7], s5  }
0x9f: {  	s5 =	ssub.s32 $0x0, s5;
	[sflag:s7] =	ssyncset.done $0x0  }
0xa0: {  	[sflag:s7] =	ssyncadd.s32 s5;
	_ =	sdelay $0x1  }
0xa1: {  	s23 =	simm.s32 $0x1B8B  }
0xa2: {  	_ =	swait.ge [sflag:s23], $0x1  }
0xa3: {  	[sflag:s23] =	ssyncset.done $0x0  }
0xa4: {  	[sflag:s23] =	ssyncadd.s32 $0xFFFFFFFF  }
0xa5: {  	s5 =	sld [smem:$0x0]  }
0xa6: {  	s6 =	sand.u32 $0xFFFFFFFE, s1  }
0xa7: {  	p0 =	sne.s32 s1, s6  }
0xa8: {  	s6 =	sshll.u32 @p0 s6, $0xE  }
0xa9: {  	s6 =	sadd.s32 @p0 $0x11B8D, s6;
	s7 =	sshll.u32 @p0 s5, $0x11  }
0xaa: {  	s6 =	sor.u32 @p0 s7, s6  }
0xab: {  	[sflag:s6] =	ssyncadd.remote.s32 @p0 $0x1;
	_ =	sdelay $0x1  }
0xac: {  	s6 =	simm.s32 @p0 $0x1B8D  }
0xad: {  	_ =	swait.eq @p0 [sflag:s6], $0x1  }
0xae: {  	[sflag:s6] =	ssyncadd.s32 @p0 $0xFFFFFFFF  }
0xaf: {  	s7 =	sshll.u32 @!p0 s1, $0xE  }
0xb0: {  	s7 =	sor.u32 @!p0 $0x4000, s7;
	s6 =	simm.s32 @!p0 $0x1B8D  }
0xb1: {  	s5 =	sshll.u32 @!p0 s5, $0x11;
	s7 =	sadd.s32 @!p0 $0x11B8D, s7;
	_ =	swait.eq @!p0 [sflag:s6], $0x1  }
0xb2: {  	s5 =	sor.u32 @!p0 s5, s7;
	[sflag:s6] =	ssyncadd.s32 @!p0 $0xFFFFFFFF  }
0xb3: {  	s25 =	simm.s32 $0x1B8E;
	s24 =	sld [smem:$0x3FFE];
	[sflag:s5] =	ssyncadd.remote.s32 @!p0 $0x1  }
0xb4: {  	s26 =	simm.s32 $execute0_lowered;
	[smem:$0x3FD2] =	sst s25  }
0xb5: {  	s6 =	sshll.u32 s26, $0x1;
	_ =	strace $0x8000004F;
	[dreg:$0x1] =	wrdreg $0xFFFFFFFF  }
0xb6: {  	s28 =	simm.s32 $_size_execute0_lowered;
	s4 =	sadd.s32 s4, s6;
	[dreg:$0x0] =	wrdreg $0x0  }
0xb7: {  	s6 =	sshll.u32 s28, $0x1;
	[dreg:$0x2] =	wrdreg s4  }
0xb8: {  	[dreg:$0x3] =	wrdreg s6  }
0xb9: {  	[dreg:$0x4] =	wrdreg $0xC0  }
0xba: {  	_ =	task [dreg:s22], $0x5FFFF  }
0xbb: {  	[dreg:$0x1] =	wrdreg $0xFFFFFFFF  }
0xbc: {  	[dreg:$0x0] =	wrdreg $0x60  }
0xbd: {  	[dreg:$0x2] =	wrdreg s18  }
0xbe: {  	[dreg:$0x3] =	wrdreg s24  }
0xbf: {  	[dreg:$0x4] =	wrdreg $0x9  }
0xc0: {  	_ =	task.clear_ibuf [dreg:s22], $0x5FFFF;
	_ =	strace $0x9000004F  }
0xc1: {  	s29 =	simm.s32 $0x9;
	_ =	strace $0x80000051  }
0xc2: {  	_ =	swait.ge [sflag:s29], $0x1  }
0xc3: {  	[sflag:s29] =	ssyncadd.s32 $0xFFFFFFFF  }
0xc4: {  	_ =	strace $0x90000051  }
0xc5: {  	_ =	sfence  }
0xc6: {  	s30 =	sld [smem:$0x0];
	_ =	sdelay $0x2  }
0xc7: {  	s31 =	sshll.u32 s1, $0xD;
	s1 =	sshrl.u32 s1, $0x2  }
0xc8: {  	s4 =	sand.u32 $0x4000, s31;
	s1 =	sadd.s32 s1, s30  }
0xc9: {  	s0 =	sor.u32 s4, s0;
	s1 =	sshll.u32 s1, $0x11  }
0xca: {  	s0 =	sor.u32 s1, s0  }
0xcb: {  	s0 =	sadd.s32 $0x8F2B, s0  }
0xcc: {  	[sflag:s0] =	ssyncadd.remote.s32 $0x1  }
0xcd: {  	_ =	sfence.sel $0xFFFF  }
0xce: {  	[dreg:$0x0] =	wrdreg $0xFFFFFFFF;
	(pc) =	sbr.abs _section_cstart, $3  }
0xcf: {  	[dreg:$0x1] =	wrdreg $0xFFFFFFFF  }
0xd0: {  	_ =	task.clear_ibuf [dreg:s22], $0x2FFFF;
	_ =	strace $0x9FFFFFFF  }
0xd1: {  	(tm) =	ssettm $0x7FFFFFFF  }
tec
execute0_lowered:
.L_overlay_start_1:
0x0: {  	(tag) =	ssettag $0x1  }
0x1: {  	s2 =	rddreg [dreg:$0x0]  }
0x2: {  	s0 =	rddreg [dreg:$0x1]  }
0x3: {  	s1 =	srdreg.scid;
	s7 =	stileid.u32  }
0x4: {  	s3 =	simm.s32 $0x0;
	s28 =	simm.s32 $0xE00;
	s29 =	simm.s32 $0x1600  }
0x5: {  	s30 =	simm.s32 $0x1A00;
	s31 =	simm.s32 $0x2200;
	s9 =	simm.s32 $0x3200  }
0x6: {  	s10 =	simm.s32 $0x3A00;
	s11 =	simm.s32 $0x3E00;
	s12 =	simm.s32 $0x4600  }
0x7: {  	s13 =	simm.s32 $0x4A00;
	s14 =	simm.s32 $0x5200;
	s15 =	simm.s32 $0x5600  }
0x8: {  	s17 =	simm.s32 $0x5E00;
	s18 =	simm.s32 $0x6200;
	s19 =	simm.s32 $0x6A00  }
0x9: {  	s20 =	simm.s32 $0x7600;
	s21 =	simm.s32 $0x7A00;
	s22 =	simm.s32 $0x8200  }
0xa: {  	s16 =	simm.s32 $0x8E00;
	s23 =	simm.s32 $0x9200;
	s24 =	simm.s32 $0x1  }
0xb: {  	s1 =	sand.u32 $0x1, s1;
	s4 =	sshll.u32 s7, $0x1;
	[smem:$0x7FF] =	sst s3  }
0xc: {  	s7 =	sshll.u32 s7, $0x7;
	s5 =	sshll.u32 s1, $0x6;
	s4 =	sor.u32 s1, s4  }
0xd: {  	_ =	strace $0x80000050;
	s1 =	ssub.s32 $0x2, s1;
	s6 =	smul.u32 $0x6000, s4  }
0xe: {  	s5 =	sadd.s32 s5, s0;
	s4 =	smul.u32 $0x30000, s4;
	s8 =	sshrl.u32 s1, $0x1  }
0xf: {  	s0 =	sadd.s32 $0xC1A00, s0;
	s5 =	sadd.s32 s7, s5;
	s1 =	ssub.s32 s1, s8  }
0x10: {  	s7 =	simm.s32 $0x3;
	s8 =	simm.s32 $0x8600;
	s5 =	sadd.s32 $0x200, s5  }
0x11: {  	s6 =	sadd.s32 s0, s6;
	s4 =	sshrl.u32 s4, $0x3;
	[dreg:$0x3] =	wrdreg s5  }
0x12: {  	[dreg:$0x7] =	wrdreg s6;
	s26 =	sadd.s32 $0x1800, s6;
	s0 =	sadd.s32 s0, s4  }
0x13: {  	v2 =	vlaneseq.u32;
	s5 =	sadd.s32 $0x100, s2;
	[dreg:$0x4] =	wrdreg s26;
	s4 =	sadd.s32 $0x3000, s0  }
0x14: {  	vm0 =	vmmov $0xffff;
	vm1 =	vmmov $0xff;
	v1 =	vshrl.u32 v2, $0x3;
	s6 =	smax.u32 s1, $0x1;
	s0 =	sadd.s32 $0x4800, s0;
	[dreg:$0x5] =	wrdreg s4  }
0x15: {  	v0 =	vand.u32 $0x7, v2;
	v2 =	vor.u32 $0x8, v2;
	v1 =	vmul.u32 $0x8, v1;
	s26 =	simm.s32 $0xA00;
	[dreg:$0x6] =	wrdreg s0;
	s4 =	simm.s32 $0x2  }
.LBB2_1:
0x16: {  	s25 =	rddreg [dreg:$0x3]  }
0x17: {  	[tilespmem:s3], [sflag:$0x3] =	stream.linear.gather [hbm4b:s25+s3], $0x200, $0x38;
	[tilespmem:$0x18200] =	vst v63  }
0x18: {  	_ =	swait.ge [sflag:s7], $0x200  }
0x19: {  	[sflag:s7] =	ssyncset.done $0x0  }
0x1a: {  	[sflag:s7] =	ssyncadd.s32 $0xFFFFFE00  }
0x1b: {  	v3 =	vld [tilespmem:$0x0];
	_ =	sdelay $0x4  }
0x1c: {  	v4 =	vshrl.u32 v3, $0x3  }
0x1d: {  	v4 =	vmul.u32 $0x18, v4  }
0x1e: {  	v3 =	vand.u32 $0x7, v3  }
0x1f: {  	v3 =	vor.u32 v3, v4  }
0x20: {  	v4 =	vperm.xlane v3, v0;
	_ =	sdelay $0x1  }
0x21: {  	v4 =	vadd.s32 v1, v4;
	_ =	sdelay $0x1  }
0x22: {  	v3 =	vperm.xlane v3, v2;
	_ =	sdelay $0x1  }
0x23: {  	s0 =	simm.s32 $0x200;
	v3 =	vadd.s32 v1, v3  }
0x24: {  	[tilespmem:s0], [sflag:$0x1] =	stream.indirect_vreg.gather [hbm4b:s2+s3], $0x80, v4, vm0, $0xb8;
	[tilespmem:$0x18200] =	vst v63  }
0x25: {  	_ = 	snop  }
0x26: {  	[tilespmem:s26], [sflag:$0x1] =	stream.indirect_vreg.gather [hbm4b:s5+s3], $0x80, v4, vm1, $0xb8;
	[tilespmem:$0x18200] =	vst v63  }
0x27: {  	_ = 	snop  }
0x28: {  	[tilespmem:s28], [sflag:$0x1] =	stream.indirect_vreg.gather [hbm4b:s2+s3], $0x80, v3, vm0, $0xb8;
	[tilespmem:$0x18200] =	vst v63  }
0x29: {  	_ = 	snop  }
0x2a: {  	[tilespmem:s29], [sflag:$0x1] =	stream.indirect_vreg.gather [hbm4b:s5+s3], $0x80, v3, vm1, $0xb8;
	[tilespmem:$0x18200] =	vst v63  }
0x2b: {  	v3 =	vld [tilespmem:$0x10];
	_ =	sdelay $0x4  }
0x2c: {  	v33 =	vshrl.u32 v3, $0x3  }
0x2d: {  	v4 =	vmul.u32 $0x18, v33  }
0x2e: {  	v3 =	vand.u32 $0x7, v3  }
0x2f: {  	v3 =	vor.u32 v3, v4  }
0x30: {  	v4 =	vperm.xlane v3, v0;
	_ =	sdelay $0x1  }
0x31: {  	v4 =	vadd.s32 v1, v4;
	_ =	sdelay $0x1  }
0x32: {  	v3 =	vperm.xlane v3, v2;
	_ =	sdelay $0x1  }
0x33: {  	v3 =	vadd.s32 v1, v3  }
0x34: {  	[tilespmem:s30], [sflag:$0x1] =	stream.indirect_vreg.gather [hbm4b:s2+s3], $0x80, v4, vm0, $0xb8;
	[tilespmem:$0x18200] =	vst v63  }
0x35: {  	_ = 	snop  }
0x36: {  	[tilespmem:s31], [sflag:$0x1] =	stream.indirect_vreg.gather [hbm4b:s5+s3], $0x80, v4, vm1, $0xb8;
	[tilespmem:$0x18200] =	vst v63  }
0x37: {  	s25 =	simm.s32 $0x2600  }
0x38: {  	[tilespmem:s25], [sflag:$0x1] =	stream.indirect_vreg.gather [hbm4b:s2+s3], $0x80, v3, vm0, $0xb8;
	[tilespmem:$0x18200] =	vst v63  }
0x39: {  	s1 =	simm.s32 $0x2E00  }
0x3a: {  	[tilespmem:s1], [sflag:$0x1] =	stream.indirect_vreg.gather [hbm4b:s5+s3], $0x80, v3, vm1, $0xb8;
	[tilespmem:$0x18200] =	vst v63  }
0x3b: {  	v3 =	vld [tilespmem:$0x20];
	_ =	sdelay $0x4  }
0x3c: {  	v34 =	vshrl.u32 v3, $0x3  }
0x3d: {  	v4 =	vmul.u32 $0x18, v34  }
0x3e: {  	v3 =	vand.u32 $0x7, v3  }
0x3f: {  	v3 =	vor.u32 v3, v4  }
0x40: {  	v4 =	vperm.xlane v3, v0;
	_ =	sdelay $0x1  }
0x41: {  	v4 =	vadd.s32 v1, v4;
	_ =	sdelay $0x1  }
0x42: {  	v3 =	vperm.xlane v3, v2;
	_ =	sdelay $0x1  }
0x43: {  	v3 =	vadd.s32 v1, v3  }
0x44: {  	[tilespmem:s9], [sflag:$0x1] =	stream.indirect_vreg.gather [hbm4b:s2+s3], $0x80, v4, vm0, $0xb8;
	[tilespmem:$0x18200] =	vst v63  }
0x45: {  	_ = 	snop  }
0x46: {  	[tilespmem:s10], [sflag:$0x1] =	stream.indirect_vreg.gather [hbm4b:s5+s3], $0x80, v4, vm1, $0xb8;
	[tilespmem:$0x18200] =	vst v63  }
0x47: {  	_ = 	snop  }
0x48: {  	[tilespmem:s11], [sflag:$0x1] =	stream.indirect_vreg.gather [hbm4b:s2+s3], $0x80, v3, vm0, $0xb8;
	[tilespmem:$0x18200] =	vst v63  }
0x49: {  	_ = 	snop  }
0x4a: {  	[tilespmem:s12], [sflag:$0x1] =	stream.indirect_vreg.gather [hbm4b:s5+s3], $0x80, v3, vm1, $0xb8;
	[tilespmem:$0x18200] =	vst v63  }
0x4b: {  	v3 =	vld [tilespmem:$0x30];
	_ =	sdelay $0x4  }
0x4c: {  	v35 =	vshrl.u32 v3, $0x3  }
0x4d: {  	v4 =	vmul.u32 $0x18, v35  }
0x4e: {  	v3 =	vand.u32 $0x7, v3  }
0x4f: {  	v3 =	vor.u32 v3, v4  }
0x50: {  	v4 =	vperm.xlane v3, v0;
	_ =	sdelay $0x1  }
0x51: {  	v4 =	vadd.s32 v1, v4;
	_ =	sdelay $0x1  }
0x52: {  	v3 =	vperm.xlane v3, v2;
	_ =	sdelay $0x1  }
0x53: {  	v3 =	vadd.s32 v1, v3  }
0x54: {  	[tilespmem:s13], [sflag:$0x1] =	stream.indirect_vreg.gather [hbm4b:s2+s3], $0x80, v4, vm0, $0xb8;
	[tilespmem:$0x18200] =	vst v63  }
0x55: {  	_ = 	snop  }
0x56: {  	[tilespmem:s14], [sflag:$0x1] =	stream.indirect_vreg.gather [hbm4b:s5+s3], $0x80, v4, vm1, $0xb8;
	[tilespmem:$0x18200] =	vst v63  }
0x57: {  	_ = 	snop  }
0x58: {  	[tilespmem:s15], [sflag:$0x1] =	stream.indirect_vreg.gather [hbm4b:s2+s3], $0x80, v3, vm0, $0xb8;
	[tilespmem:$0x18200] =	vst v63  }
0x59: {  	_ = 	snop  }
0x5a: {  	[tilespmem:s17], [sflag:$0x1] =	stream.indirect_vreg.gather [hbm4b:s5+s3], $0x80, v3, vm1, $0xb8;
	[tilespmem:$0x18200] =	vst v63  }
0x5b: {  	v3 =	vld [tilespmem:$0x40];
	_ =	sdelay $0x4  }
0x5c: {  	v36 =	vshrl.u32 v3, $0x3  }
0x5d: {  	v4 =	vmul.u32 $0x18, v36  }
0x5e: {  	v3 =	vand.u32 $0x7, v3  }
0x5f: {  	v3 =	vor.u32 v3, v4  }
0x60: {  	v4 =	vperm.xlane v3, v0;
	_ =	sdelay $0x1  }
0x61: {  	v4 =	vadd.s32 v1, v4;
	_ =	sdelay $0x1  }
0x62: {  	v3 =	vperm.xlane v3, v2;
	_ =	sdelay $0x1  }
0x63: {  	v3 =	vadd.s32 v1, v3  }
0x64: {  	[tilespmem:s18], [sflag:$0x1] =	stream.indirect_vreg.gather [hbm4b:s2+s3], $0x80, v4, vm0, $0xb8;
	[tilespmem:$0x18200] =	vst v63  }
0x65: {  	_ = 	snop  }
0x66: {  	[tilespmem:s19], [sflag:$0x1] =	stream.indirect_vreg.gather [hbm4b:s5+s3], $0x80, v4, vm1, $0xb8;
	[tilespmem:$0x18200] =	vst v63  }
0x67: {  	s25 =	simm.s32 $0x6E00  }
0x68: {  	[tilespmem:s25], [sflag:$0x1] =	stream.indirect_vreg.gather [hbm4b:s2+s3], $0x80, v3, vm0, $0xb8;
	[tilespmem:$0x18200] =	vst v63  }
0x69: {  	_ = 	snop  }
0x6a: {  	[tilespmem:s20], [sflag:$0x1] =	stream.indirect_vreg.gather [hbm4b:s5+s3], $0x80, v3, vm1, $0xb8;
	[tilespmem:$0x18200] =	vst v63  }
0x6b: {  	v3 =	vld [tilespmem:$0x50];
	_ =	sdelay $0x4  }
0x6c: {  	v37 =	vshrl.u32 v3, $0x3  }
0x6d: {  	v4 =	vmul.u32 $0x18, v37  }
0x6e: {  	v3 =	vand.u32 $0x7, v3  }
0x6f: {  	v3 =	vor.u32 v3, v4  }
0x70: {  	v4 =	vperm.xlane v3, v0;
	_ =	sdelay $0x1  }
0x71: {  	v4 =	vadd.s32 v1, v4;
	_ =	sdelay $0x1  }
0x72: {  	v3 =	vperm.xlane v3, v2;
	_ =	sdelay $0x1  }
0x73: {  	v3 =	vadd.s32 v1, v3  }
0x74: {  	[tilespmem:s21], [sflag:$0x1] =	stream.indirect_vreg.gather [hbm4b:s2+s3], $0x80, v4, vm0, $0xb8;
	[tilespmem:$0x18200] =	vst v63  }
0x75: {  	_ = 	snop  }
0x76: {  	[tilespmem:s22], [sflag:$0x1] =	stream.indirect_vreg.gather [hbm4b:s5+s3], $0x80, v4, vm1, $0xb8;
	[tilespmem:$0x18200] =	vst v63  }
0x77: {  	_ = 	snop  }
0x78: {  	[tilespmem:s8], [sflag:$0x1] =	stream.indirect_vreg.gather [hbm4b:s2+s3], $0x80, v3, vm0, $0xb8;
	[tilespmem:$0x18200] =	vst v63  }
0x79: {  	_ = 	snop  }
0x7a: {  	[tilespmem:s16], [sflag:$0x1] =	stream.indirect_vreg.gather [hbm4b:s5+s3], $0x80, v3, vm1, $0xb8;
	[tilespmem:$0x18200] =	vst v63  }
0x7b: {  	v3 =	vld [tilespmem:$0x60];
	_ =	sdelay $0x4  }
0x7c: {  	v38 =	vshrl.u32 v3, $0x3  }
0x7d: {  	v4 =	vmul.u32 $0x18, v38  }
0x7e: {  	v3 =	vand.u32 $0x7, v3  }
0x7f: {  	v3 =	vor.u32 v3, v4  }
0x80: {  	v4 =	vperm.xlane v3, v0;
	_ =	sdelay $0x1  }
0x81: {  	v4 =	vadd.s32 v1, v4;
	_ =	sdelay $0x1  }
0x82: {  	v3 =	vperm.xlane v3, v2;
	_ =	sdelay $0x1  }
0x83: {  	v3 =	vadd.s32 v1, v3  }
0x84: {  	[tilespmem:s23], [sflag:$0x1] =	stream.indirect_vreg.gather [hbm4b:s2+s3], $0x80, v4, vm0, $0xb8;
	[tilespmem:$0x18200] =	vst v63  }
0x85: {  	s1 =	simm.s32 $0x9A00  }
0x86: {  	[tilespmem:s1], [sflag:$0x1] =	stream.indirect_vreg.gather [hbm4b:s5+s3], $0x80, v4, vm1, $0xb8;
	[tilespmem:$0x18200] =	vst v63  }
0x87: {  	s25 =	simm.s32 $0x9E00  }
0x88: {  	[tilespmem:s25], [sflag:$0x1] =	stream.indirect_vreg.gather [hbm4b:s2+s3], $0x80, v3, vm0, $0xb8;
	[tilespmem:$0x18200] =	vst v63  }
0x89: {  	s1 =	simm.s32 $0xA600  }
0x8a: {  	[tilespmem:s1], [sflag:$0x1] =	stream.indirect_vreg.gather [hbm4b:s5+s3], $0x80, v3, vm1, $0xb8;
	[tilespmem:$0x18200] =	vst v63  }
0x8b: {  	v3 =	vld [tilespmem:$0x70];
	_ =	sdelay $0x4  }
0x8c: {  	v39 =	vshrl.u32 v3, $0x3  }
0x8d: {  	v4 =	vmul.u32 $0x18, v39  }
0x8e: {  	v3 =	vand.u32 $0x7, v3  }
0x8f: {  	v3 =	vor.u32 v3, v4  }
0x90: {  	v4 =	vperm.xlane v3, v0;
	_ =	sdelay $0x1  }
0x91: {  	v4 =	vadd.s32 v1, v4;
	_ =	sdelay $0x1  }
0x92: {  	v3 =	vperm.xlane v3, v2;
	_ =	sdelay $0x1  }
0x93: {  	s25 =	simm.s32 $0xAA00;
	v3 =	vadd.s32 v1, v3  }
0x94: {  	[tilespmem:s25], [sflag:$0x1] =	stream.indirect_vreg.gather [hbm4b:s2+s3], $0x80, v4, vm0, $0xb8;
	[tilespmem:$0x18200] =	vst v63  }
0x95: {  	s1 =	simm.s32 $0xB200  }
0x96: {  	[tilespmem:s1], [sflag:$0x1] =	stream.indirect_vreg.gather [hbm4b:s5+s3], $0x80, v4, vm1, $0xb8;
	[tilespmem:$0x18200] =	vst v63  }
0x97: {  	s25 =	simm.s32 $0xB600  }
0x98: {  	[tilespmem:s25], [sflag:$0x1] =	stream.indirect_vreg.gather [hbm4b:s2+s3], $0x80, v3, vm0, $0xb8;
	[tilespmem:$0x18200] =	vst v63  }
0x99: {  	s1 =	simm.s32 $0xBE00  }
0x9a: {  	[tilespmem:s1], [sflag:$0x1] =	stream.indirect_vreg.gather [hbm4b:s5+s3], $0x80, v3, vm1, $0xb8;
	[tilespmem:$0x18200] =	vst v63  }
0x9b: {  	v3 =	vld [tilespmem:$0x80];
	_ =	sdelay $0x4  }
0x9c: {  	v40 =	vshrl.u32 v3, $0x3  }
0x9d: {  	v4 =	vmul.u32 $0x18, v40  }
0x9e: {  	v3 =	vand.u32 $0x7, v3  }
0x9f: {  	v3 =	vor.u32 v3, v4  }
0xa0: {  	v4 =	vperm.xlane v3, v0;
	_ =	sdelay $0x1  }
0xa1: {  	v4 =	vadd.s32 v1, v4;
	_ =	sdelay $0x1  }
0xa2: {  	v3 =	vperm.xlane v3, v2;
	_ =	sdelay $0x1  }
0xa3: {  	s0 =	simm.s32 $0xC200;
	v3 =	vadd.s32 v1, v3  }
0xa4: {  	[tilespmem:s0], [sflag:$0x2] =	stream.indirect_vreg.gather [hbm4b:s2+s3], $0x80, v4, vm0, $0xb8;
	[tilespmem:$0x18200] =	vst v63  }
0xa5: {  	s1 =	simm.s32 $0xCA00  }
0xa6: {  	[tilespmem:s1], [sflag:$0x2] =	stream.indirect_vreg.gather [hbm4b:s5+s3], $0x80, v4, vm1, $0xb8;
	[tilespmem:$0x18200] =	vst v63  }
0xa7: {  	s25 =	simm.s32 $0xCE00  }
0xa8: {  	[tilespmem:s25], [sflag:$0x2] =	stream.indirect_vreg.gather [hbm4b:s2+s3], $0x80, v3, vm0, $0xb8;
	[tilespmem:$0x18200] =	vst v63  }
0xa9: {  	s25 =	simm.s32 $0xD600  }
0xaa: {  	[tilespmem:s25], [sflag:$0x2] =	stream.indirect_vreg.gather [hbm4b:s5+s3], $0x80, v3, vm1, $0xb8;
	[tilespmem:$0x18200] =	vst v63  }
0xab: {  	v3 =	vld [tilespmem:$0x90];
	_ =	sdelay $0x4  }
0xac: {  	v41 =	vshrl.u32 v3, $0x3  }
0xad: {  	v4 =	vmul.u32 $0x18, v41  }
0xae: {  	v3 =	vand.u32 $0x7, v3  }
0xaf: {  	v3 =	vor.u32 v3, v4  }
0xb0: {  	v4 =	vperm.xlane v3, v0;
	_ =	sdelay $0x1  }
0xb1: {  	v4 =	vadd.s32 v1, v4;
	_ =	sdelay $0x1  }
0xb2: {  	v3 =	vperm.xlane v3, v2;
	_ =	sdelay $0x1  }
0xb3: {  	s25 =	simm.s32 $0xDA00;
	v3 =	vadd.s32 v1, v3  }
0xb4: {  	[tilespmem:s25], [sflag:$0x2] =	stream.indirect_vreg.gather [hbm4b:s2+s3], $0x80, v4, vm0, $0xb8;
	[tilespmem:$0x18200] =	vst v63  }
0xb5: {  	s25 =	simm.s32 $0xE200  }
0xb6: {  	[tilespmem:s25], [sflag:$0x2] =	stream.indirect_vreg.gather [hbm4b:s5+s3], $0x80, v4, vm1, $0xb8;
	[tilespmem:$0x18200] =	vst v63  }
0xb7: {  	s25 =	simm.s32 $0xE600  }
0xb8: {  	[tilespmem:s25], [sflag:$0x2] =	stream.indirect_vreg.gather [hbm4b:s2+s3], $0x80, v3, vm0, $0xb8;
	[tilespmem:$0x18200] =	vst v63  }
0xb9: {  	s25 =	simm.s32 $0xEE00  }
0xba: {  	[tilespmem:s25], [sflag:$0x2] =	stream.indirect_vreg.gather [hbm4b:s5+s3], $0x80, v3, vm1, $0xb8;
	[tilespmem:$0x18200] =	vst v63  }
0xbb: {  	v3 =	vld [tilespmem:$0xA0];
	_ =	sdelay $0x4  }
0xbc: {  	v42 =	vshrl.u32 v3, $0x3  }
0xbd: {  	v4 =	vmul.u32 $0x18, v42  }
0xbe: {  	v3 =	vand.u32 $0x7, v3  }
0xbf: {  	v3 =	vor.u32 v3, v4  }
0xc0: {  	v4 =	vperm.xlane v3, v0;
	_ =	sdelay $0x1  }
0xc1: {  	v4 =	vadd.s32 v1, v4;
	_ =	sdelay $0x1  }
0xc2: {  	v3 =	vperm.xlane v3, v2;
	_ =	sdelay $0x1  }
0xc3: {  	s25 =	simm.s32 $0xF200;
	v3 =	vadd.s32 v1, v3  }
0xc4: {  	[tilespmem:s25], [sflag:$0x2] =	stream.indirect_vreg.gather [hbm4b:s2+s3], $0x80, v4, vm0, $0xb8;
	[tilespmem:$0x18200] =	vst v63  }
0xc5: {  	s25 =	simm.s32 $0xFA00  }
0xc6: {  	[tilespmem:s25], [sflag:$0x2] =	stream.indirect_vreg.gather [hbm4b:s5+s3], $0x80, v4, vm1, $0xb8;
	[tilespmem:$0x18200] =	vst v63  }
0xc7: {  	s25 =	simm.s32 $0xFE00  }
0xc8: {  	[tilespmem:s25], [sflag:$0x2] =	stream.indirect_vreg.gather [hbm4b:s2+s3], $0x80, v3, vm0, $0xb8;
	[tilespmem:$0x18200] =	vst v63  }
0xc9: {  	s25 =	simm.s32 $0x10600  }
0xca: {  	[tilespmem:s25], [sflag:$0x2] =	stream.indirect_vreg.gather [hbm4b:s5+s3], $0x80, v3, vm1, $0xb8;
	[tilespmem:$0x18200] =	vst v63  }
0xcb: {  	v3 =	vld [tilespmem:$0xB0];
	_ =	sdelay $0x4  }
0xcc: {  	v43 =	vshrl.u32 v3, $0x3  }
0xcd: {  	v4 =	vmul.u32 $0x18, v43  }
0xce: {  	v3 =	vand.u32 $0x7, v3  }
0xcf: {  	v3 =	vor.u32 v3, v4  }
0xd0: {  	v4 =	vperm.xlane v3, v0;
	_ =	sdelay $0x1  }
0xd1: {  	v4 =	vadd.s32 v1, v4;
	_ =	sdelay $0x1  }
0xd2: {  	v3 =	vperm.xlane v3, v2;
	_ =	sdelay $0x1  }
0xd3: {  	s25 =	simm.s32 $0x10A00;
	v3 =	vadd.s32 v1, v3  }
0xd4: {  	[tilespmem:s25], [sflag:$0x2] =	stream.indirect_vreg.gather [hbm4b:s2+s3], $0x80, v4, vm0, $0xb8;
	[tilespmem:$0x18200] =	vst v63  }
0xd5: {  	s25 =	simm.s32 $0x11200  }
0xd6: {  	[tilespmem:s25], [sflag:$0x2] =	stream.indirect_vreg.gather [hbm4b:s5+s3], $0x80, v4, vm1, $0xb8;
	[tilespmem:$0x18200] =	vst v63  }
0xd7: {  	s25 =	simm.s32 $0x11600  }
0xd8: {  	[tilespmem:s25], [sflag:$0x2] =	stream.indirect_vreg.gather [hbm4b:s2+s3], $0x80, v3, vm0, $0xb8;
	[tilespmem:$0x18200] =	vst v63  }
0xd9: {  	s25 =	simm.s32 $0x11E00  }
0xda: {  	[tilespmem:s25], [sflag:$0x2] =	stream.indirect_vreg.gather [hbm4b:s5+s3], $0x80, v3, vm1, $0xb8;
	[tilespmem:$0x18200] =	vst v63  }
0xdb: {  	v3 =	vld [tilespmem:$0xC0];
	_ =	sdelay $0x4  }
0xdc: {  	v44 =	vshrl.u32 v3, $0x3  }
0xdd: {  	v4 =	vmul.u32 $0x18, v44  }
0xde: {  	v3 =	vand.u32 $0x7, v3  }
0xdf: {  	v3 =	vor.u32 v3, v4  }
0xe0: {  	v4 =	vperm.xlane v3, v0;
	_ =	sdelay $0x1  }
0xe1: {  	v4 =	vadd.s32 v1, v4;
	_ =	sdelay $0x1  }
0xe2: {  	v3 =	vperm.xlane v3, v2;
	_ =	sdelay $0x1  }
0xe3: {  	s25 =	simm.s32 $0x12200;
	v3 =	vadd.s32 v1, v3  }
0xe4: {  	[tilespmem:s25], [sflag:$0x2] =	stream.indirect_vreg.gather [hbm4b:s2+s3], $0x80, v4, vm0, $0xb8;
	[tilespmem:$0x18200] =	vst v63  }
0xe5: {  	s25 =	simm.s32 $0x12A00  }
0xe6: {  	[tilespmem:s25], [sflag:$0x2] =	stream.indirect_vreg.gather [hbm4b:s5+s3], $0x80, v4, vm1, $0xb8;
	[tilespmem:$0x18200] =	vst v63  }
0xe7: {  	s25 =	simm.s32 $0x12E00  }
0xe8: {  	[tilespmem:s25], [sflag:$0x2] =	stream.indirect_vreg.gather [hbm4b:s2+s3], $0x80, v3, vm0, $0xb8;
	[tilespmem:$0x18200] =	vst v63  }
0xe9: {  	s25 =	simm.s32 $0x13600  }
0xea: {  	[tilespmem:s25], [sflag:$0x2] =	stream.indirect_vreg.gather [hbm4b:s5+s3], $0x80, v3, vm1, $0xb8;
	[tilespmem:$0x18200] =	vst v63  }
0xeb: {  	v3 =	vld [tilespmem:$0xD0];
	_ =	sdelay $0x4  }
0xec: {  	v45 =	vshrl.u32 v3, $0x3  }
0xed: {  	v4 =	vmul.u32 $0x18, v45  }
0xee: {  	v3 =	vand.u32 $0x7, v3  }
0xef: {  	v3 =	vor.u32 v3, v4  }
0xf0: {  	v4 =	vperm.xlane v3, v0;
	_ =	sdelay $0x1  }
0xf1: {  	v4 =	vadd.s32 v1, v4;
	_ =	sdelay $0x1  }
0xf2: {  	v3 =	vperm.xlane v3, v2;
	_ =	sdelay $0x1  }
0xf3: {  	s25 =	simm.s32 $0x13A00;
	v3 =	vadd.s32 v1, v3  }
0xf4: {  	[tilespmem:s25], [sflag:$0x2] =	stream.indirect_vreg.gather [hbm4b:s2+s3], $0x80, v4, vm0, $0xb8;
	[tilespmem:$0x18200] =	vst v63  }
0xf5: {  	s25 =	simm.s32 $0x14200  }
0xf6: {  	[tilespmem:s25], [sflag:$0x2] =	stream.indirect_vreg.gather [hbm4b:s5+s3], $0x80, v4, vm1, $0xb8;
	[tilespmem:$0x18200] =	vst v63  }
0xf7: {  	s25 =	simm.s32 $0x14600  }
0xf8: {  	[tilespmem:s25], [sflag:$0x2] =	stream.indirect_vreg.gather [hbm4b:s2+s3], $0x80, v3, vm0, $0xb8;
	[tilespmem:$0x18200] =	vst v63  }
0xf9: {  	s25 =	simm.s32 $0x14E00  }
0xfa: {  	[tilespmem:s25], [sflag:$0x2] =	stream.indirect_vreg.gather [hbm4b:s5+s3], $0x80, v3, vm1, $0xb8;
	[tilespmem:$0x18200] =	vst v63  }
0xfb: {  	v3 =	vld [tilespmem:$0xE0];
	_ =	sdelay $0x4  }
0xfc: {  	v46 =	vshrl.u32 v3, $0x3  }
0xfd: {  	v4 =	vmul.u32 $0x18, v46  }
0xfe: {  	v3 =	vand.u32 $0x7, v3  }
0xff: {  	v3 =	vor.u32 v3, v4  }
0x100: {  	v4 =	vperm.xlane v3, v0;
	_ =	sdelay $0x1  }
0x101: {  	v4 =	vadd.s32 v1, v4;
	_ =	sdelay $0x1  }
0x102: {  	v3 =	vperm.xlane v3, v2;
	_ =	sdelay $0x1  }
0x103: {  	s25 =	simm.s32 $0x15200;
	v3 =	vadd.s32 v1, v3  }
0x104: {  	[tilespmem:s25], [sflag:$0x2] =	stream.indirect_vreg.gather [hbm4b:s2+s3], $0x80, v4, vm0, $0xb8;
	[tilespmem:$0x18200] =	vst v63  }
0x105: {  	s25 =	simm.s32 $0x15A00  }
0x106: {  	[tilespmem:s25], [sflag:$0x2] =	stream.indirect_vreg.gather [hbm4b:s5+s3], $0x80, v4, vm1, $0xb8;
	[tilespmem:$0x18200] =	vst v63  }
0x107: {  	s25 =	simm.s32 $0x15E00  }
0x108: {  	[tilespmem:s25], [sflag:$0x2] =	stream.indirect_vreg.gather [hbm4b:s2+s3], $0x80, v3, vm0, $0xb8;
	[tilespmem:$0x18200] =	vst v63  }
0x109: {  	s25 =	simm.s32 $0x16600  }
0x10a: {  	[tilespmem:s25], [sflag:$0x2] =	stream.indirect_vreg.gather [hbm4b:s5+s3], $0x80, v3, vm1, $0xb8;
	[tilespmem:$0x18200] =	vst v63  }
0x10b: {  	v3 =	vld [tilespmem:$0xF0];
	_ =	sdelay $0x4  }
0x10c: {  	v47 =	vshrl.u32 v3, $0x3  }
0x10d: {  	v4 =	vmul.u32 $0x18, v47  }
0x10e: {  	v3 =	vand.u32 $0x7, v3  }
0x10f: {  	v3 =	vor.u32 v3, v4  }
0x110: {  	v4 =	vperm.xlane v3, v0;
	_ =	sdelay $0x1  }
0x111: {  	v4 =	vadd.s32 v1, v4;
	_ =	sdelay $0x1  }
0x112: {  	v3 =	vperm.xlane v3, v2;
	_ =	sdelay $0x1  }
0x113: {  	s25 =	simm.s32 $0x16A00;
	v3 =	vadd.s32 v1, v3  }
0x114: {  	[tilespmem:s25], [sflag:$0x2] =	stream.indirect_vreg.gather [hbm4b:s2+s3], $0x80, v4, vm0, $0xb8;
	[tilespmem:$0x18200] =	vst v63  }
0x115: {  	s25 =	simm.s32 $0x17200  }
0x116: {  	[tilespmem:s25], [sflag:$0x2] =	stream.indirect_vreg.gather [hbm4b:s5+s3], $0x80, v4, vm1, $0xb8;
	[tilespmem:$0x18200] =	vst v63  }
0x117: {  	s25 =	simm.s32 $0x17600  }
0x118: {  	[tilespmem:s25], [sflag:$0x2] =	stream.indirect_vreg.gather [hbm4b:s2+s3], $0x80, v3, vm0, $0xb8;
	[tilespmem:$0x18200] =	vst v63  }
0x119: {  	s25 =	simm.s32 $0x17E00  }
0x11a: {  	[tilespmem:s25], [sflag:$0x2] =	stream.indirect_vreg.gather [hbm4b:s5+s3], $0x80, v3, vm1, $0xb8;
	[tilespmem:$0x18200] =	vst v63  }
0x11b: {  	_ =	swait.ge [sflag:s24], $0xC000  }
0x11c: {  	[sflag:s24] =	ssyncset.done $0x0  }
0x11d: {  	s1 =	simm.s32 $0x200;
	s25 =	rddreg [dreg:$0x7];
	[sflag:s24] =	ssyncadd.s32 $0xFFFF4000  }
0x11e: {  	[hbm4b:s25+s3] =	stream.linear.scatter [tilespmem:s1], [sflag:$0x3], $0xC000, $0x38;
	[tilespmem:$0x18200] =	vst v63  }
0x11f: {  	_ =	swait.ge [sflag:s7], $0xC000  }
0x120: {  	[sflag:s7] =	ssyncset.done $0x0  }
0x121: {  	[sflag:s7] =	ssyncadd.s32 $0xFFFF4000  }
0x122: {  	v3 =	vld [tilespmem:$0x100];
	_ =	sdelay $0x4  }
0x123: {  	v48 =	vshrl.u32 v3, $0x3  }
0x124: {  	v4 =	vmul.u32 $0x18, v48  }
0x125: {  	v3 =	vand.u32 $0x7, v3  }
0x126: {  	v3 =	vor.u32 v3, v4  }
0x127: {  	v4 =	vperm.xlane v3, v0;
	_ =	sdelay $0x1  }
0x128: {  	v4 =	vadd.s32 v1, v4;
	_ =	sdelay $0x1  }
0x129: {  	v3 =	vperm.xlane v3, v2;
	_ =	sdelay $0x1  }
0x12a: {  	v3 =	vadd.s32 v1, v3  }
0x12b: {  	[tilespmem:s1], [sflag:$0x1] =	stream.indirect_vreg.gather [hbm4b:s2+s3], $0x80, v4, vm0, $0xb8;
	[tilespmem:$0x18200] =	vst v63  }
0x12c: {  	_ = 	snop  }
0x12d: {  	[tilespmem:s26], [sflag:$0x1] =	stream.indirect_vreg.gather [hbm4b:s5+s3], $0x80, v4, vm1, $0xb8;
	[tilespmem:$0x18200] =	vst v63  }
0x12e: {  	_ = 	snop  }
0x12f: {  	[tilespmem:s28], [sflag:$0x1] =	stream.indirect_vreg.gather [hbm4b:s2+s3], $0x80, v3, vm0, $0xb8;
	[tilespmem:$0x18200] =	vst v63  }
0x130: {  	_ = 	snop  }
0x131: {  	[tilespmem:s29], [sflag:$0x1] =	stream.indirect_vreg.gather [hbm4b:s5+s3], $0x80, v3, vm1, $0xb8;
	[tilespmem:$0x18200] =	vst v63  }
0x132: {  	v3 =	vld [tilespmem:$0x110];
	_ =	sdelay $0x4  }
0x133: {  	v49 =	vshrl.u32 v3, $0x3  }
0x134: {  	v4 =	vmul.u32 $0x18, v49  }
0x135: {  	v3 =	vand.u32 $0x7, v3  }
0x136: {  	v3 =	vor.u32 v3, v4  }
0x137: {  	v4 =	vperm.xlane v3, v0;
	_ =	sdelay $0x1  }
0x138: {  	v4 =	vadd.s32 v1, v4;
	_ =	sdelay $0x1  }
0x139: {  	v3 =	vperm.xlane v3, v2;
	_ =	sdelay $0x1  }
0x13a: {  	v3 =	vadd.s32 v1, v3  }
0x13b: {  	[tilespmem:s30], [sflag:$0x1] =	stream.indirect_vreg.gather [hbm4b:s2+s3], $0x80, v4, vm0, $0xb8;
	[tilespmem:$0x18200] =	vst v63  }
0x13c: {  	_ = 	snop  }
0x13d: {  	[tilespmem:s31], [sflag:$0x1] =	stream.indirect_vreg.gather [hbm4b:s5+s3], $0x80, v4, vm1, $0xb8;
	[tilespmem:$0x18200] =	vst v63  }
0x13e: {  	s25 =	simm.s32 $0x2600  }
0x13f: {  	[tilespmem:s25], [sflag:$0x1] =	stream.indirect_vreg.gather [hbm4b:s2+s3], $0x80, v3, vm0, $0xb8;
	[tilespmem:$0x18200] =	vst v63  }
0x140: {  	s25 =	simm.s32 $0x2E00  }
0x141: {  	[tilespmem:s25], [sflag:$0x1] =	stream.indirect_vreg.gather [hbm4b:s5+s3], $0x80, v3, vm1, $0xb8;
	[tilespmem:$0x18200] =	vst v63  }
0x142: {  	v3 =	vld [tilespmem:$0x120];
	_ =	sdelay $0x4  }
0x143: {  	v50 =	vshrl.u32 v3, $0x3  }
0x144: {  	v4 =	vmul.u32 $0x18, v50  }
0x145: {  	v3 =	vand.u32 $0x7, v3  }
0x146: {  	v3 =	vor.u32 v3, v4  }
0x147: {  	v4 =	vperm.xlane v3, v0;
	_ =	sdelay $0x1  }
0x148: {  	v4 =	vadd.s32 v1, v4;
	_ =	sdelay $0x1  }
0x149: {  	v3 =	vperm.xlane v3, v2;
	_ =	sdelay $0x1  }
0x14a: {  	v3 =	vadd.s32 v1, v3  }
0x14b: {  	[tilespmem:s9], [sflag:$0x1] =	stream.indirect_vreg.gather [hbm4b:s2+s3], $0x80, v4, vm0, $0xb8;
	[tilespmem:$0x18200] =	vst v63  }
0x14c: {  	_ = 	snop  }
0x14d: {  	[tilespmem:s10], [sflag:$0x1] =	stream.indirect_vreg.gather [hbm4b:s5+s3], $0x80, v4, vm1, $0xb8;
	[tilespmem:$0x18200] =	vst v63  }
0x14e: {  	_ = 	snop  }
0x14f: {  	[tilespmem:s11], [sflag:$0x1] =	stream.indirect_vreg.gather [hbm4b:s2+s3], $0x80, v3, vm0, $0xb8;
	[tilespmem:$0x18200] =	vst v63  }
0x150: {  	_ = 	snop  }
0x151: {  	[tilespmem:s12], [sflag:$0x1] =	stream.indirect_vreg.gather [hbm4b:s5+s3], $0x80, v3, vm1, $0xb8;
	[tilespmem:$0x18200] =	vst v63  }
0x152: {  	v3 =	vld [tilespmem:$0x130];
	_ =	sdelay $0x4  }
0x153: {  	v51 =	vshrl.u32 v3, $0x3  }
0x154: {  	v4 =	vmul.u32 $0x18, v51  }
0x155: {  	v3 =	vand.u32 $0x7, v3  }
0x156: {  	v3 =	vor.u32 v3, v4  }
0x157: {  	v4 =	vperm.xlane v3, v0;
	_ =	sdelay $0x1  }
0x158: {  	v4 =	vadd.s32 v1, v4;
	_ =	sdelay $0x1  }
0x159: {  	v3 =	vperm.xlane v3, v2;
	_ =	sdelay $0x1  }
0x15a: {  	v3 =	vadd.s32 v1, v3  }
0x15b: {  	[tilespmem:s13], [sflag:$0x1] =	stream.indirect_vreg.gather [hbm4b:s2+s3], $0x80, v4, vm0, $0xb8;
	[tilespmem:$0x18200] =	vst v63  }
0x15c: {  	_ = 	snop  }
0x15d: {  	[tilespmem:s14], [sflag:$0x1] =	stream.indirect_vreg.gather [hbm4b:s5+s3], $0x80, v4, vm1, $0xb8;
	[tilespmem:$0x18200] =	vst v63  }
0x15e: {  	_ = 	snop  }
0x15f: {  	[tilespmem:s15], [sflag:$0x1] =	stream.indirect_vreg.gather [hbm4b:s2+s3], $0x80, v3, vm0, $0xb8;
	[tilespmem:$0x18200] =	vst v63  }
0x160: {  	_ = 	snop  }
0x161: {  	[tilespmem:s17], [sflag:$0x1] =	stream.indirect_vreg.gather [hbm4b:s5+s3], $0x80, v3, vm1, $0xb8;
	[tilespmem:$0x18200] =	vst v63  }
0x162: {  	v3 =	vld [tilespmem:$0x140];
	_ =	sdelay $0x4  }
0x163: {  	v52 =	vshrl.u32 v3, $0x3  }
0x164: {  	v4 =	vmul.u32 $0x18, v52  }
0x165: {  	v3 =	vand.u32 $0x7, v3  }
0x166: {  	v3 =	vor.u32 v3, v4  }
0x167: {  	v4 =	vperm.xlane v3, v0;
	_ =	sdelay $0x1  }
0x168: {  	v4 =	vadd.s32 v1, v4;
	_ =	sdelay $0x1  }
0x169: {  	v3 =	vperm.xlane v3, v2;
	_ =	sdelay $0x1  }
0x16a: {  	v3 =	vadd.s32 v1, v3  }
0x16b: {  	[tilespmem:s18], [sflag:$0x1] =	stream.indirect_vreg.gather [hbm4b:s2+s3], $0x80, v4, vm0, $0xb8;
	[tilespmem:$0x18200] =	vst v63  }
0x16c: {  	_ = 	snop  }
0x16d: {  	[tilespmem:s19], [sflag:$0x1] =	stream.indirect_vreg.gather [hbm4b:s5+s3], $0x80, v4, vm1, $0xb8;
	[tilespmem:$0x18200] =	vst v63  }
0x16e: {  	s25 =	simm.s32 $0x6E00  }
0x16f: {  	[tilespmem:s25], [sflag:$0x1] =	stream.indirect_vreg.gather [hbm4b:s2+s3], $0x80, v3, vm0, $0xb8;
	[tilespmem:$0x18200] =	vst v63  }
0x170: {  	_ = 	snop  }
0x171: {  	[tilespmem:s20], [sflag:$0x1] =	stream.indirect_vreg.gather [hbm4b:s5+s3], $0x80, v3, vm1, $0xb8;
	[tilespmem:$0x18200] =	vst v63  }
0x172: {  	v3 =	vld [tilespmem:$0x150];
	_ =	sdelay $0x4  }
0x173: {  	v53 =	vshrl.u32 v3, $0x3  }
0x174: {  	v4 =	vmul.u32 $0x18, v53  }
0x175: {  	v3 =	vand.u32 $0x7, v3  }
0x176: {  	v3 =	vor.u32 v3, v4  }
0x177: {  	v4 =	vperm.xlane v3, v0;
	_ =	sdelay $0x1  }
0x178: {  	v4 =	vadd.s32 v1, v4;
	_ =	sdelay $0x1  }
0x179: {  	v3 =	vperm.xlane v3, v2;
	_ =	sdelay $0x1  }
0x17a: {  	v3 =	vadd.s32 v1, v3  }
0x17b: {  	[tilespmem:s21], [sflag:$0x1] =	stream.indirect_vreg.gather [hbm4b:s2+s3], $0x80, v4, vm0, $0xb8;
	[tilespmem:$0x18200] =	vst v63  }
0x17c: {  	_ = 	snop  }
0x17d: {  	[tilespmem:s22], [sflag:$0x1] =	stream.indirect_vreg.gather [hbm4b:s5+s3], $0x80, v4, vm1, $0xb8;
	[tilespmem:$0x18200] =	vst v63  }
0x17e: {  	_ = 	snop  }
0x17f: {  	[tilespmem:s8], [sflag:$0x1] =	stream.indirect_vreg.gather [hbm4b:s2+s3], $0x80, v3, vm0, $0xb8;
	[tilespmem:$0x18200] =	vst v63  }
0x180: {  	_ = 	snop  }
0x181: {  	[tilespmem:s16], [sflag:$0x1] =	stream.indirect_vreg.gather [hbm4b:s5+s3], $0x80, v3, vm1, $0xb8;
	[tilespmem:$0x18200] =	vst v63  }
0x182: {  	v3 =	vld [tilespmem:$0x160];
	_ =	sdelay $0x4  }
0x183: {  	v54 =	vshrl.u32 v3, $0x3  }
0x184: {  	v4 =	vmul.u32 $0x18, v54  }
0x185: {  	v3 =	vand.u32 $0x7, v3  }
0x186: {  	v3 =	vor.u32 v3, v4  }
0x187: {  	v4 =	vperm.xlane v3, v0;
	_ =	sdelay $0x1  }
0x188: {  	v4 =	vadd.s32 v1, v4;
	_ =	sdelay $0x1  }
0x189: {  	v3 =	vperm.xlane v3, v2;
	_ =	sdelay $0x1  }
0x18a: {  	v3 =	vadd.s32 v1, v3  }
0x18b: {  	[tilespmem:s23], [sflag:$0x1] =	stream.indirect_vreg.gather [hbm4b:s2+s3], $0x80, v4, vm0, $0xb8;
	[tilespmem:$0x18200] =	vst v63  }
0x18c: {  	s25 =	simm.s32 $0x9A00  }
0x18d: {  	[tilespmem:s25], [sflag:$0x1] =	stream.indirect_vreg.gather [hbm4b:s5+s3], $0x80, v4, vm1, $0xb8;
	[tilespmem:$0x18200] =	vst v63  }
0x18e: {  	s25 =	simm.s32 $0x9E00  }
0x18f: {  	[tilespmem:s25], [sflag:$0x1] =	stream.indirect_vreg.gather [hbm4b:s2+s3], $0x80, v3, vm0, $0xb8;
	[tilespmem:$0x18200] =	vst v63  }
0x190: {  	s25 =	simm.s32 $0xA600  }
0x191: {  	[tilespmem:s25], [sflag:$0x1] =	stream.indirect_vreg.gather [hbm4b:s5+s3], $0x80, v3, vm1, $0xb8;
	[tilespmem:$0x18200] =	vst v63  }
0x192: {  	v3 =	vld [tilespmem:$0x170];
	_ =	sdelay $0x4  }
0x193: {  	v55 =	vshrl.u32 v3, $0x3  }
0x194: {  	v4 =	vmul.u32 $0x18, v55  }
0x195: {  	v3 =	vand.u32 $0x7, v3  }
0x196: {  	v3 =	vor.u32 v3, v4  }
0x197: {  	v4 =	vperm.xlane v3, v0;
	_ =	sdelay $0x1  }
0x198: {  	v4 =	vadd.s32 v1, v4;
	_ =	sdelay $0x1  }
0x199: {  	v3 =	vperm.xlane v3, v2;
	_ =	sdelay $0x1  }
0x19a: {  	s25 =	simm.s32 $0xAA00;
	v3 =	vadd.s32 v1, v3  }
0x19b: {  	[tilespmem:s25], [sflag:$0x1] =	stream.indirect_vreg.gather [hbm4b:s2+s3], $0x80, v4, vm0, $0xb8;
	[tilespmem:$0x18200] =	vst v63  }
0x19c: {  	s25 =	simm.s32 $0xB200  }
0x19d: {  	[tilespmem:s25], [sflag:$0x1] =	stream.indirect_vreg.gather [hbm4b:s5+s3], $0x80, v4, vm1, $0xb8;
	[tilespmem:$0x18200] =	vst v63  }
0x19e: {  	s25 =	simm.s32 $0xB600  }
0x19f: {  	[tilespmem:s25], [sflag:$0x1] =	stream.indirect_vreg.gather [hbm4b:s2+s3], $0x80, v3, vm0, $0xb8;
	[tilespmem:$0x18200] =	vst v63  }
0x1a0: {  	s25 =	simm.s32 $0xBE00  }
0x1a1: {  	[tilespmem:s25], [sflag:$0x1] =	stream.indirect_vreg.gather [hbm4b:s5+s3], $0x80, v3, vm1, $0xb8;
	[tilespmem:$0x18200] =	vst v63  }
0x1a2: {  	_ =	swait.ge [sflag:s4], $0xC000  }
0x1a3: {  	[sflag:s4] =	ssyncset.done $0x0  }
0x1a4: {  	s1 =	rddreg [dreg:$0x4];
	[sflag:s4] =	ssyncadd.s32 $0xFFFF4000  }
0x1a5: {  	[hbm4b:s1+s3] =	stream.linear.scatter [tilespmem:s0], [sflag:$0x3], $0xC000, $0x38;
	[tilespmem:$0x18200] =	vst v63  }
0x1a6: {  	_ =	swait.ge [sflag:s7], $0xC000  }
0x1a7: {  	[sflag:s7] =	ssyncset.done $0x0  }
0x1a8: {  	[sflag:s7] =	ssyncadd.s32 $0xFFFF4000  }
0x1a9: {  	v3 =	vld [tilespmem:$0x180];
	_ =	sdelay $0x4  }
0x1aa: {  	v56 =	vshrl.u32 v3, $0x3  }
0x1ab: {  	v4 =	vmul.u32 $0x18, v56  }
0x1ac: {  	v3 =	vand.u32 $0x7, v3  }
0x1ad: {  	v3 =	vor.u32 v3, v4  }
0x1ae: {  	v4 =	vperm.xlane v3, v0;
	_ =	sdelay $0x1  }
0x1af: {  	v4 =	vadd.s32 v1, v4;
	_ =	sdelay $0x1  }
0x1b0: {  	v3 =	vperm.xlane v3, v2;
	_ =	sdelay $0x1  }
0x1b1: {  	v3 =	vadd.s32 v1, v3  }
0x1b2: {  	[tilespmem:s0], [sflag:$0x2] =	stream.indirect_vreg.gather [hbm4b:s2+s3], $0x80, v4, vm0, $0xb8;
	[tilespmem:$0x18200] =	vst v63  }
0x1b3: {  	s25 =	simm.s32 $0xCA00  }
0x1b4: {  	[tilespmem:s25], [sflag:$0x2] =	stream.indirect_vreg.gather [hbm4b:s5+s3], $0x80, v4, vm1, $0xb8;
	[tilespmem:$0x18200] =	vst v63  }
0x1b5: {  	s25 =	simm.s32 $0xCE00  }
0x1b6: {  	[tilespmem:s25], [sflag:$0x2] =	stream.indirect_vreg.gather [hbm4b:s2+s3], $0x80, v3, vm0, $0xb8;
	[tilespmem:$0x18200] =	vst v63  }
0x1b7: {  	s25 =	simm.s32 $0xD600  }
0x1b8: {  	[tilespmem:s25], [sflag:$0x2] =	stream.indirect_vreg.gather [hbm4b:s5+s3], $0x80, v3, vm1, $0xb8;
	[tilespmem:$0x18200] =	vst v63  }
0x1b9: {  	v3 =	vld [tilespmem:$0x190];
	_ =	sdelay $0x4  }
0x1ba: {  	v57 =	vshrl.u32 v3, $0x3  }
0x1bb: {  	v4 =	vmul.u32 $0x18, v57  }
0x1bc: {  	v3 =	vand.u32 $0x7, v3  }
0x1bd: {  	v3 =	vor.u32 v3, v4  }
0x1be: {  	v4 =	vperm.xlane v3, v0;
	_ =	sdelay $0x1  }
0x1bf: {  	v4 =	vadd.s32 v1, v4;
	_ =	sdelay $0x1  }
0x1c0: {  	v3 =	vperm.xlane v3, v2;
	_ =	sdelay $0x1  }
0x1c1: {  	s25 =	simm.s32 $0xDA00;
	v3 =	vadd.s32 v1, v3  }
0x1c2: {  	[tilespmem:s25], [sflag:$0x2] =	stream.indirect_vreg.gather [hbm4b:s2+s3], $0x80, v4, vm0, $0xb8;
	[tilespmem:$0x18200] =	vst v63  }
0x1c3: {  	s25 =	simm.s32 $0xE200  }
0x1c4: {  	[tilespmem:s25], [sflag:$0x2] =	stream.indirect_vreg.gather [hbm4b:s5+s3], $0x80, v4, vm1, $0xb8;
	[tilespmem:$0x18200] =	vst v63  }
0x1c5: {  	s25 =	simm.s32 $0xE600  }
0x1c6: {  	[tilespmem:s25], [sflag:$0x2] =	stream.indirect_vreg.gather [hbm4b:s2+s3], $0x80, v3, vm0, $0xb8;
	[tilespmem:$0x18200] =	vst v63  }
0x1c7: {  	s25 =	simm.s32 $0xEE00  }
0x1c8: {  	[tilespmem:s25], [sflag:$0x2] =	stream.indirect_vreg.gather [hbm4b:s5+s3], $0x80, v3, vm1, $0xb8;
	[tilespmem:$0x18200] =	vst v63  }
0x1c9: {  	v3 =	vld [tilespmem:$0x1A0];
	_ =	sdelay $0x4  }
0x1ca: {  	v58 =	vshrl.u32 v3, $0x3  }
0x1cb: {  	v4 =	vmul.u32 $0x18, v58  }
0x1cc: {  	v3 =	vand.u32 $0x7, v3  }
0x1cd: {  	v3 =	vor.u32 v3, v4  }
0x1ce: {  	v4 =	vperm.xlane v3, v0;
	_ =	sdelay $0x1  }
0x1cf: {  	v4 =	vadd.s32 v1, v4;
	_ =	sdelay $0x1  }
0x1d0: {  	v3 =	vperm.xlane v3, v2;
	_ =	sdelay $0x1  }
0x1d1: {  	s25 =	simm.s32 $0xF200;
	v3 =	vadd.s32 v1, v3  }
0x1d2: {  	[tilespmem:s25], [sflag:$0x2] =	stream.indirect_vreg.gather [hbm4b:s2+s3], $0x80, v4, vm0, $0xb8;
	[tilespmem:$0x18200] =	vst v63  }
0x1d3: {  	s25 =	simm.s32 $0xFA00  }
0x1d4: {  	[tilespmem:s25], [sflag:$0x2] =	stream.indirect_vreg.gather [hbm4b:s5+s3], $0x80, v4, vm1, $0xb8;
	[tilespmem:$0x18200] =	vst v63  }
0x1d5: {  	s25 =	simm.s32 $0xFE00  }
0x1d6: {  	[tilespmem:s25], [sflag:$0x2] =	stream.indirect_vreg.gather [hbm4b:s2+s3], $0x80, v3, vm0, $0xb8;
	[tilespmem:$0x18200] =	vst v63  }
0x1d7: {  	s25 =	simm.s32 $0x10600  }
0x1d8: {  	[tilespmem:s25], [sflag:$0x2] =	stream.indirect_vreg.gather [hbm4b:s5+s3], $0x80, v3, vm1, $0xb8;
	[tilespmem:$0x18200] =	vst v63  }
0x1d9: {  	v3 =	vld [tilespmem:$0x1B0];
	_ =	sdelay $0x4  }
0x1da: {  	v59 =	vshrl.u32 v3, $0x3  }
0x1db: {  	v4 =	vmul.u32 $0x18, v59  }
0x1dc: {  	v3 =	vand.u32 $0x7, v3  }
0x1dd: {  	v3 =	vor.u32 v3, v4  }
0x1de: {  	v4 =	vperm.xlane v3, v0;
	_ =	sdelay $0x1  }
0x1df: {  	v4 =	vadd.s32 v1, v4;
	_ =	sdelay $0x1  }
0x1e0: {  	v3 =	vperm.xlane v3, v2;
	_ =	sdelay $0x1  }
0x1e1: {  	s25 =	simm.s32 $0x10A00;
	v3 =	vadd.s32 v1, v3  }
0x1e2: {  	[tilespmem:s25], [sflag:$0x2] =	stream.indirect_vreg.gather [hbm4b:s2+s3], $0x80, v4, vm0, $0xb8;
	[tilespmem:$0x18200] =	vst v63  }
0x1e3: {  	s25 =	simm.s32 $0x11200  }
0x1e4: {  	[tilespmem:s25], [sflag:$0x2] =	stream.indirect_vreg.gather [hbm4b:s5+s3], $0x80, v4, vm1, $0xb8;
	[tilespmem:$0x18200] =	vst v63  }
0x1e5: {  	s25 =	simm.s32 $0x11600  }
0x1e6: {  	[tilespmem:s25], [sflag:$0x2] =	stream.indirect_vreg.gather [hbm4b:s2+s3], $0x80, v3, vm0, $0xb8;
	[tilespmem:$0x18200] =	vst v63  }
0x1e7: {  	s25 =	simm.s32 $0x11E00  }
0x1e8: {  	[tilespmem:s25], [sflag:$0x2] =	stream.indirect_vreg.gather [hbm4b:s5+s3], $0x80, v3, vm1, $0xb8;
	[tilespmem:$0x18200] =	vst v63  }
0x1e9: {  	v3 =	vld [tilespmem:$0x1C0];
	_ =	sdelay $0x4  }
0x1ea: {  	v60 =	vshrl.u32 v3, $0x3  }
0x1eb: {  	v4 =	vmul.u32 $0x18, v60  }
0x1ec: {  	v3 =	vand.u32 $0x7, v3  }
0x1ed: {  	v3 =	vor.u32 v3, v4  }
0x1ee: {  	v4 =	vperm.xlane v3, v0;
	_ =	sdelay $0x1  }
0x1ef: {  	v4 =	vadd.s32 v1, v4;
	_ =	sdelay $0x1  }
0x1f0: {  	v3 =	vperm.xlane v3, v2;
	_ =	sdelay $0x1  }
0x1f1: {  	s25 =	simm.s32 $0x12200;
	v3 =	vadd.s32 v1, v3  }
0x1f2: {  	[tilespmem:s25], [sflag:$0x2] =	stream.indirect_vreg.gather [hbm4b:s2+s3], $0x80, v4, vm0, $0xb8;
	[tilespmem:$0x18200] =	vst v63  }
0x1f3: {  	s25 =	simm.s32 $0x12A00  }
0x1f4: {  	[tilespmem:s25], [sflag:$0x2] =	stream.indirect_vreg.gather [hbm4b:s5+s3], $0x80, v4, vm1, $0xb8;
	[tilespmem:$0x18200] =	vst v63  }
0x1f5: {  	s25 =	simm.s32 $0x12E00  }
0x1f6: {  	[tilespmem:s25], [sflag:$0x2] =	stream.indirect_vreg.gather [hbm4b:s2+s3], $0x80, v3, vm0, $0xb8;
	[tilespmem:$0x18200] =	vst v63  }
0x1f7: {  	s25 =	simm.s32 $0x13600  }
0x1f8: {  	[tilespmem:s25], [sflag:$0x2] =	stream.indirect_vreg.gather [hbm4b:s5+s3], $0x80, v3, vm1, $0xb8;
	[tilespmem:$0x18200] =	vst v63  }
0x1f9: {  	v3 =	vld [tilespmem:$0x1D0];
	_ =	sdelay $0x4  }
0x1fa: {  	v61 =	vshrl.u32 v3, $0x3  }
0x1fb: {  	v4 =	vmul.u32 $0x18, v61  }
0x1fc: {  	v3 =	vand.u32 $0x7, v3  }
0x1fd: {  	v3 =	vor.u32 v3, v4  }
0x1fe: {  	v4 =	vperm.xlane v3, v0;
	_ =	sdelay $0x1  }
0x1ff: {  	v4 =	vadd.s32 v1, v4;
	_ =	sdelay $0x1  }
0x200: {  	v3 =	vperm.xlane v3, v2;
	_ =	sdelay $0x1  }
0x201: {  	s25 =	simm.s32 $0x13A00;
	v3 =	vadd.s32 v1, v3  }
0x202: {  	[tilespmem:s25], [sflag:$0x2] =	stream.indirect_vreg.gather [hbm4b:s2+s3], $0x80, v4, vm0, $0xb8;
	[tilespmem:$0x18200] =	vst v63  }
0x203: {  	s25 =	simm.s32 $0x14200  }
0x204: {  	[tilespmem:s25], [sflag:$0x2] =	stream.indirect_vreg.gather [hbm4b:s5+s3], $0x80, v4, vm1, $0xb8;
	[tilespmem:$0x18200] =	vst v63  }
0x205: {  	s25 =	simm.s32 $0x14600  }
0x206: {  	[tilespmem:s25], [sflag:$0x2] =	stream.indirect_vreg.gather [hbm4b:s2+s3], $0x80, v3, vm0, $0xb8;
	[tilespmem:$0x18200] =	vst v63  }
0x207: {  	s25 =	simm.s32 $0x14E00  }
0x208: {  	[tilespmem:s25], [sflag:$0x2] =	stream.indirect_vreg.gather [hbm4b:s5+s3], $0x80, v3, vm1, $0xb8;
	[tilespmem:$0x18200] =	vst v63  }
0x209: {  	v3 =	vld [tilespmem:$0x1E0];
	_ =	sdelay $0x4  }
0x20a: {  	v62 =	vshrl.u32 v3, $0x3  }
0x20b: {  	v4 =	vmul.u32 $0x18, v62  }
0x20c: {  	v3 =	vand.u32 $0x7, v3  }
0x20d: {  	v3 =	vor.u32 v3, v4  }
0x20e: {  	v4 =	vperm.xlane v3, v0;
	_ =	sdelay $0x1  }
0x20f: {  	v4 =	vadd.s32 v1, v4;
	_ =	sdelay $0x1  }
0x210: {  	v3 =	vperm.xlane v3, v2;
	_ =	sdelay $0x1  }
0x211: {  	s25 =	simm.s32 $0x15200;
	v3 =	vadd.s32 v1, v3  }
0x212: {  	[tilespmem:s25], [sflag:$0x2] =	stream.indirect_vreg.gather [hbm4b:s2+s3], $0x80, v4, vm0, $0xb8;
	[tilespmem:$0x18200] =	vst v63  }
0x213: {  	s25 =	simm.s32 $0x15A00  }
0x214: {  	[tilespmem:s25], [sflag:$0x2] =	stream.indirect_vreg.gather [hbm4b:s5+s3], $0x80, v4, vm1, $0xb8;
	[tilespmem:$0x18200] =	vst v63  }
0x215: {  	s25 =	simm.s32 $0x15E00  }
0x216: {  	[tilespmem:s25], [sflag:$0x2] =	stream.indirect_vreg.gather [hbm4b:s2+s3], $0x80, v3, vm0, $0xb8;
	[tilespmem:$0x18200] =	vst v63  }
0x217: {  	s25 =	simm.s32 $0x16600  }
0x218: {  	[tilespmem:s25], [sflag:$0x2] =	stream.indirect_vreg.gather [hbm4b:s5+s3], $0x80, v3, vm1, $0xb8;
	[tilespmem:$0x18200] =	vst v63  }
0x219: {  	v3 =	vld [tilespmem:$0x1F0];
	_ =	sdelay $0x4  }
0x21a: {  	v63 =	vshrl.u32 v3, $0x3  }
0x21b: {  	v4 =	vmul.u32 $0x18, v63  }
0x21c: {  	v3 =	vand.u32 $0x7, v3  }
0x21d: {  	v3 =	vor.u32 v3, v4  }
0x21e: {  	v4 =	vperm.xlane v3, v0;
	_ =	sdelay $0x1  }
0x21f: {  	v4 =	vadd.s32 v1, v4;
	_ =	sdelay $0x1  }
0x220: {  	v3 =	vperm.xlane v3, v2;
	_ =	sdelay $0x1  }
0x221: {  	s25 =	simm.s32 $0x16A00;
	v3 =	vadd.s32 v1, v3  }
0x222: {  	[tilespmem:s25], [sflag:$0x2] =	stream.indirect_vreg.gather [hbm4b:s2+s3], $0x80, v4, vm0, $0xb8;
	[tilespmem:$0x18200] =	vst v63  }
0x223: {  	s25 =	simm.s32 $0x17200  }
0x224: {  	[tilespmem:s25], [sflag:$0x2] =	stream.indirect_vreg.gather [hbm4b:s5+s3], $0x80, v4, vm1, $0xb8;
	[tilespmem:$0x18200] =	vst v63  }
0x225: {  	s25 =	simm.s32 $0x17600  }
0x226: {  	[tilespmem:s25], [sflag:$0x2] =	stream.indirect_vreg.gather [hbm4b:s2+s3], $0x80, v3, vm0, $0xb8;
	[tilespmem:$0x18200] =	vst v63  }
0x227: {  	s25 =	simm.s32 $0x17E00  }
0x228: {  	[tilespmem:s25], [sflag:$0x2] =	stream.indirect_vreg.gather [hbm4b:s5+s3], $0x80, v3, vm1, $0xb8;
	[tilespmem:$0x18200] =	vst v63  }
0x229: {  	_ =	swait.ge [sflag:s24], $0xC000  }
0x22a: {  	[sflag:s24] =	ssyncset.done $0x0  }
0x22b: {  	s1 =	simm.s32 $0x200;
	s25 =	rddreg [dreg:$0x5];
	[sflag:s24] =	ssyncadd.s32 $0xFFFF4000  }
0x22c: {  	[hbm4b:s25+s3] =	stream.linear.scatter [tilespmem:s1], [sflag:$0x3], $0xC000, $0x38;
	[tilespmem:$0x18200] =	vst v63  }
0x22d: {  	_ =	swait.ge [sflag:s7], $0xC000  }
0x22e: {  	[sflag:s7] =	ssyncset.done $0x0  }
0x22f: {  	[sflag:s7] =	ssyncadd.s32 $0xFFFF4000  }
0x230: {  	_ =	swait.ge [sflag:s4], $0xC000  }
0x231: {  	p0 =	sne.s32 s6, $0x1;
	[sflag:s4] =	ssyncset.done $0x0  }
.Ltmp0:
0x232: {  	s1 =	rddreg [dreg:$0x6];
	[sflag:s4] =	ssyncadd.s32 $0xFFFF4000;
	(pc) =	sbr.rel @p0 .LBB2_1-.Ltmp0, $4  }
0x233: {  	[hbm4b:s1+s3] =	stream.linear.scatter [tilespmem:s0], [sflag:$0x3], $0xC000, $0x38;
	[tilespmem:$0x18200] =	vst v63  }
0x234: {  	_ =	swait.ge [sflag:s7], $0xC000  }
0x235: {  	[sflag:s7] =	ssyncset.done $0x0  }
0x236: {  	s6 =	sadd.s32 $0xFFFFFFFF, s6;
	[sflag:s7] =	ssyncadd.s32 $0xFFFF4000  }
0x237: {  	_ =	sfence.sel $0x180000  }
0x238: {  	[bflag:$0x0] =	sbarrier.arrive $0xFFFF  }
0x239: {  	_ =	strace $0x90000050  }
0x23a: {  	s0 =	stileid.u32;
	[bflag:$0x2] =	sbarrier.arrive $0xFFFF  }
0x23b: {  	p0 =	sne.s32 s0, $0x0;
	s0 =	rddreg [dreg:$0x2]  }
0x23c: {  	s0 =	sadd.s32 @!p0 $0x100000, s0  }
0x23d: {  	[sflag:s0] =	ssyncadd.tile.s32 @!p0 $0x1;
	_ =	shalt  }
.Lfunc_end2:
_tile_overlayer_lowered:
.L_overlay_start_2:
0x23e: {  	(tag) =	ssettag $0x2  }
0x23f: {  	s0 =	rddreg [dreg:$0x0];
	s2 =	stileid.u32  }
0x240: {  	s1 =	rddreg [dreg:$0x1];
	p0 =	sne.s32 s2, $0x0  }
0x241: {  	s3 =	rddreg [dreg:$0x2];
	[bflag:$0x3] =	sbarrier.arrive $0xFFFF;
	s2 =	simm.s32 @!p0 $0x1C03  }
0x242: {  	[timem:s3], [sflag:s2] =	dma.local @!p0 [hbm:s0], s1  }
0x243: {  	s0 =	simm.s32 @!p0 $0x3  }
0x244: {  	_ =	swait.ge @!p0 [sflag:s0], s1  }
0x245: {  	s1 =	ssub.s32 @!p0 $0x0, s1;
	[sflag:s0] =	ssyncset.done @!p0 $0x0  }
0x246: {  	[sflag:s0] =	ssyncadd.s32 @!p0 s1  }
0x247: {  	[bflag:$0x3] =	sbarrier.arrive $0xFFFF  }
0x248: {  	_ =	shalt  }

// kernel: kernel.8.cloned.1.call-start
scs
__scs_entry_jumppad:
0x0: {  	(pc) =	sbr.rel $0x88, $3  }
0x1: {  	(tag) =	ssettag $0x0;
	lr =	simm.s32 $0x1  }
0x2: {  	[smem:$0x3F96] =	sst lr;
	_ =	strace $0xD0000000  }
0x3: {  	_ = 	snop  }
0x4: {  	_ = 	snop  }
0x5: {  	_ = 	snop  }
0x6: {  	_ = 	snop  }
0x7: {  	_ = 	snop  }
__scs_overlays_trampoline_lowered:
0x8: {  	[smem:$0x3FA5] =	sst s0  }
0x9: {  	[smem:$0x3FA6] =	sst s1  }
0xa: {  	[smem:$0x3FA7] =	sst s2  }
0xb: {  	[smem:$0x3FA8] =	sst s3  }
0xc: {  	[smem:$0x3FA9] =	sst s4  }
0xd: {  	[smem:$0x3FAA] =	sst s5  }
0xe: {  	[smem:$0x3FAB] =	sst s6  }
0xf: {  	[smem:$0x3FAC] =	sst s7  }
0x10: {  	[smem:$0x3FAD] =	sst s8  }
0x11: {  	[smem:$0x3FAE] =	sst s9;
	s0 =	simm.s32 @!p0 $0x0  }
0x12: {  	s1 =	sld [smem:$0x3F94];
	s0 =	simm.s32 @p0 $0x1  }
0x13: {  	[smem:$0x3FAF] =	sst s0;
	s0 =	simm.s32 @!p1 $0x0  }
0x14: {  	s2 =	sld [smem:$0x3F93];
	s0 =	simm.s32 @p1 $0x1  }
0x15: {  	[smem:$0x3FB0] =	sst s0;
	s0 =	simm.s32 @!p2 $0x0  }
0x16: {  	s3 =	sld [smem:$0x3FDB];
	s0 =	simm.s32 @p2 $0x1  }
0x17: {  	s4 =	simm.s32 $0x1BF5;
	[smem:$0x3FB2] =	sst s0  }
0x18: {  	s0 =	sld [smem:$0x3F95];
	_ =	swait.ge [sflag:s4], $0x0  }
0x19: {  	s7 =	sld [smem:$0x3F96]  }
0x1a: {  	s8 =	sadd.s32 $0xFFFFE003, lr  }
0x1b: {  	s9 =	sadd.s32 $0xFFFFFEF7, lr;
	s5 =	simm.s32 $0xFFFFFFFF;
	p2 =	slt.u32 s8, $0xFFFFF086  }
0x1c: {  	p1 =	slt.u32 s9, $0xF7A;
	s5 =	simm.s32 @!p2 $0x0  }
0x1d: {  	s5 =	simm.s32 @p1 $0x1;
	p0 =	seq.s32 s7, s2  }
0x1e: {  	s7 =	smul.u32 @!p0 $0xF7A, s2;
	p2 =	seq.s32 @!p0 s5, $0x0  }
0x1f: {  	s9 =	smul.u32 $0xF7A, s1;
	s8 =	simm.s32 @!p0 $0x1BF5;
	p2 =	por !p2, p0  }
0x20: {  	[sflag:s8] =	ssyncset.s32 @!p0 $0xFFFFF086;
	s6 =	sadd.s32 @!p0 s3, s7;
	s7 =	simm.s32 @!p0 $0x108  }
0x21: {  	s3 =	sadd.s32 s3, s9;
	s6 =	sadd.s32 @!p0 $0x88, s6;
	s7 =	simm.s32 @p2 $0x1082  }
0x22: {  	[simem:s7], [sflag:s8] =	dma.local @!p0 [hbm:s6], $0xF7A  }
0x23: {  	s9 =	sor.u32 $0xD0000000, s2;
	s6 =	simm.s32 $0x108;
	_ =	swait.ge @!p0 [sflag:s8], $0x0  }
0x24: {  	s3 =	sadd.s32 $0x88, s3;
	s6 =	simm.s32 @!p1 $0x1082;
	[sflag:s4] =	ssyncset.s32 $0xFFFFF086  }
0x25: {  	[simem:s6], [sflag:s4] =	dma.local [hbm:s3], $0xF7A  }
0x26: {  	[smem:$0x3F96] =	sst s1;
	(tag) =	ssettag s2;
	_ =	strace s9  }
0x27: {  	s1 =	sld [smem:$0x3FA6]  }
0x28: {  	s2 =	sld [smem:$0x3FA7]  }
0x29: {  	s4 =	sld [smem:$0x3FA9]  }
0x2a: {  	p0 =	seq.s32 s5, $0x0;
	s5 =	sld [smem:$0x3FAA]  }
0x2b: {  	s6 =	sld [smem:$0x3FAB]  }
0x2c: {  	s7 =	sld [smem:$0x3FAC]  }
0x2d: {  	s3 =	simm.s32 $0x108;
	s8 =	sld [smem:$0x3FAD]  }
0x2e: {  	s3 =	simm.s32 @!p0 $0x1082;
	s9 =	sld [smem:$0x3FAE]  }
0x2f: {  	lr =	sadd.s32 s0, s3;
	s0 =	sld [smem:$0x3FA5]  }
0x30: {  	s3 =	sld [smem:$0x3FA8]  }
0x31: {  	[smem:$0x3FB1] =	sst s10  }
0x32: {  	s10 =	sld [smem:$0x3FAF];
	_ =	sdelay $0x3  }
0x33: {  	p0 =	seq.s32 s10, $0x1;
	s10 =	sld [smem:$0x3FB1];
	_ =	sdelay $0x3  }
0x34: {  	[smem:$0x3FB1] =	sst s10  }
0x35: {  	s10 =	sld [smem:$0x3FB0];
	_ =	sdelay $0x3  }
0x36: {  	p1 =	seq.s32 s10, $0x1;
	s10 =	sld [smem:$0x3FB1];
	_ =	sdelay $0x3  }
0x37: {  	[smem:$0x3FB1] =	sst s10  }
0x38: {  	s10 =	sld [smem:$0x3FB2]  }
0x39: {  	_ = 	snop;
	(pc) =	sbr.ind lr, $3  }
0x3a: {  	_ = 	snop  }
0x3b: {  	_ = 	snop  }
0x3c: {  	p2 =	seq.s32 s10, $0x1;
	s10 =	sld [smem:$0x3FB1]  }
0x3d: {  	_ =	shalt  }
0x3e: {  	_ =	shalt  }
0x3f: {  	_ =	shalt  }
0x40: {  	_ =	shalt  }
0x41: {  	_ =	shalt  }
0x42: {  	_ =	shalt  }
0x43: {  	_ =	shalt  }
0x44: {  	_ =	shalt  }
0x45: {  	_ =	shalt  }
0x46: {  	_ =	shalt  }
0x47: {  	_ =	shalt  }
0x48: {  	_ =	shalt  }
0x49: {  	_ =	shalt  }
0x4a: {  	_ =	shalt  }
0x4b: {  	_ =	shalt  }
0x4c: {  	_ =	shalt  }
0x4d: {  	_ =	shalt  }
0x4e: {  	_ =	shalt  }
0x4f: {  	_ =	shalt  }
0x50: {  	_ =	shalt  }
0x51: {  	_ =	shalt  }
0x52: {  	_ =	shalt  }
0x53: {  	_ =	shalt  }
0x54: {  	_ =	shalt  }
0x55: {  	_ =	shalt  }
0x56: {  	_ =	shalt  }
0x57: {  	_ =	shalt  }
0x58: {  	_ =	shalt  }
0x59: {  	_ =	shalt  }
0x5a: {  	_ =	shalt  }
0x5b: {  	_ =	shalt  }
0x5c: {  	_ =	shalt  }
0x5d: {  	_ =	shalt  }
0x5e: {  	_ =	shalt  }
0x5f: {  	_ =	shalt  }
0x60: {  	_ =	shalt  }
0x61: {  	_ =	shalt  }
0x62: {  	_ =	shalt  }
0x63: {  	_ =	shalt  }
0x64: {  	_ =	shalt  }
0x65: {  	_ =	shalt  }
0x66: {  	_ =	shalt  }
0x67: {  	_ =	shalt  }
0x68: {  	_ =	shalt  }
0x69: {  	_ =	shalt  }
0x6a: {  	_ =	shalt  }
0x6b: {  	_ =	shalt  }
0x6c: {  	_ =	shalt  }
0x6d: {  	_ =	shalt  }
0x6e: {  	_ =	shalt  }
0x6f: {  	_ =	shalt  }
0x70: {  	_ =	shalt  }
0x71: {  	_ =	shalt  }
0x72: {  	_ =	shalt  }
0x73: {  	_ =	shalt  }
0x74: {  	_ =	shalt  }
0x75: {  	_ =	shalt  }
0x76: {  	_ =	shalt  }
0x77: {  	_ =	shalt  }
0x78: {  	_ =	shalt  }
0x79: {  	_ =	shalt  }
0x7a: {  	_ =	shalt  }
0x7b: {  	_ =	shalt  }
0x7c: {  	_ =	shalt  }
0x7d: {  	_ =	shalt  }
0x7e: {  	_ =	shalt  }
0x7f: {  	_ =	shalt  }
0x80: {  	_ =	shalt  }
0x81: {  	_ =	shalt  }
0x82: {  	_ =	shalt  }
0x83: {  	_ =	shalt  }
0x84: {  	_ =	shalt  }
0x85: {  	_ =	shalt  }
0x86: {  	_ =	shalt  }
0x87: {  	_ =	shalt  }
.Lfunc_end0:
.L_simem_size_0:
called_computation.2_lowered:
.L_overlay_start_0:
0x88: {  	s2 =	sld [smem:$0x3FD9]  }
0x89: {  	s3 =	sld [smem:$0x3FFE];
	_ =	sdelay $0x1  }
0x8a: {  	s1 =	srdreg.scid  }
0x8b: {  	s0 =	sand.u32 $0x1, s1  }
0x8c: {  	s17 =	sshll.u32 s0, $0xA;
	s2 =	sadd.s32 s3, s2  }
0x8d: {  	s2 =	sadd.s32 s2, s17  }
0x8e: {  	[smem:$0x3FBD] =	sst s2  }
0x8f: {  	_ = 	snop  }
0x90: {  	s18 =	sld [smem:$0x3FC8];
	(tm) =	ssettm $0x1  }
0x91: {  	s19 =	sld [smem:$0x3FFB];
	_ =	sdelay $0x3  }
0x92: {  	_ =	strace s19  }
0x93: {  	s2 =	sld [smem:$0x3FFC];
	_ =	sdelay $0x3  }
0x94: {  	_ =	strace s2  }
0x95: {  	s2 =	sld [smem:$0x3FFD];
	_ =	sdelay $0x3  }
0x96: {  	_ =	strace s2  }
0x97: {  	_ =	strace $0x8FFFFFFF  }
0x98: {  	s20 =	sld [smem:$0x3FDB];
	_ =	sdelay $0x1  }
0x99: {  	s4 =	simm.s32 $_scs_section_size  }
0x9a: {  	s5 =	simm.s32 $_size__tile_overlayer_lowered;
	s6 =	simm.s32 $_tile_overlayer_lowered  }
0x9b: {  	s7 =	simm.s32 $0x1BFF;
	s21 =	sshll.u32 s6, $0x1;
	s4 =	sadd.s32 s4, s20  }
0x9c: {  	s22 =	simm.s32 $0x0;
	s5 =	sshll.u32 s5, $0x1;
	s6 =	sadd.s32 s21, s4  }
0x9d: {  	[timem:s22], [sflag:s7] =	dma.local [hbm:s6], s5  }
0x9e: {  	_ =	swait.ge [sflag:s7], s5  }
0x9f: {  	s5 =	ssub.s32 $0x0, s5;
	[sflag:s7] =	ssyncset.done $0x0  }
0xa0: {  	[sflag:s7] =	ssyncadd.s32 s5;
	_ =	sdelay $0x1  }
0xa1: {  	s23 =	simm.s32 $0x1B8B  }
0xa2: {  	_ =	swait.ge [sflag:s23], $0x1  }
0xa3: {  	[sflag:s23] =	ssyncset.done $0x0  }
0xa4: {  	[sflag:s23] =	ssyncadd.s32 $0xFFFFFFFF  }
0xa5: {  	s5 =	sld [smem:$0x0]  }
0xa6: {  	s6 =	sand.u32 $0xFFFFFFFE, s1  }
0xa7: {  	p0 =	sne.s32 s1, s6  }
0xa8: {  	s6 =	sshll.u32 @p0 s6, $0xE  }
0xa9: {  	s6 =	sadd.s32 @p0 $0x11B8D, s6;
	s7 =	sshll.u32 @p0 s5, $0x11  }
0xaa: {  	s6 =	sor.u32 @p0 s7, s6  }
0xab: {  	[sflag:s6] =	ssyncadd.remote.s32 @p0 $0x1;
	_ =	sdelay $0x1  }
0xac: {  	s6 =	simm.s32 @p0 $0x1B8D  }
0xad: {  	_ =	swait.eq @p0 [sflag:s6], $0x1  }
0xae: {  	[sflag:s6] =	ssyncadd.s32 @p0 $0xFFFFFFFF  }
0xaf: {  	s7 =	sshll.u32 @!p0 s1, $0xE  }
0xb0: {  	s7 =	sor.u32 @!p0 $0x4000, s7;
	s6 =	simm.s32 @!p0 $0x1B8D  }
0xb1: {  	s5 =	sshll.u32 @!p0 s5, $0x11;
	s7 =	sadd.s32 @!p0 $0x11B8D, s7;
	_ =	swait.eq @!p0 [sflag:s6], $0x1  }
0xb2: {  	s5 =	sor.u32 @!p0 s5, s7;
	[sflag:s6] =	ssyncadd.s32 @!p0 $0xFFFFFFFF  }
0xb3: {  	s25 =	simm.s32 $0x1B8E;
	s24 =	sld [smem:$0x3FFE];
	[sflag:s5] =	ssyncadd.remote.s32 @!p0 $0x1  }
0xb4: {  	s26 =	simm.s32 $execute0_lowered;
	[smem:$0x3FD2] =	sst s25  }
0xb5: {  	s6 =	sshll.u32 s26, $0x1;
	_ =	strace $0x8000004C;
	[dreg:$0x1] =	wrdreg $0xFFFFFFFF  }
0xb6: {  	s28 =	simm.s32 $_size_execute0_lowered;
	s4 =	sadd.s32 s4, s6;
	[dreg:$0x0] =	wrdreg $0x0  }
0xb7: {  	s6 =	sshll.u32 s28, $0x1;
	[dreg:$0x2] =	wrdreg s4  }
0xb8: {  	[dreg:$0x3] =	wrdreg s6  }
0xb9: {  	[dreg:$0x4] =	wrdreg $0xC0  }
0xba: {  	_ =	task [dreg:s22], $0x5FFFF  }
0xbb: {  	[dreg:$0x1] =	wrdreg $0xFFFFFFFF  }
0xbc: {  	[dreg:$0x0] =	wrdreg $0x60  }
0xbd: {  	[dreg:$0x2] =	wrdreg s18  }
0xbe: {  	[dreg:$0x3] =	wrdreg s24  }
0xbf: {  	[dreg:$0x4] =	wrdreg $0xA  }
0xc0: {  	_ =	task.clear_ibuf [dreg:s22], $0x5FFFF;
	_ =	strace $0x9000004C  }
0xc1: {  	s29 =	simm.s32 $0xA;
	_ =	strace $0x8000004E  }
0xc2: {  	_ =	swait.ge [sflag:s29], $0x1  }
0xc3: {  	[sflag:s29] =	ssyncadd.s32 $0xFFFFFFFF  }
0xc4: {  	_ =	strace $0x9000004E  }
0xc5: {  	_ =	sfence  }
0xc6: {  	s30 =	sld [smem:$0x0];
	_ =	sdelay $0x2  }
0xc7: {  	s31 =	sshll.u32 s1, $0xD;
	s1 =	sshrl.u32 s1, $0x2  }
0xc8: {  	s4 =	sand.u32 $0x4000, s31;
	s1 =	sadd.s32 s1, s30  }
0xc9: {  	s0 =	sor.u32 s4, s0;
	s1 =	sshll.u32 s1, $0x11  }
0xca: {  	s0 =	sor.u32 s1, s0  }
0xcb: {  	s0 =	sadd.s32 $0x8F2B, s0  }
0xcc: {  	[sflag:s0] =	ssyncadd.remote.s32 $0x1  }
0xcd: {  	_ =	sfence.sel $0xFFFF  }
0xce: {  	[dreg:$0x0] =	wrdreg $0xFFFFFFFF;
	(pc) =	sbr.abs _section_cstart, $3  }
0xcf: {  	[dreg:$0x1] =	wrdreg $0xFFFFFFFF  }
0xd0: {  	_ =	task.clear_ibuf [dreg:s22], $0x2FFFF;
	_ =	strace $0x9FFFFFFF  }
0xd1: {  	(tm) =	ssettm $0x7FFFFFFF  }
tec
execute0_lowered:
.L_overlay_start_1:
0x0: {  	(tag) =	ssettag $0x1  }
0x1: {  	s2 =	rddreg [dreg:$0x0]  }
0x2: {  	s0 =	rddreg [dreg:$0x1]  }
0x3: {  	s1 =	srdreg.scid;
	s7 =	stileid.u32  }
0x4: {  	s3 =	simm.s32 $0x0;
	s28 =	simm.s32 $0xE00;
	s29 =	simm.s32 $0x1600  }
0x5: {  	s30 =	simm.s32 $0x1A00;
	s31 =	simm.s32 $0x2200;
	s9 =	simm.s32 $0x3200  }
0x6: {  	s10 =	simm.s32 $0x3A00;
	s11 =	simm.s32 $0x3E00;
	s12 =	simm.s32 $0x4600  }
0x7: {  	s13 =	simm.s32 $0x4A00;
	s14 =	simm.s32 $0x5200;
	s15 =	simm.s32 $0x5600  }
0x8: {  	s17 =	simm.s32 $0x5E00;
	s18 =	simm.s32 $0x6200;
	s19 =	simm.s32 $0x6A00  }
0x9: {  	s20 =	simm.s32 $0x7600;
	s21 =	simm.s32 $0x7A00;
	s22 =	simm.s32 $0x8200  }
0xa: {  	s16 =	simm.s32 $0x8E00;
	s23 =	simm.s32 $0x9200;
	s24 =	simm.s32 $0x1  }
0xb: {  	s1 =	sand.u32 $0x1, s1;
	s4 =	sshll.u32 s7, $0x1;
	[smem:$0x7FF] =	sst s3  }
0xc: {  	s7 =	sshll.u32 s7, $0x7;
	s5 =	sshll.u32 s1, $0x6;
	s4 =	sor.u32 s1, s4  }
0xd: {  	_ =	strace $0x8000004D;
	s1 =	ssub.s32 $0x2, s1;
	s6 =	smul.u32 $0x6000, s4  }
0xe: {  	s5 =	sadd.s32 s5, s0;
	s4 =	smul.u32 $0x30000, s4;
	s8 =	sshrl.u32 s1, $0x1  }
0xf: {  	s0 =	sadd.s32 $0x1A00, s0;
	s5 =	sadd.s32 s7, s5;
	s1 =	ssub.s32 s1, s8  }
0x10: {  	s7 =	simm.s32 $0x3;
	s8 =	simm.s32 $0x8600;
	s5 =	sadd.s32 $0xA00, s5  }
0x11: {  	s6 =	sadd.s32 s0, s6;
	s4 =	sshrl.u32 s4, $0x3;
	[dreg:$0x3] =	wrdreg s5  }
0x12: {  	[dreg:$0x7] =	wrdreg s6;
	s26 =	sadd.s32 $0x1800, s6;
	s0 =	sadd.s32 s0, s4  }
0x13: {  	v2 =	vlaneseq.u32;
	s5 =	sadd.s32 $0x100, s2;
	[dreg:$0x4] =	wrdreg s26;
	s4 =	sadd.s32 $0x3000, s0  }
0x14: {  	vm0 =	vmmov $0xffff;
	vm1 =	vmmov $0xff;
	v1 =	vshrl.u32 v2, $0x3;
	s6 =	smax.u32 s1, $0x1;
	s0 =	sadd.s32 $0x4800, s0;
	[dreg:$0x5] =	wrdreg s4  }
0x15: {  	v0 =	vand.u32 $0x7, v2;
	v2 =	vor.u32 $0x8, v2;
	v1 =	vmul.u32 $0x8, v1;
	s26 =	simm.s32 $0xA00;
	[dreg:$0x6] =	wrdreg s0;
	s4 =	simm.s32 $0x2  }
.LBB2_1:
0x16: {  	s25 =	rddreg [dreg:$0x3]  }
0x17: {  	[tilespmem:s3], [sflag:$0x3] =	stream.linear.gather [hbm4b:s25+s3], $0x200, $0x38;
	[tilespmem:$0x18200] =	vst v63  }
0x18: {  	_ =	swait.ge [sflag:s7], $0x200  }
0x19: {  	[sflag:s7] =	ssyncset.done $0x0  }
0x1a: {  	[sflag:s7] =	ssyncadd.s32 $0xFFFFFE00  }
0x1b: {  	v3 =	vld [tilespmem:$0x0];
	_ =	sdelay $0x4  }
0x1c: {  	v4 =	vshrl.u32 v3, $0x3  }
0x1d: {  	v4 =	vmul.u32 $0x18, v4  }
0x1e: {  	v3 =	vand.u32 $0x7, v3  }
0x1f: {  	v3 =	vor.u32 v3, v4  }
0x20: {  	v4 =	vperm.xlane v3, v0;
	_ =	sdelay $0x1  }
0x21: {  	v4 =	vadd.s32 v1, v4;
	_ =	sdelay $0x1  }
0x22: {  	v3 =	vperm.xlane v3, v2;
	_ =	sdelay $0x1  }
0x23: {  	s0 =	simm.s32 $0x200;
	v3 =	vadd.s32 v1, v3  }
0x24: {  	[tilespmem:s0], [sflag:$0x1] =	stream.indirect_vreg.gather [hbm4b:s2+s3], $0x80, v4, vm0, $0xb8;
	[tilespmem:$0x18200] =	vst v63  }
0x25: {  	_ = 	snop  }
0x26: {  	[tilespmem:s26], [sflag:$0x1] =	stream.indirect_vreg.gather [hbm4b:s5+s3], $0x80, v4, vm1, $0xb8;
	[tilespmem:$0x18200] =	vst v63  }
0x27: {  	_ = 	snop  }
0x28: {  	[tilespmem:s28], [sflag:$0x1] =	stream.indirect_vreg.gather [hbm4b:s2+s3], $0x80, v3, vm0, $0xb8;
	[tilespmem:$0x18200] =	vst v63  }
0x29: {  	_ = 	snop  }
0x2a: {  	[tilespmem:s29], [sflag:$0x1] =	stream.indirect_vreg.gather [hbm4b:s5+s3], $0x80, v3, vm1, $0xb8;
	[tilespmem:$0x18200] =	vst v63  }
0x2b: {  	v3 =	vld [tilespmem:$0x10];
	_ =	sdelay $0x4  }
0x2c: {  	v33 =	vshrl.u32 v3, $0x3  }
0x2d: {  	v4 =	vmul.u32 $0x18, v33  }
0x2e: {  	v3 =	vand.u32 $0x7, v3  }
0x2f: {  	v3 =	vor.u32 v3, v4  }
0x30: {  	v4 =	vperm.xlane v3, v0;
	_ =	sdelay $0x1  }
0x31: {  	v4 =	vadd.s32 v1, v4;
	_ =	sdelay $0x1  }
0x32: {  	v3 =	vperm.xlane v3, v2;
	_ =	sdelay $0x1  }
0x33: {  	v3 =	vadd.s32 v1, v3  }
0x34: {  	[tilespmem:s30], [sflag:$0x1] =	stream.indirect_vreg.gather [hbm4b:s2+s3], $0x80, v4, vm0, $0xb8;
	[tilespmem:$0x18200] =	vst v63  }
0x35: {  	_ = 	snop  }
0x36: {  	[tilespmem:s31], [sflag:$0x1] =	stream.indirect_vreg.gather [hbm4b:s5+s3], $0x80, v4, vm1, $0xb8;
	[tilespmem:$0x18200] =	vst v63  }
0x37: {  	s25 =	simm.s32 $0x2600  }
0x38: {  	[tilespmem:s25], [sflag:$0x1] =	stream.indirect_vreg.gather [hbm4b:s2+s3], $0x80, v3, vm0, $0xb8;
	[tilespmem:$0x18200] =	vst v63  }
0x39: {  	s1 =	simm.s32 $0x2E00  }
0x3a: {  	[tilespmem:s1], [sflag:$0x1] =	stream.indirect_vreg.gather [hbm4b:s5+s3], $0x80, v3, vm1, $0xb8;
	[tilespmem:$0x18200] =	vst v63  }
0x3b: {  	v3 =	vld [tilespmem:$0x20];
	_ =	sdelay $0x4  }
0x3c: {  	v34 =	vshrl.u32 v3, $0x3  }
0x3d: {  	v4 =	vmul.u32 $0x18, v34  }
0x3e: {  	v3 =	vand.u32 $0x7, v3  }
0x3f: {  	v3 =	vor.u32 v3, v4  }
0x40: {  	v4 =	vperm.xlane v3, v0;
	_ =	sdelay $0x1  }
0x41: {  	v4 =	vadd.s32 v1, v4;
	_ =	sdelay $0x1  }
0x42: {  	v3 =	vperm.xlane v3, v2;
	_ =	sdelay $0x1  }
0x43: {  	v3 =	vadd.s32 v1, v3  }
0x44: {  	[tilespmem:s9], [sflag:$0x1] =	stream.indirect_vreg.gather [hbm4b:s2+s3], $0x80, v4, vm0, $0xb8;
	[tilespmem:$0x18200] =	vst v63  }
0x45: {  	_ = 	snop  }
0x46: {  	[tilespmem:s10], [sflag:$0x1] =	stream.indirect_vreg.gather [hbm4b:s5+s3], $0x80, v4, vm1, $0xb8;
	[tilespmem:$0x18200] =	vst v63  }
0x47: {  	_ = 	snop  }
0x48: {  	[tilespmem:s11], [sflag:$0x1] =	stream.indirect_vreg.gather [hbm4b:s2+s3], $0x80, v3, vm0, $0xb8;
	[tilespmem:$0x18200] =	vst v63  }
0x49: {  	_ = 	snop  }
0x4a: {  	[tilespmem:s12], [sflag:$0x1] =	stream.indirect_vreg.gather [hbm4b:s5+s3], $0x80, v3, vm1, $0xb8;
	[tilespmem:$0x18200] =	vst v63  }
0x4b: {  	v3 =	vld [tilespmem:$0x30];
	_ =	sdelay $0x4  }
0x4c: {  	v35 =	vshrl.u32 v3, $0x3  }
0x4d: {  	v4 =	vmul.u32 $0x18, v35  }
0x4e: {  	v3 =	vand.u32 $0x7, v3  }
0x4f: {  	v3 =	vor.u32 v3, v4  }
0x50: {  	v4 =	vperm.xlane v3, v0;
	_ =	sdelay $0x1  }
0x51: {  	v4 =	vadd.s32 v1, v4;
	_ =	sdelay $0x1  }
0x52: {  	v3 =	vperm.xlane v3, v2;
	_ =	sdelay $0x1  }
0x53: {  	v3 =	vadd.s32 v1, v3  }
0x54: {  	[tilespmem:s13], [sflag:$0x1] =	stream.indirect_vreg.gather [hbm4b:s2+s3], $0x80, v4, vm0, $0xb8;
	[tilespmem:$0x18200] =	vst v63  }
0x55: {  	_ = 	snop  }
0x56: {  	[tilespmem:s14], [sflag:$0x1] =	stream.indirect_vreg.gather [hbm4b:s5+s3], $0x80, v4, vm1, $0xb8;
	[tilespmem:$0x18200] =	vst v63  }
0x57: {  	_ = 	snop  }
0x58: {  	[tilespmem:s15], [sflag:$0x1] =	stream.indirect_vreg.gather [hbm4b:s2+s3], $0x80, v3, vm0, $0xb8;
	[tilespmem:$0x18200] =	vst v63  }
0x59: {  	_ = 	snop  }
0x5a: {  	[tilespmem:s17], [sflag:$0x1] =	stream.indirect_vreg.gather [hbm4b:s5+s3], $0x80, v3, vm1, $0xb8;
	[tilespmem:$0x18200] =	vst v63  }
0x5b: {  	v3 =	vld [tilespmem:$0x40];
	_ =	sdelay $0x4  }
0x5c: {  	v36 =	vshrl.u32 v3, $0x3  }
0x5d: {  	v4 =	vmul.u32 $0x18, v36  }
0x5e: {  	v3 =	vand.u32 $0x7, v3  }
0x5f: {  	v3 =	vor.u32 v3, v4  }
0x60: {  	v4 =	vperm.xlane v3, v0;
	_ =	sdelay $0x1  }
0x61: {  	v4 =	vadd.s32 v1, v4;
	_ =	sdelay $0x1  }
0x62: {  	v3 =	vperm.xlane v3, v2;
	_ =	sdelay $0x1  }
0x63: {  	v3 =	vadd.s32 v1, v3  }
0x64: {  	[tilespmem:s18], [sflag:$0x1] =	stream.indirect_vreg.gather [hbm4b:s2+s3], $0x80, v4, vm0, $0xb8;
	[tilespmem:$0x18200] =	vst v63  }
0x65: {  	_ = 	snop  }
0x66: {  	[tilespmem:s19], [sflag:$0x1] =	stream.indirect_vreg.gather [hbm4b:s5+s3], $0x80, v4, vm1, $0xb8;
	[tilespmem:$0x18200] =	vst v63  }
0x67: {  	s25 =	simm.s32 $0x6E00  }
0x68: {  	[tilespmem:s25], [sflag:$0x1] =	stream.indirect_vreg.gather [hbm4b:s2+s3], $0x80, v3, vm0, $0xb8;
	[tilespmem:$0x18200] =	vst v63  }
0x69: {  	_ = 	snop  }
0x6a: {  	[tilespmem:s20], [sflag:$0x1] =	stream.indirect_vreg.gather [hbm4b:s5+s3], $0x80, v3, vm1, $0xb8;
	[tilespmem:$0x18200] =	vst v63  }
0x6b: {  	v3 =	vld [tilespmem:$0x50];
	_ =	sdelay $0x4  }
0x6c: {  	v37 =	vshrl.u32 v3, $0x3  }
0x6d: {  	v4 =	vmul.u32 $0x18, v37  }
0x6e: {  	v3 =	vand.u32 $0x7, v3  }
0x6f: {  	v3 =	vor.u32 v3, v4  }
0x70: {  	v4 =	vperm.xlane v3, v0;
	_ =	sdelay $0x1  }
0x71: {  	v4 =	vadd.s32 v1, v4;
	_ =	sdelay $0x1  }
0x72: {  	v3 =	vperm.xlane v3, v2;
	_ =	sdelay $0x1  }
0x73: {  	v3 =	vadd.s32 v1, v3  }
0x74: {  	[tilespmem:s21], [sflag:$0x1] =	stream.indirect_vreg.gather [hbm4b:s2+s3], $0x80, v4, vm0, $0xb8;
	[tilespmem:$0x18200] =	vst v63  }
0x75: {  	_ = 	snop  }
0x76: {  	[tilespmem:s22], [sflag:$0x1] =	stream.indirect_vreg.gather [hbm4b:s5+s3], $0x80, v4, vm1, $0xb8;
	[tilespmem:$0x18200] =	vst v63  }
0x77: {  	_ = 	snop  }
0x78: {  	[tilespmem:s8], [sflag:$0x1] =	stream.indirect_vreg.gather [hbm4b:s2+s3], $0x80, v3, vm0, $0xb8;
	[tilespmem:$0x18200] =	vst v63  }
0x79: {  	_ = 	snop  }
0x7a: {  	[tilespmem:s16], [sflag:$0x1] =	stream.indirect_vreg.gather [hbm4b:s5+s3], $0x80, v3, vm1, $0xb8;
	[tilespmem:$0x18200] =	vst v63  }
0x7b: {  	v3 =	vld [tilespmem:$0x60];
	_ =	sdelay $0x4  }
0x7c: {  	v38 =	vshrl.u32 v3, $0x3  }
0x7d: {  	v4 =	vmul.u32 $0x18, v38  }
0x7e: {  	v3 =	vand.u32 $0x7, v3  }
0x7f: {  	v3 =	vor.u32 v3, v4  }
0x80: {  	v4 =	vperm.xlane v3, v0;
	_ =	sdelay $0x1  }
0x81: {  	v4 =	vadd.s32 v1, v4;
	_ =	sdelay $0x1  }
0x82: {  	v3 =	vperm.xlane v3, v2;
	_ =	sdelay $0x1  }
0x83: {  	v3 =	vadd.s32 v1, v3  }
0x84: {  	[tilespmem:s23], [sflag:$0x1] =	stream.indirect_vreg.gather [hbm4b:s2+s3], $0x80, v4, vm0, $0xb8;
	[tilespmem:$0x18200] =	vst v63  }
0x85: {  	s1 =	simm.s32 $0x9A00  }
0x86: {  	[tilespmem:s1], [sflag:$0x1] =	stream.indirect_vreg.gather [hbm4b:s5+s3], $0x80, v4, vm1, $0xb8;
	[tilespmem:$0x18200] =	vst v63  }
0x87: {  	s25 =	simm.s32 $0x9E00  }
0x88: {  	[tilespmem:s25], [sflag:$0x1] =	stream.indirect_vreg.gather [hbm4b:s2+s3], $0x80, v3, vm0, $0xb8;
	[tilespmem:$0x18200] =	vst v63  }
0x89: {  	s1 =	simm.s32 $0xA600  }
0x8a: {  	[tilespmem:s1], [sflag:$0x1] =	stream.indirect_vreg.gather [hbm4b:s5+s3], $0x80, v3, vm1, $0xb8;
	[tilespmem:$0x18200] =	vst v63  }
0x8b: {  	v3 =	vld [tilespmem:$0x70];
	_ =	sdelay $0x4  }
0x8c: {  	v39 =	vshrl.u32 v3, $0x3  }
0x8d: {  	v4 =	vmul.u32 $0x18, v39  }
0x8e: {  	v3 =	vand.u32 $0x7, v3  }
0x8f: {  	v3 =	vor.u32 v3, v4  }
0x90: {  	v4 =	vperm.xlane v3, v0;
	_ =	sdelay $0x1  }
0x91: {  	v4 =	vadd.s32 v1, v4;
	_ =	sdelay $0x1  }
0x92: {  	v3 =	vperm.xlane v3, v2;
	_ =	sdelay $0x1  }
0x93: {  	s25 =	simm.s32 $0xAA00;
	v3 =	vadd.s32 v1, v3  }
0x94: {  	[tilespmem:s25], [sflag:$0x1] =	stream.indirect_vreg.gather [hbm4b:s2+s3], $0x80, v4, vm0, $0xb8;
	[tilespmem:$0x18200] =	vst v63  }
0x95: {  	s1 =	simm.s32 $0xB200  }
0x96: {  	[tilespmem:s1], [sflag:$0x1] =	stream.indirect_vreg.gather [hbm4b:s5+s3], $0x80, v4, vm1, $0xb8;
	[tilespmem:$0x18200] =	vst v63  }
0x97: {  	s25 =	simm.s32 $0xB600  }
0x98: {  	[tilespmem:s25], [sflag:$0x1] =	stream.indirect_vreg.gather [hbm4b:s2+s3], $0x80, v3, vm0, $0xb8;
	[tilespmem:$0x18200] =	vst v63  }
0x99: {  	s1 =	simm.s32 $0xBE00  }
0x9a: {  	[tilespmem:s1], [sflag:$0x1] =	stream.indirect_vreg.gather [hbm4b:s5+s3], $0x80, v3, vm1, $0xb8;
	[tilespmem:$0x18200] =	vst v63  }
0x9b: {  	v3 =	vld [tilespmem:$0x80];
	_ =	sdelay $0x4  }
0x9c: {  	v40 =	vshrl.u32 v3, $0x3  }
0x9d: {  	v4 =	vmul.u32 $0x18, v40  }
0x9e: {  	v3 =	vand.u32 $0x7, v3  }
0x9f: {  	v3 =	vor.u32 v3, v4  }
0xa0: {  	v4 =	vperm.xlane v3, v0;
	_ =	sdelay $0x1  }
0xa1: {  	v4 =	vadd.s32 v1, v4;
	_ =	sdelay $0x1  }
0xa2: {  	v3 =	vperm.xlane v3, v2;
	_ =	sdelay $0x1  }
0xa3: {  	s0 =	simm.s32 $0xC200;
	v3 =	vadd.s32 v1, v3  }
0xa4: {  	[tilespmem:s0], [sflag:$0x2] =	stream.indirect_vreg.gather [hbm4b:s2+s3], $0x80, v4, vm0, $0xb8;
	[tilespmem:$0x18200] =	vst v63  }
0xa5: {  	s1 =	simm.s32 $0xCA00  }
0xa6: {  	[tilespmem:s1], [sflag:$0x2] =	stream.indirect_vreg.gather [hbm4b:s5+s3], $0x80, v4, vm1, $0xb8;
	[tilespmem:$0x18200] =	vst v63  }
0xa7: {  	s25 =	simm.s32 $0xCE00  }
0xa8: {  	[tilespmem:s25], [sflag:$0x2] =	stream.indirect_vreg.gather [hbm4b:s2+s3], $0x80, v3, vm0, $0xb8;
	[tilespmem:$0x18200] =	vst v63  }
0xa9: {  	s25 =	simm.s32 $0xD600  }
0xaa: {  	[tilespmem:s25], [sflag:$0x2] =	stream.indirect_vreg.gather [hbm4b:s5+s3], $0x80, v3, vm1, $0xb8;
	[tilespmem:$0x18200] =	vst v63  }
0xab: {  	v3 =	vld [tilespmem:$0x90];
	_ =	sdelay $0x4  }
0xac: {  	v41 =	vshrl.u32 v3, $0x3  }
0xad: {  	v4 =	vmul.u32 $0x18, v41  }
0xae: {  	v3 =	vand.u32 $0x7, v3  }
0xaf: {  	v3 =	vor.u32 v3, v4  }
0xb0: {  	v4 =	vperm.xlane v3, v0;
	_ =	sdelay $0x1  }
0xb1: {  	v4 =	vadd.s32 v1, v4;
	_ =	sdelay $0x1  }
0xb2: {  	v3 =	vperm.xlane v3, v2;
	_ =	sdelay $0x1  }
0xb3: {  	s25 =	simm.s32 $0xDA00;
	v3 =	vadd.s32 v1, v3  }
0xb4: {  	[tilespmem:s25], [sflag:$0x2] =	stream.indirect_vreg.gather [hbm4b:s2+s3], $0x80, v4, vm0, $0xb8;
	[tilespmem:$0x18200] =	vst v63  }
0xb5: {  	s25 =	simm.s32 $0xE200  }
0xb6: {  	[tilespmem:s25], [sflag:$0x2] =	stream.indirect_vreg.gather [hbm4b:s5+s3], $0x80, v4, vm1, $0xb8;
	[tilespmem:$0x18200] =	vst v63  }
0xb7: {  	s25 =	simm.s32 $0xE600  }
0xb8: {  	[tilespmem:s25], [sflag:$0x2] =	stream.indirect_vreg.gather [hbm4b:s2+s3], $0x80, v3, vm0, $0xb8;
	[tilespmem:$0x18200] =	vst v63  }
0xb9: {  	s25 =	simm.s32 $0xEE00  }
0xba: {  	[tilespmem:s25], [sflag:$0x2] =	stream.indirect_vreg.gather [hbm4b:s5+s3], $0x80, v3, vm1, $0xb8;
	[tilespmem:$0x18200] =	vst v63  }
0xbb: {  	v3 =	vld [tilespmem:$0xA0];
	_ =	sdelay $0x4  }
0xbc: {  	v42 =	vshrl.u32 v3, $0x3  }
0xbd: {  	v4 =	vmul.u32 $0x18, v42  }
0xbe: {  	v3 =	vand.u32 $0x7, v3  }
0xbf: {  	v3 =	vor.u32 v3, v4  }
0xc0: {  	v4 =	vperm.xlane v3, v0;
	_ =	sdelay $0x1  }
0xc1: {  	v4 =	vadd.s32 v1, v4;
	_ =	sdelay $0x1  }
0xc2: {  	v3 =	vperm.xlane v3, v2;
	_ =	sdelay $0x1  }
0xc3: {  	s25 =	simm.s32 $0xF200;
	v3 =	vadd.s32 v1, v3  }
0xc4: {  	[tilespmem:s25], [sflag:$0x2] =	stream.indirect_vreg.gather [hbm4b:s2+s3], $0x80, v4, vm0, $0xb8;
	[tilespmem:$0x18200] =	vst v63  }
0xc5: {  	s25 =	simm.s32 $0xFA00  }
0xc6: {  	[tilespmem:s25], [sflag:$0x2] =	stream.indirect_vreg.gather [hbm4b:s5+s3], $0x80, v4, vm1, $0xb8;
	[tilespmem:$0x18200] =	vst v63  }
0xc7: {  	s25 =	simm.s32 $0xFE00  }
0xc8: {  	[tilespmem:s25], [sflag:$0x2] =	stream.indirect_vreg.gather [hbm4b:s2+s3], $0x80, v3, vm0, $0xb8;
	[tilespmem:$0x18200] =	vst v63  }
0xc9: {  	s25 =	simm.s32 $0x10600  }
0xca: {  	[tilespmem:s25], [sflag:$0x2] =	stream.indirect_vreg.gather [hbm4b:s5+s3], $0x80, v3, vm1, $0xb8;
	[tilespmem:$0x18200] =	vst v63  }
0xcb: {  	v3 =	vld [tilespmem:$0xB0];
	_ =	sdelay $0x4  }
0xcc: {  	v43 =	vshrl.u32 v3, $0x3  }
0xcd: {  	v4 =	vmul.u32 $0x18, v43  }
0xce: {  	v3 =	vand.u32 $0x7, v3  }
0xcf: {  	v3 =	vor.u32 v3, v4  }
0xd0: {  	v4 =	vperm.xlane v3, v0;
	_ =	sdelay $0x1  }
0xd1: {  	v4 =	vadd.s32 v1, v4;
	_ =	sdelay $0x1  }
0xd2: {  	v3 =	vperm.xlane v3, v2;
	_ =	sdelay $0x1  }
0xd3: {  	s25 =	simm.s32 $0x10A00;
	v3 =	vadd.s32 v1, v3  }
0xd4: {  	[tilespmem:s25], [sflag:$0x2] =	stream.indirect_vreg.gather [hbm4b:s2+s3], $0x80, v4, vm0, $0xb8;
	[tilespmem:$0x18200] =	vst v63  }
0xd5: {  	s25 =	simm.s32 $0x11200  }
0xd6: {  	[tilespmem:s25], [sflag:$0x2] =	stream.indirect_vreg.gather [hbm4b:s5+s3], $0x80, v4, vm1, $0xb8;
	[tilespmem:$0x18200] =	vst v63  }
0xd7: {  	s25 =	simm.s32 $0x11600  }
0xd8: {  	[tilespmem:s25], [sflag:$0x2] =	stream.indirect_vreg.gather [hbm4b:s2+s3], $0x80, v3, vm0, $0xb8;
	[tilespmem:$0x18200] =	vst v63  }
0xd9: {  	s25 =	simm.s32 $0x11E00  }
0xda: {  	[tilespmem:s25], [sflag:$0x2] =	stream.indirect_vreg.gather [hbm4b:s5+s3], $0x80, v3, vm1, $0xb8;
	[tilespmem:$0x18200] =	vst v63  }
0xdb: {  	v3 =	vld [tilespmem:$0xC0];
	_ =	sdelay $0x4  }
0xdc: {  	v44 =	vshrl.u32 v3, $0x3  }
0xdd: {  	v4 =	vmul.u32 $0x18, v44  }
0xde: {  	v3 =	vand.u32 $0x7, v3  }
0xdf: {  	v3 =	vor.u32 v3, v4  }
0xe0: {  	v4 =	vperm.xlane v3, v0;
	_ =	sdelay $0x1  }
0xe1: {  	v4 =	vadd.s32 v1, v4;
	_ =	sdelay $0x1  }
0xe2: {  	v3 =	vperm.xlane v3, v2;
	_ =	sdelay $0x1  }
0xe3: {  	s25 =	simm.s32 $0x12200;
	v3 =	vadd.s32 v1, v3  }
0xe4: {  	[tilespmem:s25], [sflag:$0x2] =	stream.indirect_vreg.gather [hbm4b:s2+s3], $0x80, v4, vm0, $0xb8;
	[tilespmem:$0x18200] =	vst v63  }
0xe5: {  	s25 =	simm.s32 $0x12A00  }
0xe6: {  	[tilespmem:s25], [sflag:$0x2] =	stream.indirect_vreg.gather [hbm4b:s5+s3], $0x80, v4, vm1, $0xb8;
	[tilespmem:$0x18200] =	vst v63  }
0xe7: {  	s25 =	simm.s32 $0x12E00  }
0xe8: {  	[tilespmem:s25], [sflag:$0x2] =	stream.indirect_vreg.gather [hbm4b:s2+s3], $0x80, v3, vm0, $0xb8;
	[tilespmem:$0x18200] =	vst v63  }
0xe9: {  	s25 =	simm.s32 $0x13600  }
0xea: {  	[tilespmem:s25], [sflag:$0x2] =	stream.indirect_vreg.gather [hbm4b:s5+s3], $0x80, v3, vm1, $0xb8;
	[tilespmem:$0x18200] =	vst v63  }
0xeb: {  	v3 =	vld [tilespmem:$0xD0];
	_ =	sdelay $0x4  }
0xec: {  	v45 =	vshrl.u32 v3, $0x3  }
0xed: {  	v4 =	vmul.u32 $0x18, v45  }
0xee: {  	v3 =	vand.u32 $0x7, v3  }
0xef: {  	v3 =	vor.u32 v3, v4  }
0xf0: {  	v4 =	vperm.xlane v3, v0;
	_ =	sdelay $0x1  }
0xf1: {  	v4 =	vadd.s32 v1, v4;
	_ =	sdelay $0x1  }
0xf2: {  	v3 =	vperm.xlane v3, v2;
	_ =	sdelay $0x1  }
0xf3: {  	s25 =	simm.s32 $0x13A00;
	v3 =	vadd.s32 v1, v3  }
0xf4: {  	[tilespmem:s25], [sflag:$0x2] =	stream.indirect_vreg.gather [hbm4b:s2+s3], $0x80, v4, vm0, $0xb8;
	[tilespmem:$0x18200] =	vst v63  }
0xf5: {  	s25 =	simm.s32 $0x14200  }
0xf6: {  	[tilespmem:s25], [sflag:$0x2] =	stream.indirect_vreg.gather [hbm4b:s5+s3], $0x80, v4, vm1, $0xb8;
	[tilespmem:$0x18200] =	vst v63  }
0xf7: {  	s25 =	simm.s32 $0x14600  }
0xf8: {  	[tilespmem:s25], [sflag:$0x2] =	stream.indirect_vreg.gather [hbm4b:s2+s3], $0x80, v3, vm0, $0xb8;
	[tilespmem:$0x18200] =	vst v63  }
0xf9: {  	s25 =	simm.s32 $0x14E00  }
0xfa: {  	[tilespmem:s25], [sflag:$0x2] =	stream.indirect_vreg.gather [hbm4b:s5+s3], $0x80, v3, vm1, $0xb8;
	[tilespmem:$0x18200] =	vst v63  }
0xfb: {  	v3 =	vld [tilespmem:$0xE0];
	_ =	sdelay $0x4  }
0xfc: {  	v46 =	vshrl.u32 v3, $0x3  }
0xfd: {  	v4 =	vmul.u32 $0x18, v46  }
0xfe: {  	v3 =	vand.u32 $0x7, v3  }
0xff: {  	v3 =	vor.u32 v3, v4  }
0x100: {  	v4 =	vperm.xlane v3, v0;
	_ =	sdelay $0x1  }
0x101: {  	v4 =	vadd.s32 v1, v4;
	_ =	sdelay $0x1  }
0x102: {  	v3 =	vperm.xlane v3, v2;
	_ =	sdelay $0x1  }
0x103: {  	s25 =	simm.s32 $0x15200;
	v3 =	vadd.s32 v1, v3  }
0x104: {  	[tilespmem:s25], [sflag:$0x2] =	stream.indirect_vreg.gather [hbm4b:s2+s3], $0x80, v4, vm0, $0xb8;
	[tilespmem:$0x18200] =	vst v63  }
0x105: {  	s25 =	simm.s32 $0x15A00  }
0x106: {  	[tilespmem:s25], [sflag:$0x2] =	stream.indirect_vreg.gather [hbm4b:s5+s3], $0x80, v4, vm1, $0xb8;
	[tilespmem:$0x18200] =	vst v63  }
0x107: {  	s25 =	simm.s32 $0x15E00  }
0x108: {  	[tilespmem:s25], [sflag:$0x2] =	stream.indirect_vreg.gather [hbm4b:s2+s3], $0x80, v3, vm0, $0xb8;
	[tilespmem:$0x18200] =	vst v63  }
0x109: {  	s25 =	simm.s32 $0x16600  }
0x10a: {  	[tilespmem:s25], [sflag:$0x2] =	stream.indirect_vreg.gather [hbm4b:s5+s3], $0x80, v3, vm1, $0xb8;
	[tilespmem:$0x18200] =	vst v63  }
0x10b: {  	v3 =	vld [tilespmem:$0xF0];
	_ =	sdelay $0x4  }
0x10c: {  	v47 =	vshrl.u32 v3, $0x3  }
0x10d: {  	v4 =	vmul.u32 $0x18, v47  }
0x10e: {  	v3 =	vand.u32 $0x7, v3  }
0x10f: {  	v3 =	vor.u32 v3, v4  }
0x110: {  	v4 =	vperm.xlane v3, v0;
	_ =	sdelay $0x1  }
0x111: {  	v4 =	vadd.s32 v1, v4;
	_ =	sdelay $0x1  }
0x112: {  	v3 =	vperm.xlane v3, v2;
	_ =	sdelay $0x1  }
0x113: {  	s25 =	simm.s32 $0x16A00;
	v3 =	vadd.s32 v1, v3  }
0x114: {  	[tilespmem:s25], [sflag:$0x2] =	stream.indirect_vreg.gather [hbm4b:s2+s3], $0x80, v4, vm0, $0xb8;
	[tilespmem:$0x18200] =	vst v63  }
0x115: {  	s25 =	simm.s32 $0x17200  }
0x116: {  	[tilespmem:s25], [sflag:$0x2] =	stream.indirect_vreg.gather [hbm4b:s5+s3], $0x80, v4, vm1, $0xb8;
	[tilespmem:$0x18200] =	vst v63  }
0x117: {  	s25 =	simm.s32 $0x17600  }
0x118: {  	[tilespmem:s25], [sflag:$0x2] =	stream.indirect_vreg.gather [hbm4b:s2+s3], $0x80, v3, vm0, $0xb8;
	[tilespmem:$0x18200] =	vst v63  }
0x119: {  	s25 =	simm.s32 $0x17E00  }
0x11a: {  	[tilespmem:s25], [sflag:$0x2] =	stream.indirect_vreg.gather [hbm4b:s5+s3], $0x80, v3, vm1, $0xb8;
	[tilespmem:$0x18200] =	vst v63  }
0x11b: {  	_ =	swait.ge [sflag:s24], $0xC000  }
0x11c: {  	[sflag:s24] =	ssyncset.done $0x0  }
0x11d: {  	s1 =	simm.s32 $0x200;
	s25 =	rddreg [dreg:$0x7];
	[sflag:s24] =	ssyncadd.s32 $0xFFFF4000  }
0x11e: {  	[hbm4b:s25+s3] =	stream.linear.scatter [tilespmem:s1], [sflag:$0x3], $0xC000, $0x38;
	[tilespmem:$0x18200] =	vst v63  }
0x11f: {  	_ =	swait.ge [sflag:s7], $0xC000  }
0x120: {  	[sflag:s7] =	ssyncset.done $0x0  }
0x121: {  	[sflag:s7] =	ssyncadd.s32 $0xFFFF4000  }
0x122: {  	v3 =	vld [tilespmem:$0x100];
	_ =	sdelay $0x4  }
0x123: {  	v48 =	vshrl.u32 v3, $0x3  }
0x124: {  	v4 =	vmul.u32 $0x18, v48  }
0x125: {  	v3 =	vand.u32 $0x7, v3  }
0x126: {  	v3 =	vor.u32 v3, v4  }
0x127: {  	v4 =	vperm.xlane v3, v0;
	_ =	sdelay $0x1  }
0x128: {  	v4 =	vadd.s32 v1, v4;
	_ =	sdelay $0x1  }
0x129: {  	v3 =	vperm.xlane v3, v2;
	_ =	sdelay $0x1  }
0x12a: {  	v3 =	vadd.s32 v1, v3  }
0x12b: {  	[tilespmem:s1], [sflag:$0x1] =	stream.indirect_vreg.gather [hbm4b:s2+s3], $0x80, v4, vm0, $0xb8;
	[tilespmem:$0x18200] =	vst v63  }
0x12c: {  	_ = 	snop  }
0x12d: {  	[tilespmem:s26], [sflag:$0x1] =	stream.indirect_vreg.gather [hbm4b:s5+s3], $0x80, v4, vm1, $0xb8;
	[tilespmem:$0x18200] =	vst v63  }
0x12e: {  	_ = 	snop  }
0x12f: {  	[tilespmem:s28], [sflag:$0x1] =	stream.indirect_vreg.gather [hbm4b:s2+s3], $0x80, v3, vm0, $0xb8;
	[tilespmem:$0x18200] =	vst v63  }
0x130: {  	_ = 	snop  }
0x131: {  	[tilespmem:s29], [sflag:$0x1] =	stream.indirect_vreg.gather [hbm4b:s5+s3], $0x80, v3, vm1, $0xb8;
	[tilespmem:$0x18200] =	vst v63  }
0x132: {  	v3 =	vld [tilespmem:$0x110];
	_ =	sdelay $0x4  }
0x133: {  	v49 =	vshrl.u32 v3, $0x3  }
0x134: {  	v4 =	vmul.u32 $0x18, v49  }
0x135: {  	v3 =	vand.u32 $0x7, v3  }
0x136: {  	v3 =	vor.u32 v3, v4  }
0x137: {  	v4 =	vperm.xlane v3, v0;
	_ =	sdelay $0x1  }
0x138: {  	v4 =	vadd.s32 v1, v4;
	_ =	sdelay $0x1  }
0x139: {  	v3 =	vperm.xlane v3, v2;
	_ =	sdelay $0x1  }
0x13a: {  	v3 =	vadd.s32 v1, v3  }
0x13b: {  	[tilespmem:s30], [sflag:$0x1] =	stream.indirect_vreg.gather [hbm4b:s2+s3], $0x80, v4, vm0, $0xb8;
	[tilespmem:$0x18200] =	vst v63  }
0x13c: {  	_ = 	snop  }
0x13d: {  	[tilespmem:s31], [sflag:$0x1] =	stream.indirect_vreg.gather [hbm4b:s5+s3], $0x80, v4, vm1, $0xb8;
	[tilespmem:$0x18200] =	vst v63  }
0x13e: {  	s25 =	simm.s32 $0x2600  }
0x13f: {  	[tilespmem:s25], [sflag:$0x1] =	stream.indirect_vreg.gather [hbm4b:s2+s3], $0x80, v3, vm0, $0xb8;
	[tilespmem:$0x18200] =	vst v63  }
0x140: {  	s25 =	simm.s32 $0x2E00  }
0x141: {  	[tilespmem:s25], [sflag:$0x1] =	stream.indirect_vreg.gather [hbm4b:s5+s3], $0x80, v3, vm1, $0xb8;
	[tilespmem:$0x18200] =	vst v63  }
0x142: {  	v3 =	vld [tilespmem:$0x120];
	_ =	sdelay $0x4  }
0x143: {  	v50 =	vshrl.u32 v3, $0x3  }
0x144: {  	v4 =	vmul.u32 $0x18, v50  }
0x145: {  	v3 =	vand.u32 $0x7, v3  }
0x146: {  	v3 =	vor.u32 v3, v4  }
0x147: {  	v4 =	vperm.xlane v3, v0;
	_ =	sdelay $0x1  }
0x148: {  	v4 =	vadd.s32 v1, v4;
	_ =	sdelay $0x1  }
0x149: {  	v3 =	vperm.xlane v3, v2;
	_ =	sdelay $0x1  }
0x14a: {  	v3 =	vadd.s32 v1, v3  }
0x14b: {  	[tilespmem:s9], [sflag:$0x1] =	stream.indirect_vreg.gather [hbm4b:s2+s3], $0x80, v4, vm0, $0xb8;
	[tilespmem:$0x18200] =	vst v63  }
0x14c: {  	_ = 	snop  }
0x14d: {  	[tilespmem:s10], [sflag:$0x1] =	stream.indirect_vreg.gather [hbm4b:s5+s3], $0x80, v4, vm1, $0xb8;
	[tilespmem:$0x18200] =	vst v63  }
0x14e: {  	_ = 	snop  }
0x14f: {  	[tilespmem:s11], [sflag:$0x1] =	stream.indirect_vreg.gather [hbm4b:s2+s3], $0x80, v3, vm0, $0xb8;
	[tilespmem:$0x18200] =	vst v63  }
0x150: {  	_ = 	snop  }
0x151: {  	[tilespmem:s12], [sflag:$0x1] =	stream.indirect_vreg.gather [hbm4b:s5+s3], $0x80, v3, vm1, $0xb8;
	[tilespmem:$0x18200] =	vst v63  }
0x152: {  	v3 =	vld [tilespmem:$0x130];
	_ =	sdelay $0x4  }
0x153: {  	v51 =	vshrl.u32 v3, $0x3  }
0x154: {  	v4 =	vmul.u32 $0x18, v51  }
0x155: {  	v3 =	vand.u32 $0x7, v3  }
0x156: {  	v3 =	vor.u32 v3, v4  }
0x157: {  	v4 =	vperm.xlane v3, v0;
	_ =	sdelay $0x1  }
0x158: {  	v4 =	vadd.s32 v1, v4;
	_ =	sdelay $0x1  }
0x159: {  	v3 =	vperm.xlane v3, v2;
	_ =	sdelay $0x1  }
0x15a: {  	v3 =	vadd.s32 v1, v3  }
0x15b: {  	[tilespmem:s13], [sflag:$0x1] =	stream.indirect_vreg.gather [hbm4b:s2+s3], $0x80, v4, vm0, $0xb8;
	[tilespmem:$0x18200] =	vst v63  }
0x15c: {  	_ = 	snop  }
0x15d: {  	[tilespmem:s14], [sflag:$0x1] =	stream.indirect_vreg.gather [hbm4b:s5+s3], $0x80, v4, vm1, $0xb8;
	[tilespmem:$0x18200] =	vst v63  }
0x15e: {  	_ = 	snop  }
0x15f: {  	[tilespmem:s15], [sflag:$0x1] =	stream.indirect_vreg.gather [hbm4b:s2+s3], $0x80, v3, vm0, $0xb8;
	[tilespmem:$0x18200] =	vst v63  }
0x160: {  	_ = 	snop  }
0x161: {  	[tilespmem:s17], [sflag:$0x1] =	stream.indirect_vreg.gather [hbm4b:s5+s3], $0x80, v3, vm1, $0xb8;
	[tilespmem:$0x18200] =	vst v63  }
0x162: {  	v3 =	vld [tilespmem:$0x140];
	_ =	sdelay $0x4  }
0x163: {  	v52 =	vshrl.u32 v3, $0x3  }
0x164: {  	v4 =	vmul.u32 $0x18, v52  }
0x165: {  	v3 =	vand.u32 $0x7, v3  }
0x166: {  	v3 =	vor.u32 v3, v4  }
0x167: {  	v4 =	vperm.xlane v3, v0;
	_ =	sdelay $0x1  }
0x168: {  	v4 =	vadd.s32 v1, v4;
	_ =	sdelay $0x1  }
0x169: {  	v3 =	vperm.xlane v3, v2;
	_ =	sdelay $0x1  }
0x16a: {  	v3 =	vadd.s32 v1, v3  }
0x16b: {  	[tilespmem:s18], [sflag:$0x1] =	stream.indirect_vreg.gather [hbm4b:s2+s3], $0x80, v4, vm0, $0xb8;
	[tilespmem:$0x18200] =	vst v63  }
0x16c: {  	_ = 	snop  }
0x16d: {  	[tilespmem:s19], [sflag:$0x1] =	stream.indirect_vreg.gather [hbm4b:s5+s3], $0x80, v4, vm1, $0xb8;
	[tilespmem:$0x18200] =	vst v63  }
0x16e: {  	s25 =	simm.s32 $0x6E00  }
0x16f: {  	[tilespmem:s25], [sflag:$0x1] =	stream.indirect_vreg.gather [hbm4b:s2+s3], $0x80, v3, vm0, $0xb8;
	[tilespmem:$0x18200] =	vst v63  }
0x170: {  	_ = 	snop  }
0x171: {  	[tilespmem:s20], [sflag:$0x1] =	stream.indirect_vreg.gather [hbm4b:s5+s3], $0x80, v3, vm1, $0xb8;
	[tilespmem:$0x18200] =	vst v63  }
0x172: {  	v3 =	vld [tilespmem:$0x150];
	_ =	sdelay $0x4  }
0x173: {  	v53 =	vshrl.u32 v3, $0x3  }
0x174: {  	v4 =	vmul.u32 $0x18, v53  }
0x175: {  	v3 =	vand.u32 $0x7, v3  }
0x176: {  	v3 =	vor.u32 v3, v4  }
0x177: {  	v4 =	vperm.xlane v3, v0;
	_ =	sdelay $0x1  }
0x178: {  	v4 =	vadd.s32 v1, v4;
	_ =	sdelay $0x1  }
0x179: {  	v3 =	vperm.xlane v3, v2;
	_ =	sdelay $0x1  }
0x17a: {  	v3 =	vadd.s32 v1, v3  }
0x17b: {  	[tilespmem:s21], [sflag:$0x1] =	stream.indirect_vreg.gather [hbm4b:s2+s3], $0x80, v4, vm0, $0xb8;
	[tilespmem:$0x18200] =	vst v63  }
0x17c: {  	_ = 	snop  }
0x17d: {  	[tilespmem:s22], [sflag:$0x1] =	stream.indirect_vreg.gather [hbm4b:s5+s3], $0x80, v4, vm1, $0xb8;
	[tilespmem:$0x18200] =	vst v63  }
0x17e: {  	_ = 	snop  }
0x17f: {  	[tilespmem:s8], [sflag:$0x1] =	stream.indirect_vreg.gather [hbm4b:s2+s3], $0x80, v3, vm0, $0xb8;
	[tilespmem:$0x18200] =	vst v63  }
0x180: {  	_ = 	snop  }
0x181: {  	[tilespmem:s16], [sflag:$0x1] =	stream.indirect_vreg.gather [hbm4b:s5+s3], $0x80, v3, vm1, $0xb8;
	[tilespmem:$0x18200] =	vst v63  }
0x182: {  	v3 =	vld [tilespmem:$0x160];
	_ =	sdelay $0x4  }
0x183: {  	v54 =	vshrl.u32 v3, $0x3  }
0x184: {  	v4 =	vmul.u32 $0x18, v54  }
0x185: {  	v3 =	vand.u32 $0x7, v3  }
0x186: {  	v3 =	vor.u32 v3, v4  }
0x187: {  	v4 =	vperm.xlane v3, v0;
	_ =	sdelay $0x1  }
0x188: {  	v4 =	vadd.s32 v1, v4;
	_ =	sdelay $0x1  }
0x189: {  	v3 =	vperm.xlane v3, v2;
	_ =	sdelay $0x1  }
0x18a: {  	v3 =	vadd.s32 v1, v3  }
0x18b: {  	[tilespmem:s23], [sflag:$0x1] =	stream.indirect_vreg.gather [hbm4b:s2+s3], $0x80, v4, vm0, $0xb8;
	[tilespmem:$0x18200] =	vst v63  }
0x18c: {  	s25 =	simm.s32 $0x9A00  }
0x18d: {  	[tilespmem:s25], [sflag:$0x1] =	stream.indirect_vreg.gather [hbm4b:s5+s3], $0x80, v4, vm1, $0xb8;
	[tilespmem:$0x18200] =	vst v63  }
0x18e: {  	s25 =	simm.s32 $0x9E00  }
0x18f: {  	[tilespmem:s25], [sflag:$0x1] =	stream.indirect_vreg.gather [hbm4b:s2+s3], $0x80, v3, vm0, $0xb8;
	[tilespmem:$0x18200] =	vst v63  }
0x190: {  	s25 =	simm.s32 $0xA600  }
0x191: {  	[tilespmem:s25], [sflag:$0x1] =	stream.indirect_vreg.gather [hbm4b:s5+s3], $0x80, v3, vm1, $0xb8;
	[tilespmem:$0x18200] =	vst v63  }
0x192: {  	v3 =	vld [tilespmem:$0x170];
	_ =	sdelay $0x4  }
0x193: {  	v55 =	vshrl.u32 v3, $0x3  }
0x194: {  	v4 =	vmul.u32 $0x18, v55  }
0x195: {  	v3 =	vand.u32 $0x7, v3  }
0x196: {  	v3 =	vor.u32 v3, v4  }
0x197: {  	v4 =	vperm.xlane v3, v0;
	_ =	sdelay $0x1  }
0x198: {  	v4 =	vadd.s32 v1, v4;
	_ =	sdelay $0x1  }
0x199: {  	v3 =	vperm.xlane v3, v2;
	_ =	sdelay $0x1  }
0x19a: {  	s25 =	simm.s32 $0xAA00;
	v3 =	vadd.s32 v1, v3  }
0x19b: {  	[tilespmem:s25], [sflag:$0x1] =	stream.indirect_vreg.gather [hbm4b:s2+s3], $0x80, v4, vm0, $0xb8;
	[tilespmem:$0x18200] =	vst v63  }
0x19c: {  	s25 =	simm.s32 $0xB200  }
0x19d: {  	[tilespmem:s25], [sflag:$0x1] =	stream.indirect_vreg.gather [hbm4b:s5+s3], $0x80, v4, vm1, $0xb8;
	[tilespmem:$0x18200] =	vst v63  }
0x19e: {  	s25 =	simm.s32 $0xB600  }
0x19f: {  	[tilespmem:s25], [sflag:$0x1] =	stream.indirect_vreg.gather [hbm4b:s2+s3], $0x80, v3, vm0, $0xb8;
	[tilespmem:$0x18200] =	vst v63  }
0x1a0: {  	s25 =	simm.s32 $0xBE00  }
0x1a1: {  	[tilespmem:s25], [sflag:$0x1] =	stream.indirect_vreg.gather [hbm4b:s5+s3], $0x80, v3, vm1, $0xb8;
	[tilespmem:$0x18200] =	vst v63  }
0x1a2: {  	_ =	swait.ge [sflag:s4], $0xC000  }
0x1a3: {  	[sflag:s4] =	ssyncset.done $0x0  }
0x1a4: {  	s1 =	rddreg [dreg:$0x4];
	[sflag:s4] =	ssyncadd.s32 $0xFFFF4000  }
0x1a5: {  	[hbm4b:s1+s3] =	stream.linear.scatter [tilespmem:s0], [sflag:$0x3], $0xC000, $0x38;
	[tilespmem:$0x18200] =	vst v63  }
0x1a6: {  	_ =	swait.ge [sflag:s7], $0xC000  }
0x1a7: {  	[sflag:s7] =	ssyncset.done $0x0  }
0x1a8: {  	[sflag:s7] =	ssyncadd.s32 $0xFFFF4000  }
0x1a9: {  	v3 =	vld [tilespmem:$0x180];
	_ =	sdelay $0x4  }
0x1aa: {  	v56 =	vshrl.u32 v3, $0x3  }
0x1ab: {  	v4 =	vmul.u32 $0x18, v56  }
0x1ac: {  	v3 =	vand.u32 $0x7, v3  }
0x1ad: {  	v3 =	vor.u32 v3, v4  }
0x1ae: {  	v4 =	vperm.xlane v3, v0;
	_ =	sdelay $0x1  }
0x1af: {  	v4 =	vadd.s32 v1, v4;
	_ =	sdelay $0x1  }
0x1b0: {  	v3 =	vperm.xlane v3, v2;
	_ =	sdelay $0x1  }
0x1b1: {  	v3 =	vadd.s32 v1, v3  }
0x1b2: {  	[tilespmem:s0], [sflag:$0x2] =	stream.indirect_vreg.gather [hbm4b:s2+s3], $0x80, v4, vm0, $0xb8;
	[tilespmem:$0x18200] =	vst v63  }
0x1b3: {  	s25 =	simm.s32 $0xCA00  }
0x1b4: {  	[tilespmem:s25], [sflag:$0x2] =	stream.indirect_vreg.gather [hbm4b:s5+s3], $0x80, v4, vm1, $0xb8;
	[tilespmem:$0x18200] =	vst v63  }
0x1b5: {  	s25 =	simm.s32 $0xCE00  }
0x1b6: {  	[tilespmem:s25], [sflag:$0x2] =	stream.indirect_vreg.gather [hbm4b:s2+s3], $0x80, v3, vm0, $0xb8;
	[tilespmem:$0x18200] =	vst v63  }
0x1b7: {  	s25 =	simm.s32 $0xD600  }
0x1b8: {  	[tilespmem:s25], [sflag:$0x2] =	stream.indirect_vreg.gather [hbm4b:s5+s3], $0x80, v3, vm1, $0xb8;
	[tilespmem:$0x18200] =	vst v63  }
0x1b9: {  	v3 =	vld [tilespmem:$0x190];
	_ =	sdelay $0x4  }
0x1ba: {  	v57 =	vshrl.u32 v3, $0x3  }
0x1bb: {  	v4 =	vmul.u32 $0x18, v57  }
0x1bc: {  	v3 =	vand.u32 $0x7, v3  }
0x1bd: {  	v3 =	vor.u32 v3, v4  }
0x1be: {  	v4 =	vperm.xlane v3, v0;
	_ =	sdelay $0x1  }
0x1bf: {  	v4 =	vadd.s32 v1, v4;
	_ =	sdelay $0x1  }
0x1c0: {  	v3 =	vperm.xlane v3, v2;
	_ =	sdelay $0x1  }
0x1c1: {  	s25 =	simm.s32 $0xDA00;
	v3 =	vadd.s32 v1, v3  }
0x1c2: {  	[tilespmem:s25], [sflag:$0x2] =	stream.indirect_vreg.gather [hbm4b:s2+s3], $0x80, v4, vm0, $0xb8;
	[tilespmem:$0x18200] =	vst v63  }
0x1c3: {  	s25 =	simm.s32 $0xE200  }
0x1c4: {  	[tilespmem:s25], [sflag:$0x2] =	stream.indirect_vreg.gather [hbm4b:s5+s3], $0x80, v4, vm1, $0xb8;
	[tilespmem:$0x18200] =	vst v63  }
0x1c5: {  	s25 =	simm.s32 $0xE600  }
0x1c6: {  	[tilespmem:s25], [sflag:$0x2] =	stream.indirect_vreg.gather [hbm4b:s2+s3], $0x80, v3, vm0, $0xb8;
	[tilespmem:$0x18200] =	vst v63  }
0x1c7: {  	s25 =	simm.s32 $0xEE00  }
0x1c8: {  	[tilespmem:s25], [sflag:$0x2] =	stream.indirect_vreg.gather [hbm4b:s5+s3], $0x80, v3, vm1, $0xb8;
	[tilespmem:$0x18200] =	vst v63  }
0x1c9: {  	v3 =	vld [tilespmem:$0x1A0];
	_ =	sdelay $0x4  }
0x1ca: {  	v58 =	vshrl.u32 v3, $0x3  }
0x1cb: {  	v4 =	vmul.u32 $0x18, v58  }
0x1cc: {  	v3 =	vand.u32 $0x7, v3  }
0x1cd: {  	v3 =	vor.u32 v3, v4  }
0x1ce: {  	v4 =	vperm.xlane v3, v0;
	_ =	sdelay $0x1  }
0x1cf: {  	v4 =	vadd.s32 v1, v4;
	_ =	sdelay $0x1  }
0x1d0: {  	v3 =	vperm.xlane v3, v2;
	_ =	sdelay $0x1  }
0x1d1: {  	s25 =	simm.s32 $0xF200;
	v3 =	vadd.s32 v1, v3  }
0x1d2: {  	[tilespmem:s25], [sflag:$0x2] =	stream.indirect_vreg.gather [hbm4b:s2+s3], $0x80, v4, vm0, $0xb8;
	[tilespmem:$0x18200] =	vst v63  }
0x1d3: {  	s25 =	simm.s32 $0xFA00  }
0x1d4: {  	[tilespmem:s25], [sflag:$0x2] =	stream.indirect_vreg.gather [hbm4b:s5+s3], $0x80, v4, vm1, $0xb8;
	[tilespmem:$0x18200] =	vst v63  }
0x1d5: {  	s25 =	simm.s32 $0xFE00  }
0x1d6: {  	[tilespmem:s25], [sflag:$0x2] =	stream.indirect_vreg.gather [hbm4b:s2+s3], $0x80, v3, vm0, $0xb8;
	[tilespmem:$0x18200] =	vst v63  }
0x1d7: {  	s25 =	simm.s32 $0x10600  }
0x1d8: {  	[tilespmem:s25], [sflag:$0x2] =	stream.indirect_vreg.gather [hbm4b:s5+s3], $0x80, v3, vm1, $0xb8;
	[tilespmem:$0x18200] =	vst v63  }
0x1d9: {  	v3 =	vld [tilespmem:$0x1B0];
	_ =	sdelay $0x4  }
0x1da: {  	v59 =	vshrl.u32 v3, $0x3  }
0x1db: {  	v4 =	vmul.u32 $0x18, v59  }
0x1dc: {  	v3 =	vand.u32 $0x7, v3  }
0x1dd: {  	v3 =	vor.u32 v3, v4  }
0x1de: {  	v4 =	vperm.xlane v3, v0;
	_ =	sdelay $0x1  }
0x1df: {  	v4 =	vadd.s32 v1, v4;
	_ =	sdelay $0x1  }
0x1e0: {  	v3 =	vperm.xlane v3, v2;
	_ =	sdelay $0x1  }
0x1e1: {  	s25 =	simm.s32 $0x10A00;
	v3 =	vadd.s32 v1, v3  }
0x1e2: {  	[tilespmem:s25], [sflag:$0x2] =	stream.indirect_vreg.gather [hbm4b:s2+s3], $0x80, v4, vm0, $0xb8;
	[tilespmem:$0x18200] =	vst v63  }
0x1e3: {  	s25 =	simm.s32 $0x11200  }
0x1e4: {  	[tilespmem:s25], [sflag:$0x2] =	stream.indirect_vreg.gather [hbm4b:s5+s3], $0x80, v4, vm1, $0xb8;
	[tilespmem:$0x18200] =	vst v63  }
0x1e5: {  	s25 =	simm.s32 $0x11600  }
0x1e6: {  	[tilespmem:s25], [sflag:$0x2] =	stream.indirect_vreg.gather [hbm4b:s2+s3], $0x80, v3, vm0, $0xb8;
	[tilespmem:$0x18200] =	vst v63  }
0x1e7: {  	s25 =	simm.s32 $0x11E00  }
0x1e8: {  	[tilespmem:s25], [sflag:$0x2] =	stream.indirect_vreg.gather [hbm4b:s5+s3], $0x80, v3, vm1, $0xb8;
	[tilespmem:$0x18200] =	vst v63  }
0x1e9: {  	v3 =	vld [tilespmem:$0x1C0];
	_ =	sdelay $0x4  }
0x1ea: {  	v60 =	vshrl.u32 v3, $0x3  }
0x1eb: {  	v4 =	vmul.u32 $0x18, v60  }
0x1ec: {  	v3 =	vand.u32 $0x7, v3  }
0x1ed: {  	v3 =	vor.u32 v3, v4  }
0x1ee: {  	v4 =	vperm.xlane v3, v0;
	_ =	sdelay $0x1  }
0x1ef: {  	v4 =	vadd.s32 v1, v4;
	_ =	sdelay $0x1  }
0x1f0: {  	v3 =	vperm.xlane v3, v2;
	_ =	sdelay $0x1  }
0x1f1: {  	s25 =	simm.s32 $0x12200;
	v3 =	vadd.s32 v1, v3  }
0x1f2: {  	[tilespmem:s25], [sflag:$0x2] =	stream.indirect_vreg.gather [hbm4b:s2+s3], $0x80, v4, vm0, $0xb8;
	[tilespmem:$0x18200] =	vst v63  }
0x1f3: {  	s25 =	simm.s32 $0x12A00  }
0x1f4: {  	[tilespmem:s25], [sflag:$0x2] =	stream.indirect_vreg.gather [hbm4b:s5+s3], $0x80, v4, vm1, $0xb8;
	[tilespmem:$0x18200] =	vst v63  }
0x1f5: {  	s25 =	simm.s32 $0x12E00  }
0x1f6: {  	[tilespmem:s25], [sflag:$0x2] =	stream.indirect_vreg.gather [hbm4b:s2+s3], $0x80, v3, vm0, $0xb8;
	[tilespmem:$0x18200] =	vst v63  }
0x1f7: {  	s25 =	simm.s32 $0x13600  }
0x1f8: {  	[tilespmem:s25], [sflag:$0x2] =	stream.indirect_vreg.gather [hbm4b:s5+s3], $0x80, v3, vm1, $0xb8;
	[tilespmem:$0x18200] =	vst v63  }
0x1f9: {  	v3 =	vld [tilespmem:$0x1D0];
	_ =	sdelay $0x4  }
0x1fa: {  	v61 =	vshrl.u32 v3, $0x3  }
0x1fb: {  	v4 =	vmul.u32 $0x18, v61  }
0x1fc: {  	v3 =	vand.u32 $0x7, v3  }
0x1fd: {  	v3 =	vor.u32 v3, v4  }
0x1fe: {  	v4 =	vperm.xlane v3, v0;
	_ =	sdelay $0x1  }
0x1ff: {  	v4 =	vadd.s32 v1, v4;
	_ =	sdelay $0x1  }
0x200: {  	v3 =	vperm.xlane v3, v2;
	_ =	sdelay $0x1  }
0x201: {  	s25 =	simm.s32 $0x13A00;
	v3 =	vadd.s32 v1, v3  }
0x202: {  	[tilespmem:s25], [sflag:$0x2] =	stream.indirect_vreg.gather [hbm4b:s2+s3], $0x80, v4, vm0, $0xb8;
	[tilespmem:$0x18200] =	vst v63  }
0x203: {  	s25 =	simm.s32 $0x14200  }
0x204: {  	[tilespmem:s25], [sflag:$0x2] =	stream.indirect_vreg.gather [hbm4b:s5+s3], $0x80, v4, vm1, $0xb8;
	[tilespmem:$0x18200] =	vst v63  }
0x205: {  	s25 =	simm.s32 $0x14600  }
0x206: {  	[tilespmem:s25], [sflag:$0x2] =	stream.indirect_vreg.gather [hbm4b:s2+s3], $0x80, v3, vm0, $0xb8;
	[tilespmem:$0x18200] =	vst v63  }
0x207: {  	s25 =	simm.s32 $0x14E00  }
0x208: {  	[tilespmem:s25], [sflag:$0x2] =	stream.indirect_vreg.gather [hbm4b:s5+s3], $0x80, v3, vm1, $0xb8;
	[tilespmem:$0x18200] =	vst v63  }
0x209: {  	v3 =	vld [tilespmem:$0x1E0];
	_ =	sdelay $0x4  }
0x20a: {  	v62 =	vshrl.u32 v3, $0x3  }
0x20b: {  	v4 =	vmul.u32 $0x18, v62  }
0x20c: {  	v3 =	vand.u32 $0x7, v3  }
0x20d: {  	v3 =	vor.u32 v3, v4  }
0x20e: {  	v4 =	vperm.xlane v3, v0;
	_ =	sdelay $0x1  }
0x20f: {  	v4 =	vadd.s32 v1, v4;
	_ =	sdelay $0x1  }
0x210: {  	v3 =	vperm.xlane v3, v2;
	_ =	sdelay $0x1  }
0x211: {  	s25 =	simm.s32 $0x15200;
	v3 =	vadd.s32 v1, v3  }
0x212: {  	[tilespmem:s25], [sflag:$0x2] =	stream.indirect_vreg.gather [hbm4b:s2+s3], $0x80, v4, vm0, $0xb8;
	[tilespmem:$0x18200] =	vst v63  }
0x213: {  	s25 =	simm.s32 $0x15A00  }
0x214: {  	[tilespmem:s25], [sflag:$0x2] =	stream.indirect_vreg.gather [hbm4b:s5+s3], $0x80, v4, vm1, $0xb8;
	[tilespmem:$0x18200] =	vst v63  }
0x215: {  	s25 =	simm.s32 $0x15E00  }
0x216: {  	[tilespmem:s25], [sflag:$0x2] =	stream.indirect_vreg.gather [hbm4b:s2+s3], $0x80, v3, vm0, $0xb8;
	[tilespmem:$0x18200] =	vst v63  }
0x217: {  	s25 =	simm.s32 $0x16600  }
0x218: {  	[tilespmem:s25], [sflag:$0x2] =	stream.indirect_vreg.gather [hbm4b:s5+s3], $0x80, v3, vm1, $0xb8;
	[tilespmem:$0x18200] =	vst v63  }
0x219: {  	v3 =	vld [tilespmem:$0x1F0];
	_ =	sdelay $0x4  }
0x21a: {  	v63 =	vshrl.u32 v3, $0x3  }
0x21b: {  	v4 =	vmul.u32 $0x18, v63  }
0x21c: {  	v3 =	vand.u32 $0x7, v3  }
0x21d: {  	v3 =	vor.u32 v3, v4  }
0x21e: {  	v4 =	vperm.xlane v3, v0;
	_ =	sdelay $0x1  }
0x21f: {  	v4 =	vadd.s32 v1, v4;
	_ =	sdelay $0x1  }
0x220: {  	v3 =	vperm.xlane v3, v2;
	_ =	sdelay $0x1  }
0x221: {  	s25 =	simm.s32 $0x16A00;
	v3 =	vadd.s32 v1, v3  }
0x222: {  	[tilespmem:s25], [sflag:$0x2] =	stream.indirect_vreg.gather [hbm4b:s2+s3], $0x80, v4, vm0, $0xb8;
	[tilespmem:$0x18200] =	vst v63  }
0x223: {  	s25 =	simm.s32 $0x17200  }
0x224: {  	[tilespmem:s25], [sflag:$0x2] =	stream.indirect_vreg.gather [hbm4b:s5+s3], $0x80, v4, vm1, $0xb8;
	[tilespmem:$0x18200] =	vst v63  }
0x225: {  	s25 =	simm.s32 $0x17600  }
0x226: {  	[tilespmem:s25], [sflag:$0x2] =	stream.indirect_vreg.gather [hbm4b:s2+s3], $0x80, v3, vm0, $0xb8;
	[tilespmem:$0x18200] =	vst v63  }
0x227: {  	s25 =	simm.s32 $0x17E00  }
0x228: {  	[tilespmem:s25], [sflag:$0x2] =	stream.indirect_vreg.gather [hbm4b:s5+s3], $0x80, v3, vm1, $0xb8;
	[tilespmem:$0x18200] =	vst v63  }
0x229: {  	_ =	swait.ge [sflag:s24], $0xC000  }
0x22a: {  	[sflag:s24] =	ssyncset.done $0x0  }
0x22b: {  	s1 =	simm.s32 $0x200;
	s25 =	rddreg [dreg:$0x5];
	[sflag:s24] =	ssyncadd.s32 $0xFFFF4000  }
0x22c: {  	[hbm4b:s25+s3] =	stream.linear.scatter [tilespmem:s1], [sflag:$0x3], $0xC000, $0x38;
	[tilespmem:$0x18200] =	vst v63  }
0x22d: {  	_ =	swait.ge [sflag:s7], $0xC000  }
0x22e: {  	[sflag:s7] =	ssyncset.done $0x0  }
0x22f: {  	[sflag:s7] =	ssyncadd.s32 $0xFFFF4000  }
0x230: {  	_ =	swait.ge [sflag:s4], $0xC000  }
0x231: {  	p0 =	sne.s32 s6, $0x1;
	[sflag:s4] =	ssyncset.done $0x0  }
.Ltmp0:
0x232: {  	s1 =	rddreg [dreg:$0x6];
	[sflag:s4] =	ssyncadd.s32 $0xFFFF4000;
	(pc) =	sbr.rel @p0 .LBB2_1-.Ltmp0, $4  }
0x233: {  	[hbm4b:s1+s3] =	stream.linear.scatter [tilespmem:s0], [sflag:$0x3], $0xC000, $0x38;
	[tilespmem:$0x18200] =	vst v63  }
0x234: {  	_ =	swait.ge [sflag:s7], $0xC000  }
0x235: {  	[sflag:s7] =	ssyncset.done $0x0  }
0x236: {  	s6 =	sadd.s32 $0xFFFFFFFF, s6;
	[sflag:s7] =	ssyncadd.s32 $0xFFFF4000  }
0x237: {  	_ =	sfence.sel $0x180000  }
0x238: {  	[bflag:$0x0] =	sbarrier.arrive $0xFFFF  }
0x239: {  	_ =	strace $0x9000004D  }
0x23a: {  	s0 =	stileid.u32;
	[bflag:$0x2] =	sbarrier.arrive $0xFFFF  }
0x23b: {  	p0 =	sne.s32 s0, $0x0;
	s0 =	rddreg [dreg:$0x2]  }
0x23c: {  	s0 =	sadd.s32 @!p0 $0x100000, s0  }
0x23d: {  	[sflag:s0] =	ssyncadd.tile.s32 @!p0 $0x1;
	_ =	shalt  }
.Lfunc_end2:
_tile_overlayer_lowered:
.L_overlay_start_2:
0x23e: {  	(tag) =	ssettag $0x2  }
0x23f: {  	s0 =	rddreg [dreg:$0x0];
	s2 =	stileid.u32  }
0x240: {  	s1 =	rddreg [dreg:$0x1];
	p0 =	sne.s32 s2, $0x0  }
0x241: {  	s3 =	rddreg [dreg:$0x2];
	[bflag:$0x3] =	sbarrier.arrive $0xFFFF;
	s2 =	simm.s32 @!p0 $0x1C03  }
0x242: {  	[timem:s3], [sflag:s2] =	dma.local @!p0 [hbm:s0], s1  }
0x243: {  	s0 =	simm.s32 @!p0 $0x3  }
0x244: {  	_ =	swait.ge @!p0 [sflag:s0], s1  }
0x245: {  	s1 =	ssub.s32 @!p0 $0x0, s1;
	[sflag:s0] =	ssyncset.done @!p0 $0x0  }
0x246: {  	[sflag:s0] =	ssyncadd.s32 @!p0 s1  }
0x247: {  	[bflag:$0x3] =	sbarrier.arrive $0xFFFF  }
0x248: {  	_ =	shalt  }

</sc_bundles>
